<compile_context>
chip_gen: v7x
topology: tpu7x:2x2x1
jax: 0.10.2.dev20260603
libtpu: 0.0.44.dev20260713+nightly
codegen_flags: <defaults>
</compile_context>

<pallas_src>
import functools

import jax
import jax.numpy as jnp
from jax import lax
from jax.experimental import pallas as pl
from jax.experimental.pallas import tpu as pltpu
from jax.experimental.pallas import tpu_sc as plsc

_BATCH = 16384
_D = 128
_NW = 32
_BPW = _BATCH // _NW
_CHUNK = 128
_NCH = _BPW // _CHUNK
_NRB = 3


def _sc_add_gather(x, ind2, mapping, weight):
    mesh = plsc.VectorSubcoreMesh(core_axis_name="c", subcore_axis_name="s")

    @functools.partial(
        pl.kernel,
        mesh=mesh,
        out_type=jax.ShapeDtypeStruct((_BATCH, _D), jnp.float32),
        scratch_types=[
            pltpu.VMEM((_BPW,), jnp.int32),
            pltpu.VMEM((_NCH, _CHUNK), jnp.int32),
            pltpu.VMEM((_NRB, _CHUNK, _D), jnp.float32),
            pltpu.VMEM((_BPW, _D), jnp.float32),
        ]
        + [pltpu.SemaphoreType.DMA] * _NCH
        + [pltpu.SemaphoreType.DMA] * _NRB
        + [pltpu.SemaphoreType.DMA]
        + [pltpu.SemaphoreType.DMA]
        + [pltpu.SemaphoreType.DMA],
    )
    def k(x_hbm, ind_hbm, map_hbm, w_hbm, out_hbm, idx_v, cid_v, rows_v, xb_v,
          *sems):
        csem = sems[0:_NCH]
        gsem = sems[_NCH:_NCH + _NRB]
        xsem = sems[_NCH + _NRB]
        osem = sems[_NCH + _NRB + 1]
        isem = sems[_NCH + _NRB + 2]
        wid = lax.axis_index("s") * 2 + lax.axis_index("c")
        base = wid * _BPW
        ind_cp = pltpu.async_copy(ind_hbm.at[pl.ds(base, _BPW)], idx_v, isem)
        x_cp = pltpu.async_copy(x_hbm.at[pl.ds(base, _BPW)], xb_v, xsem)
        ind_cp.wait()
        cid_cps = [
            pltpu.async_copy(
                map_hbm.at[idx_v.at[pl.ds(j * _CHUNK, _CHUNK)]],
                cid_v.at[j], csem[j])
            for j in range(_NCH)
        ]

        g_cps = [None] * _NCH

        def fire_rows(j):
            cid_cps[j].wait()
            g_cps[j] = pltpu.async_copy(
                w_hbm.at[cid_v.at[j]], rows_v.at[j % _NRB], gsem[j % _NRB])

        for j in range(_NRB):
            fire_rows(j)

        out_cps = []
        x_cp.wait()
        for j in range(_NCH):
            rb = j % _NRB
            g_cps[j].wait()

            def body(r2, carry):
                for dr in range(2):
                    r = r2 * 2 + dr
                    for gi in range(_D // 16):
                        s = pl.ds(gi * 16, 16)
                        xb_v[j * _CHUNK + r, s] = (
                            xb_v[j * _CHUNK + r, s] + rows_v[rb, r, s])
                return carry

            if j < _NCH - 1:
                lax.fori_loop(0, _CHUNK // 2, body, 0)
                if j + _NRB < _NCH:
                    fire_rows(j + _NRB)
                out_cps.append(pltpu.async_copy(
                    xb_v.at[pl.ds(j * _CHUNK, _CHUNK)],
                    out_hbm.at[pl.ds(base + j * _CHUNK, _CHUNK)], osem))
            else:
                half = _CHUNK // 2
                lax.fori_loop(0, half // 2, body, 0)
                out_cps.append(pltpu.async_copy(
                    xb_v.at[pl.ds(j * _CHUNK, half)],
                    out_hbm.at[pl.ds(base + j * _CHUNK, half)], osem))
                lax.fori_loop(half // 2, _CHUNK // 2, body, 0)
                out_cps.append(pltpu.async_copy(
                    xb_v.at[pl.ds(j * _CHUNK + half, half)],
                    out_hbm.at[pl.ds(base + j * _CHUNK + half, half)], osem))
        for cp in out_cps:
            cp.wait()

    return k(x, ind2, mapping, weight)


def kernel(x, ind, mapping, weight):
    return _sc_add_gather(x, ind.astype(jnp.int32), mapping.astype(jnp.int32), weight)

# --- scband reference (transcript-rebuilt; emitter-appended) ---
"""Pipeline reference for scband-aux-layer-80135499809231 (READ-ONLY COPY).

The authoritative reference and input builder live on the scoring server;
editing this copy changes nothing except your own understanding.
"""

import jax, jax.numpy as jnp
import numpy as np
import math

BATCH = 16384
D = 128
OUT_SIZE = 65536
VOCAB = 1000000

def setup_inputs(seed: int = 0) -> dict:
    key = jax.random.key(seed)
    k1, k2, k3, k4 = jax.random.split(key, 4)
    x = jax.random.normal(k1, (BATCH, D), dtype=jnp.float32)
    ind = jax.random.randint(k2, (BATCH,), 0, VOCAB, dtype=jnp.int64 if jax.config.jax_enable_x64 else jnp.int32)
    # mapping buffer: maps original label ids -> aux cluster ids (randomized stand-in for kmeans result)
    mapping = jax.random.randint(k3, (VOCAB,), 0, OUT_SIZE, dtype=jnp.int64 if jax.config.jax_enable_x64 else jnp.int32)
    # xavier_uniform init for weight [OUT_SIZE, D]: fan_in=D (dim 1), fan_out=OUT_SIZE (dim 0)
    bound = math.sqrt(6.0 / (OUT_SIZE + D))
    weight = jax.random.uniform(k4, (OUT_SIZE, D), minval=-bound, maxval=bound, dtype=jnp.float32)
    return {"x": x, "ind": ind, "mapping": mapping, "weight": weight}

def reference(x, ind, mapping, weight):
    # AuxLayer.forward(x) -> encode(x, ind) -> x + weight[mapping[ind]].squeeze()
    cluster_ids = jnp.take(mapping, ind, axis=0)
    aux = jnp.take(weight, cluster_ids, axis=0)
    return x + jnp.squeeze(aux)

if __name__ == "__main__":
    import jax
    _d = setup_inputs()
    print(jax.jit(kernel)(*tuple(_d.values())))

</pallas_src>

<mosaic_0001>
#map = affine_map<(d0, d1) -> (0, 0)>
#map1 = affine_map<(d0, d1) -> (0)>
module attributes {stable_mosaic.version = 14 : i64} {
  func.func @k(%arg0: i32, %arg1: i32, %arg2: memref<16384x128xf32, #tpu.memory_space<hbm>>, %arg3: memref<16384xi32, #tpu.memory_space<hbm>>, %arg4: memref<1000000xi32, #tpu.memory_space<hbm>>, %arg5: memref<65536x128xf32, #tpu.memory_space<hbm>>, %arg6: memref<16384x128xf32, #tpu.memory_space<hbm>>, %arg7: memref<512xi32, #tpu.memory_space<vmem>>, %arg8: memref<4x128xi32, #tpu.memory_space<vmem>>, %arg9: memref<3x128x128xf32, #tpu.memory_space<vmem>>, %arg10: memref<512x128xf32, #tpu.memory_space<vmem>>, %arg11: memref<!tpu.dma_semaphore, #tpu.memory_space<semaphore_mem>>, %arg12: memref<!tpu.dma_semaphore, #tpu.memory_space<semaphore_mem>>, %arg13: memref<!tpu.dma_semaphore, #tpu.memory_space<semaphore_mem>>, %arg14: memref<!tpu.dma_semaphore, #tpu.memory_space<semaphore_mem>>, %arg15: memref<!tpu.dma_semaphore, #tpu.memory_space<semaphore_mem>>, %arg16: memref<!tpu.dma_semaphore, #tpu.memory_space<semaphore_mem>>, %arg17: memref<!tpu.dma_semaphore, #tpu.memory_space<semaphore_mem>>, %arg18: memref<!tpu.dma_semaphore, #tpu.memory_space<semaphore_mem>>, %arg19: memref<!tpu.dma_semaphore, #tpu.memory_space<semaphore_mem>>, %arg20: memref<!tpu.dma_semaphore, #tpu.memory_space<semaphore_mem>>) attributes {dimension_semantics = [#tpu.dimension_semantics<core_parallel>, #tpu.dimension_semantics<subcore_parallel>], iteration_bounds = array<i64: 2, 16>, scalar_prefetch = 0 : i64, scratch_operands = 14 : i64, tpu.core_type = #tpu.core_type<sc_vector_subcore>, window_params = [{transform_indices = #map}, {transform_indices = #map1}, {transform_indices = #map1}, {transform_indices = #map}, {transform_indices = #map}]} {
    %mul3A = arith.constant 2 : i32
    %mul3A_0 = arith.muli %arg1, %mul3A : i32
    %add3A = arith.addi %mul3A_0, %arg0 : i32
    %mul3A_1 = arith.constant 512 : i32
    %mul3A_2 = arith.muli %add3A, %mul3A_1 : i32
    %dma_start3A = tpu.memref_slice %arg3[%mul3A_2] : memref<16384xi32, #tpu.memory_space<hbm>> -> memref<512xi32, #tpu.memory_space<hbm>>
    %dma_start3A_3 = tpu.memref_slice %arg3[%mul3A_2] : memref<16384xi32, #tpu.memory_space<hbm>> -> memref<512xi32, #tpu.memory_space<hbm>>
    tpu.enqueue_dma source(%dma_start3A_3 : memref<512xi32, #tpu.memory_space<hbm>>) target(%arg7 : memref<512xi32, #tpu.memory_space<vmem>>) target_semaphore(%arg20 : memref<!tpu.dma_semaphore, #tpu.memory_space<semaphore_mem>>)
    %dma_start3A_4 = arith.constant 0 : i32
    %dma_start3A_5 = tpu.memref_slice %arg2[%mul3A_2, %dma_start3A_4] : memref<16384x128xf32, #tpu.memory_space<hbm>> -> memref<512x128xf32, #tpu.memory_space<hbm>>
    %dma_start3A_6 = arith.constant 0 : i32
    %dma_start3A_7 = tpu.memref_slice %arg2[%mul3A_2, %dma_start3A_6] : memref<16384x128xf32, #tpu.memory_space<hbm>> -> memref<512x128xf32, #tpu.memory_space<hbm>>
    tpu.enqueue_dma source(%dma_start3A_7 : memref<512x128xf32, #tpu.memory_space<hbm>>) target(%arg10 : memref<512x128xf32, #tpu.memory_space<vmem>>) target_semaphore(%arg18 : memref<!tpu.dma_semaphore, #tpu.memory_space<semaphore_mem>>)
    %dma_wait3A = tpu.memref_slice %arg3[%mul3A_2] : memref<16384xi32, #tpu.memory_space<hbm>> -> memref<512xi32, #tpu.memory_space<hbm>>
    %dma_wait3A_8 = tpu.memref_slice %arg3[%mul3A_2] : memref<16384xi32, #tpu.memory_space<hbm>> -> memref<512xi32, #tpu.memory_space<hbm>>
    tpu.wait_dma2 semaphore(%arg20 : memref<!tpu.dma_semaphore, #tpu.memory_space<semaphore_mem>>) src(%dma_wait3A_8 : memref<512xi32, #tpu.memory_space<hbm>>) dst(%arg7 : memref<512xi32, #tpu.memory_space<vmem>>)
    %dma_start3A_9 = arith.constant 0 : i32
    %dma_start3A_10 = arith.constant 0 : i32
    %dma_start3A_11 = tpu.memref_slice %arg8[%dma_start3A_9, %dma_start3A_10] : memref<4x128xi32, #tpu.memory_space<vmem>> -> memref<1x128xi32, #tpu.memory_space<vmem>>
    %dma_start3A_12 = tpu.memref_squeeze %dma_start3A_11 : memref<1x128xi32, #tpu.memory_space<vmem>> -> memref<128xi32, #tpu.memory_space<vmem>>
    %dma_start3A_13 = arith.constant 0 : i32
    %dma_start3A_14 = tpu.memref_slice %arg7[%dma_start3A_13] : memref<512xi32, #tpu.memory_space<vmem>> -> memref<128xi32, #tpu.memory_space<vmem>>
    %dma_start3A_15 = arith.constant 0 : i32
    %dma_start3A_16 = tpu.memref_slice %arg4[%dma_start3A_15] : memref<1000000xi32, #tpu.memory_space<hbm>> -> memref<1000000xi32, #tpu.memory_space<hbm>>
    tpu.enqueue_indirect_dma source(%dma_start3A_16 : memref<1000000xi32, #tpu.memory_space<hbm>>) target(%dma_start3A_12 : memref<128xi32, #tpu.memory_space<vmem>>) offsets(%dma_start3A_14 : memref<128xi32, #tpu.memory_space<vmem>>) semaphore(%arg11 : memref<!tpu.dma_semaphore, #tpu.memory_space<semaphore_mem>>)
    %dma_start3A_17 = arith.constant 1 : i32
    %dma_start3A_18 = arith.constant 0 : i32
    %dma_start3A_19 = tpu.memref_slice %arg8[%dma_start3A_17, %dma_start3A_18] : memref<4x128xi32, #tpu.memory_space<vmem>> -> memref<1x128xi32, #tpu.memory_space<vmem>>
    %dma_start3A_20 = tpu.memref_squeeze %dma_start3A_19 : memref<1x128xi32, #tpu.memory_space<vmem>> -> memref<128xi32, #tpu.memory_space<vmem>>
    %dma_start3A_21 = arith.constant 128 : i32
    %dma_start3A_22 = tpu.memref_slice %arg7[%dma_start3A_21] : memref<512xi32, #tpu.memory_space<vmem>> -> memref<128xi32, #tpu.memory_space<vmem>>
    %dma_start3A_23 = arith.constant 0 : i32
    %dma_start3A_24 = tpu.memref_slice %arg4[%dma_start3A_23] : memref<1000000xi32, #tpu.memory_space<hbm>> -> memref<1000000xi32, #tpu.memory_space<hbm>>
    tpu.enqueue_indirect_dma source(%dma_start3A_24 : memref<1000000xi32, #tpu.memory_space<hbm>>) target(%dma_start3A_20 : memref<128xi32, #tpu.memory_space<vmem>>) offsets(%dma_start3A_22 : memref<128xi32, #tpu.memory_space<vmem>>) semaphore(%arg12 : memref<!tpu.dma_semaphore, #tpu.memory_space<semaphore_mem>>)
    %dma_start3A_25 = arith.constant 2 : i32
    %dma_start3A_26 = arith.constant 0 : i32
    %dma_start3A_27 = tpu.memref_slice %arg8[%dma_start3A_25, %dma_start3A_26] : memref<4x128xi32, #tpu.memory_space<vmem>> -> memref<1x128xi32, #tpu.memory_space<vmem>>
    %dma_start3A_28 = tpu.memref_squeeze %dma_start3A_27 : memref<1x128xi32, #tpu.memory_space<vmem>> -> memref<128xi32, #tpu.memory_space<vmem>>
    %dma_start3A_29 = arith.constant 256 : i32
    %dma_start3A_30 = tpu.memref_slice %arg7[%dma_start3A_29] : memref<512xi32, #tpu.memory_space<vmem>> -> memref<128xi32, #tpu.memory_space<vmem>>
    %dma_start3A_31 = arith.constant 0 : i32
    %dma_start3A_32 = tpu.memref_slice %arg4[%dma_start3A_31] : memref<1000000xi32, #tpu.memory_space<hbm>> -> memref<1000000xi32, #tpu.memory_space<hbm>>
    tpu.enqueue_indirect_dma source(%dma_start3A_32 : memref<1000000xi32, #tpu.memory_space<hbm>>) target(%dma_start3A_28 : memref<128xi32, #tpu.memory_space<vmem>>) offsets(%dma_start3A_30 : memref<128xi32, #tpu.memory_space<vmem>>) semaphore(%arg13 : memref<!tpu.dma_semaphore, #tpu.memory_space<semaphore_mem>>)
    %dma_start3A_33 = arith.constant 3 : i32
    %dma_start3A_34 = arith.constant 0 : i32
    %dma_start3A_35 = tpu.memref_slice %arg8[%dma_start3A_33, %dma_start3A_34] : memref<4x128xi32, #tpu.memory_space<vmem>> -> memref<1x128xi32, #tpu.memory_space<vmem>>
    %dma_start3A_36 = tpu.memref_squeeze %dma_start3A_35 : memref<1x128xi32, #tpu.memory_space<vmem>> -> memref<128xi32, #tpu.memory_space<vmem>>
    %dma_start3A_37 = arith.constant 384 : i32
    %dma_start3A_38 = tpu.memref_slice %arg7[%dma_start3A_37] : memref<512xi32, #tpu.memory_space<vmem>> -> memref<128xi32, #tpu.memory_space<vmem>>
    %dma_start3A_39 = arith.constant 0 : i32
    %dma_start3A_40 = tpu.memref_slice %arg4[%dma_start3A_39] : memref<1000000xi32, #tpu.memory_space<hbm>> -> memref<1000000xi32, #tpu.memory_space<hbm>>
    tpu.enqueue_indirect_dma source(%dma_start3A_40 : memref<1000000xi32, #tpu.memory_space<hbm>>) target(%dma_start3A_36 : memref<128xi32, #tpu.memory_space<vmem>>) offsets(%dma_start3A_38 : memref<128xi32, #tpu.memory_space<vmem>>) semaphore(%arg14 : memref<!tpu.dma_semaphore, #tpu.memory_space<semaphore_mem>>)
    %dma_wait3A_41 = arith.constant 0 : i32
    %dma_wait3A_42 = arith.constant 0 : i32
    %dma_wait3A_43 = tpu.memref_slice %arg8[%dma_wait3A_41, %dma_wait3A_42] : memref<4x128xi32, #tpu.memory_space<vmem>> -> memref<1x128xi32, #tpu.memory_space<vmem>>
    %dma_wait3A_44 = tpu.memref_squeeze %dma_wait3A_43 : memref<1x128xi32, #tpu.memory_space<vmem>> -> memref<128xi32, #tpu.memory_space<vmem>>
    %dma_wait3A_45 = arith.constant 0 : i32
    %dma_wait3A_46 = tpu.memref_slice %arg7[%dma_wait3A_45] : memref<512xi32, #tpu.memory_space<vmem>> -> memref<128xi32, #tpu.memory_space<vmem>>
    %dma_wait3A_47 = arith.constant 0 : i32
    %dma_wait3A_48 = tpu.memref_slice %arg4[%dma_wait3A_47] : memref<1000000xi32, #tpu.memory_space<hbm>> -> memref<1000000xi32, #tpu.memory_space<hbm>>
    tpu.wait_indirect_dma semaphore(%arg11 : memref<!tpu.dma_semaphore, #tpu.memory_space<semaphore_mem>>) src(%dma_wait3A_48 : memref<1000000xi32, #tpu.memory_space<hbm>>) dst(%dma_wait3A_44 : memref<128xi32, #tpu.memory_space<vmem>>)
    %dma_start3A_49 = arith.constant 0 : i32
    %dma_start3A_50 = arith.constant 0 : i32
    %dma_start3A_51 = arith.constant 0 : i32
    %dma_start3A_52 = arith.constant 0 : i32
    %dma_start3A_53 = tpu.memref_slice %arg9[%dma_start3A_50, %dma_start3A_51, %dma_start3A_52] : memref<3x128x128xf32, #tpu.memory_space<vmem>> -> memref<1x128x128xf32, #tpu.memory_space<vmem>>
    %dma_start3A_54 = tpu.memref_squeeze %dma_start3A_53 : memref<1x128x128xf32, #tpu.memory_space<vmem>> -> memref<128x128xf32, #tpu.memory_space<vmem>>
    %dma_start3A_55 = arith.constant 0 : i32
    %dma_start3A_56 = tpu.memref_slice %arg8[%dma_start3A_49, %dma_start3A_55] : memref<4x128xi32, #tpu.memory_space<vmem>> -> memref<1x128xi32, #tpu.memory_space<vmem>>
    %dma_start3A_57 = tpu.memref_squeeze %dma_start3A_56 : memref<1x128xi32, #tpu.memory_space<vmem>> -> memref<128xi32, #tpu.memory_space<vmem>>
    %dma_start3A_58 = arith.constant 0 : i32
    %dma_start3A_59 = arith.constant 0 : i32
    %dma_start3A_60 = tpu.memref_slice %arg5[%dma_start3A_58, %dma_start3A_59] : memref<65536x128xf32, #tpu.memory_space<hbm>> -> memref<65536x128xf32, #tpu.memory_space<hbm>>
    tpu.enqueue_indirect_dma source(%dma_start3A_60 : memref<65536x128xf32, #tpu.memory_space<hbm>>) target(%dma_start3A_54 : memref<128x128xf32, #tpu.memory_space<vmem>>) offsets(%dma_start3A_57 : memref<128xi32, #tpu.memory_space<vmem>>) semaphore(%arg15 : memref<!tpu.dma_semaphore, #tpu.memory_space<semaphore_mem>>)
    %dma_wait3A_61 = arith.constant 1 : i32
    %dma_wait3A_62 = arith.constant 0 : i32
    %dma_wait3A_63 = tpu.memref_slice %arg8[%dma_wait3A_61, %dma_wait3A_62] : memref<4x128xi32, #tpu.memory_space<vmem>> -> memref<1x128xi32, #tpu.memory_space<vmem>>
    %dma_wait3A_64 = tpu.memref_squeeze %dma_wait3A_63 : memref<1x128xi32, #tpu.memory_space<vmem>> -> memref<128xi32, #tpu.memory_space<vmem>>
    %dma_wait3A_65 = arith.constant 128 : i32
    %dma_wait3A_66 = tpu.memref_slice %arg7[%dma_wait3A_65] : memref<512xi32, #tpu.memory_space<vmem>> -> memref<128xi32, #tpu.memory_space<vmem>>
    %dma_wait3A_67 = arith.constant 0 : i32
    %dma_wait3A_68 = tpu.memref_slice %arg4[%dma_wait3A_67] : memref<1000000xi32, #tpu.memory_space<hbm>> -> memref<1000000xi32, #tpu.memory_space<hbm>>
    tpu.wait_indirect_dma semaphore(%arg12 : memref<!tpu.dma_semaphore, #tpu.memory_space<semaphore_mem>>) src(%dma_wait3A_68 : memref<1000000xi32, #tpu.memory_space<hbm>>) dst(%dma_wait3A_64 : memref<128xi32, #tpu.memory_space<vmem>>)
    %dma_start3A_69 = arith.constant 1 : i32
    %dma_start3A_70 = arith.constant 1 : i32
    %dma_start3A_71 = arith.constant 0 : i32
    %dma_start3A_72 = arith.constant 0 : i32
    %dma_start3A_73 = tpu.memref_slice %arg9[%dma_start3A_70, %dma_start3A_71, %dma_start3A_72] : memref<3x128x128xf32, #tpu.memory_space<vmem>> -> memref<1x128x128xf32, #tpu.memory_space<vmem>>
    %dma_start3A_74 = tpu.memref_squeeze %dma_start3A_73 : memref<1x128x128xf32, #tpu.memory_space<vmem>> -> memref<128x128xf32, #tpu.memory_space<vmem>>
    %dma_start3A_75 = arith.constant 0 : i32
    %dma_start3A_76 = tpu.memref_slice %arg8[%dma_start3A_69, %dma_start3A_75] : memref<4x128xi32, #tpu.memory_space<vmem>> -> memref<1x128xi32, #tpu.memory_space<vmem>>
    %dma_start3A_77 = tpu.memref_squeeze %dma_start3A_76 : memref<1x128xi32, #tpu.memory_space<vmem>> -> memref<128xi32, #tpu.memory_space<vmem>>
    %dma_start3A_78 = arith.constant 0 : i32
    %dma_start3A_79 = arith.constant 0 : i32
    %dma_start3A_80 = tpu.memref_slice %arg5[%dma_start3A_78, %dma_start3A_79] : memref<65536x128xf32, #tpu.memory_space<hbm>> -> memref<65536x128xf32, #tpu.memory_space<hbm>>
    tpu.enqueue_indirect_dma source(%dma_start3A_80 : memref<65536x128xf32, #tpu.memory_space<hbm>>) target(%dma_start3A_74 : memref<128x128xf32, #tpu.memory_space<vmem>>) offsets(%dma_start3A_77 : memref<128xi32, #tpu.memory_space<vmem>>) semaphore(%arg16 : memref<!tpu.dma_semaphore, #tpu.memory_space<semaphore_mem>>)
    %dma_wait3A_81 = arith.constant 2 : i32
    %dma_wait3A_82 = arith.constant 0 : i32
    %dma_wait3A_83 = tpu.memref_slice %arg8[%dma_wait3A_81, %dma_wait3A_82] : memref<4x128xi32, #tpu.memory_space<vmem>> -> memref<1x128xi32, #tpu.memory_space<vmem>>
    %dma_wait3A_84 = tpu.memref_squeeze %dma_wait3A_83 : memref<1x128xi32, #tpu.memory_space<vmem>> -> memref<128xi32, #tpu.memory_space<vmem>>
    %dma_wait3A_85 = arith.constant 256 : i32
    %dma_wait3A_86 = tpu.memref_slice %arg7[%dma_wait3A_85] : memref<512xi32, #tpu.memory_space<vmem>> -> memref<128xi32, #tpu.memory_space<vmem>>
    %dma_wait3A_87 = arith.constant 0 : i32
    %dma_wait3A_88 = tpu.memref_slice %arg4[%dma_wait3A_87] : memref<1000000xi32, #tpu.memory_space<hbm>> -> memref<1000000xi32, #tpu.memory_space<hbm>>
    tpu.wait_indirect_dma semaphore(%arg13 : memref<!tpu.dma_semaphore, #tpu.memory_space<semaphore_mem>>) src(%dma_wait3A_88 : memref<1000000xi32, #tpu.memory_space<hbm>>) dst(%dma_wait3A_84 : memref<128xi32, #tpu.memory_space<vmem>>)
    %dma_start3A_89 = arith.constant 2 : i32
    %dma_start3A_90 = arith.constant 2 : i32
    %dma_start3A_91 = arith.constant 0 : i32
    %dma_start3A_92 = arith.constant 0 : i32
    %dma_start3A_93 = tpu.memref_slice %arg9[%dma_start3A_90, %dma_start3A_91, %dma_start3A_92] : memref<3x128x128xf32, #tpu.memory_space<vmem>> -> memref<1x128x128xf32, #tpu.memory_space<vmem>>
    %dma_start3A_94 = tpu.memref_squeeze %dma_start3A_93 : memref<1x128x128xf32, #tpu.memory_space<vmem>> -> memref<128x128xf32, #tpu.memory_space<vmem>>
    %dma_start3A_95 = arith.constant 0 : i32
    %dma_start3A_96 = tpu.memref_slice %arg8[%dma_start3A_89, %dma_start3A_95] : memref<4x128xi32, #tpu.memory_space<vmem>> -> memref<1x128xi32, #tpu.memory_space<vmem>>
    %dma_start3A_97 = tpu.memref_squeeze %dma_start3A_96 : memref<1x128xi32, #tpu.memory_space<vmem>> -> memref<128xi32, #tpu.memory_space<vmem>>
    %dma_start3A_98 = arith.constant 0 : i32
    %dma_start3A_99 = arith.constant 0 : i32
    %dma_start3A_100 = tpu.memref_slice %arg5[%dma_start3A_98, %dma_start3A_99] : memref<65536x128xf32, #tpu.memory_space<hbm>> -> memref<65536x128xf32, #tpu.memory_space<hbm>>
    tpu.enqueue_indirect_dma source(%dma_start3A_100 : memref<65536x128xf32, #tpu.memory_space<hbm>>) target(%dma_start3A_94 : memref<128x128xf32, #tpu.memory_space<vmem>>) offsets(%dma_start3A_97 : memref<128xi32, #tpu.memory_space<vmem>>) semaphore(%arg17 : memref<!tpu.dma_semaphore, #tpu.memory_space<semaphore_mem>>)
    %dma_wait3A_101 = arith.constant 0 : i32
    %dma_wait3A_102 = tpu.memref_slice %arg2[%mul3A_2, %dma_wait3A_101] : memref<16384x128xf32, #tpu.memory_space<hbm>> -> memref<512x128xf32, #tpu.memory_space<hbm>>
    %dma_wait3A_103 = arith.constant 0 : i32
    %dma_wait3A_104 = tpu.memref_slice %arg2[%mul3A_2, %dma_wait3A_103] : memref<16384x128xf32, #tpu.memory_space<hbm>> -> memref<512x128xf32, #tpu.memory_space<hbm>>
    tpu.wait_dma2 semaphore(%arg18 : memref<!tpu.dma_semaphore, #tpu.memory_space<semaphore_mem>>) src(%dma_wait3A_104 : memref<512x128xf32, #tpu.memory_space<hbm>>) dst(%arg10 : memref<512x128xf32, #tpu.memory_space<vmem>>)
    %dma_wait3A_105 = arith.constant 0 : i32
    %dma_wait3A_106 = arith.constant 0 : i32
    %dma_wait3A_107 = arith.constant 0 : i32
    %dma_wait3A_108 = arith.constant 0 : i32
    %dma_wait3A_109 = tpu.memref_slice %arg9[%dma_wait3A_106, %dma_wait3A_107, %dma_wait3A_108] : memref<3x128x128xf32, #tpu.memory_space<vmem>> -> memref<1x128x128xf32, #tpu.memory_space<vmem>>
    %dma_wait3A_110 = tpu.memref_squeeze %dma_wait3A_109 : memref<1x128x128xf32, #tpu.memory_space<vmem>> -> memref<128x128xf32, #tpu.memory_space<vmem>>
    %dma_wait3A_111 = arith.constant 0 : i32
    %dma_wait3A_112 = tpu.memref_slice %arg8[%dma_wait3A_105, %dma_wait3A_111] : memref<4x128xi32, #tpu.memory_space<vmem>> -> memref<1x128xi32, #tpu.memory_space<vmem>>
    %dma_wait3A_113 = tpu.memref_squeeze %dma_wait3A_112 : memref<1x128xi32, #tpu.memory_space<vmem>> -> memref<128xi32, #tpu.memory_space<vmem>>
    %dma_wait3A_114 = arith.constant 0 : i32
    %dma_wait3A_115 = arith.constant 0 : i32
    %dma_wait3A_116 = tpu.memref_slice %arg5[%dma_wait3A_114, %dma_wait3A_115] : memref<65536x128xf32, #tpu.memory_space<hbm>> -> memref<65536x128xf32, #tpu.memory_space<hbm>>
    tpu.wait_indirect_dma semaphore(%arg15 : memref<!tpu.dma_semaphore, #tpu.memory_space<semaphore_mem>>) src(%dma_wait3A_116 : memref<65536x128xf32, #tpu.memory_space<hbm>>) dst(%dma_wait3A_110 : memref<128x128xf32, #tpu.memory_space<vmem>>)
    %scan3A = arith.constant 0 : i32
    %scan3A_117 = arith.constant 0 : i32
    %scan3A_118 = arith.constant 64 : i32
    %scan3A_119 = arith.addi %scan3A_117, %scan3A_118 : i32
    %scan3A_120 = arith.constant 1 : i32
    scf.for %scan3A_314 = %scan3A_117 to %scan3A_119 step %scan3A_120  : i32 {
      %mul3A_315 = arith.constant 2 : i32
      %mul3A_316 = arith.muli %scan3A_314, %mul3A_315 : i32
      %add3A_317 = arith.constant 0 : i32
      %add3A_318 = arith.addi %mul3A_316, %add3A_317 : i32
      %add3A_319 = arith.constant 0 : i32
      %add3A_320 = arith.addi %add3A_319, %add3A_318 : i32
      %get3A = arith.index_cast %add3A_320 : i32 to index
      %get3A_321 = arith.constant 0 : index
      %get3A_322 = tpu.vector_load %arg10[%get3A, %get3A_321] {strides = array<i32>} : memref<512x128xf32, #tpu.memory_space<vmem>>, vector<1x16xf32>,
      %get3A_323 = vector.shape_cast %get3A_322 : vector<1x16xf32> to vector<16xf32>
      %get3A_324 = arith.constant 0 : i32
      %get3A_325 = arith.index_cast %get3A_324 : i32 to index
      %get3A_326 = arith.index_cast %add3A_318 : i32 to index
      %get3A_327 = arith.constant 0 : index
      %get3A_328 = tpu.vector_load %arg9[%get3A_325, %get3A_326, %get3A_327] {strides = array<i32>} : memref<3x128x128xf32, #tpu.memory_space<vmem>>, vector<1x1x16xf32>,
      %get3A_329 = vector.shape_cast %get3A_328 : vector<1x1x16xf32> to vector<16xf32>
      %add3A_330 = arith.addf %get3A_323, %get3A_329 : vector<16xf32>
      %add3A_331 = arith.constant 0 : i32
      %add3A_332 = arith.addi %add3A_331, %add3A_318 : i32
      %swap3A = arith.index_cast %add3A_332 : i32 to index
      %swap3A_333 = arith.constant 0 : index
      %swap3A_334 = tpu.vector_load %arg10[%swap3A, %swap3A_333] {strides = array<i32>} : memref<512x128xf32, #tpu.memory_space<vmem>>, vector<1x16xf32>,
      %swap3A_335 = vector.shape_cast %swap3A_334 : vector<1x16xf32> to vector<16xf32>
      %swap3A_336 = vector.shape_cast %add3A_330 : vector<16xf32> to vector<1x16xf32>
      tpu.vector_store %arg10[%swap3A, %swap3A_333], %swap3A_336 {strides = array<i32>} : memref<512x128xf32, #tpu.memory_space<vmem>>, vector<1x16xf32>,
      %add3A_337 = arith.constant 0 : i32
      %add3A_338 = arith.addi %add3A_337, %add3A_318 : i32
      %get3A_339 = arith.index_cast %add3A_338 : i32 to index
      %get3A_340 = arith.constant 16 : index
      %get3A_341 = tpu.vector_load %arg10[%get3A_339, %get3A_340] {strides = array<i32>} : memref<512x128xf32, #tpu.memory_space<vmem>>, vector<1x16xf32>,
      %get3A_342 = vector.shape_cast %get3A_341 : vector<1x16xf32> to vector<16xf32>
      %get3A_343 = arith.constant 0 : i32
      %get3A_344 = arith.index_cast %get3A_343 : i32 to index
      %get3A_345 = arith.index_cast %add3A_318 : i32 to index
      %get3A_346 = arith.constant 16 : index
      %get3A_347 = tpu.vector_load %arg9[%get3A_344, %get3A_345, %get3A_346] {strides = array<i32>} : memref<3x128x128xf32, #tpu.memory_space<vmem>>, vector<1x1x16xf32>,
      %get3A_348 = vector.shape_cast %get3A_347 : vector<1x1x16xf32> to vector<16xf32>
      %add3A_349 = arith.addf %get3A_342, %get3A_348 : vector<16xf32>
      %add3A_350 = arith.constant 0 : i32
      %add3A_351 = arith.addi %add3A_350, %add3A_318 : i32
      %swap3A_352 = arith.index_cast %add3A_351 : i32 to index
      %swap3A_353 = arith.constant 16 : index
      %swap3A_354 = tpu.vector_load %arg10[%swap3A_352, %swap3A_353] {strides = array<i32>} : memref<512x128xf32, #tpu.memory_space<vmem>>, vector<1x16xf32>,
      %swap3A_355 = vector.shape_cast %swap3A_354 : vector<1x16xf32> to vector<16xf32>
      %swap3A_356 = vector.shape_cast %add3A_349 : vector<16xf32> to vector<1x16xf32>
      tpu.vector_store %arg10[%swap3A_352, %swap3A_353], %swap3A_356 {strides = array<i32>} : memref<512x128xf32, #tpu.memory_space<vmem>>, vector<1x16xf32>,
      %add3A_357 = arith.constant 0 : i32
      %add3A_358 = arith.addi %add3A_357, %add3A_318 : i32
      %get3A_359 = arith.index_cast %add3A_358 : i32 to index
      %get3A_360 = arith.constant 32 : index
      %get3A_361 = tpu.vector_load %arg10[%get3A_359, %get3A_360] {strides = array<i32>} : memref<512x128xf32, #tpu.memory_space<vmem>>, vector<1x16xf32>,
      %get3A_362 = vector.shape_cast %get3A_361 : vector<1x16xf32> to vector<16xf32>
      %get3A_363 = arith.constant 0 : i32
      %get3A_364 = arith.index_cast %get3A_363 : i32 to index
      %get3A_365 = arith.index_cast %add3A_318 : i32 to index
      %get3A_366 = arith.constant 32 : index
      %get3A_367 = tpu.vector_load %arg9[%get3A_364, %get3A_365, %get3A_366] {strides = array<i32>} : memref<3x128x128xf32, #tpu.memory_space<vmem>>, vector<1x1x16xf32>,
      %get3A_368 = vector.shape_cast %get3A_367 : vector<1x1x16xf32> to vector<16xf32>
      %add3A_369 = arith.addf %get3A_362, %get3A_368 : vector<16xf32>
      %add3A_370 = arith.constant 0 : i32
      %add3A_371 = arith.addi %add3A_370, %add3A_318 : i32
      %swap3A_372 = arith.index_cast %add3A_371 : i32 to index
      %swap3A_373 = arith.constant 32 : index
      %swap3A_374 = tpu.vector_load %arg10[%swap3A_372, %swap3A_373] {strides = array<i32>} : memref<512x128xf32, #tpu.memory_space<vmem>>, vector<1x16xf32>,
      %swap3A_375 = vector.shape_cast %swap3A_374 : vector<1x16xf32> to vector<16xf32>
      %swap3A_376 = vector.shape_cast %add3A_369 : vector<16xf32> to vector<1x16xf32>
      tpu.vector_store %arg10[%swap3A_372, %swap3A_373], %swap3A_376 {strides = array<i32>} : memref<512x128xf32, #tpu.memory_space<vmem>>, vector<1x16xf32>,
      %add3A_377 = arith.constant 0 : i32
      %add3A_378 = arith.addi %add3A_377, %add3A_318 : i32
      %get3A_379 = arith.index_cast %add3A_378 : i32 to index
      %get3A_380 = arith.constant 48 : index
      %get3A_381 = tpu.vector_load %arg10[%get3A_379, %get3A_380] {strides = array<i32>} : memref<512x128xf32, #tpu.memory_space<vmem>>, vector<1x16xf32>,
      %get3A_382 = vector.shape_cast %get3A_381 : vector<1x16xf32> to vector<16xf32>
      %get3A_383 = arith.constant 0 : i32
      %get3A_384 = arith.index_cast %get3A_383 : i32 to index
      %get3A_385 = arith.index_cast %add3A_318 : i32 to index
      %get3A_386 = arith.constant 48 : index
      %get3A_387 = tpu.vector_load %arg9[%get3A_384, %get3A_385, %get3A_386] {strides = array<i32>} : memref<3x128x128xf32, #tpu.memory_space<vmem>>, vector<1x1x16xf32>,
      %get3A_388 = vector.shape_cast %get3A_387 : vector<1x1x16xf32> to vector<16xf32>
      %add3A_389 = arith.addf %get3A_382, %get3A_388 : vector<16xf32>
      %add3A_390 = arith.constant 0 : i32
      %add3A_391 = arith.addi %add3A_390, %add3A_318 : i32
      %swap3A_392 = arith.index_cast %add3A_391 : i32 to index
      %swap3A_393 = arith.constant 48 : index
      %swap3A_394 = tpu.vector_load %arg10[%swap3A_392, %swap3A_393] {strides = array<i32>} : memref<512x128xf32, #tpu.memory_space<vmem>>, vector<1x16xf32>,
      %swap3A_395 = vector.shape_cast %swap3A_394 : vector<1x16xf32> to vector<16xf32>
      %swap3A_396 = vector.shape_cast %add3A_389 : vector<16xf32> to vector<1x16xf32>
      tpu.vector_store %arg10[%swap3A_392, %swap3A_393], %swap3A_396 {strides = array<i32>} : memref<512x128xf32, #tpu.memory_space<vmem>>, vector<1x16xf32>,
      %add3A_397 = arith.constant 0 : i32
      %add3A_398 = arith.addi %add3A_397, %add3A_318 : i32
      %get3A_399 = arith.index_cast %add3A_398 : i32 to index
      %get3A_400 = arith.constant 64 : index
      %get3A_401 = tpu.vector_load %arg10[%get3A_399, %get3A_400] {strides = array<i32>} : memref<512x128xf32, #tpu.memory_space<vmem>>, vector<1x16xf32>,
      %get3A_402 = vector.shape_cast %get3A_401 : vector<1x16xf32> to vector<16xf32>
      %get3A_403 = arith.constant 0 : i32
      %get3A_404 = arith.index_cast %get3A_403 : i32 to index
      %get3A_405 = arith.index_cast %add3A_318 : i32 to index
      %get3A_406 = arith.constant 64 : index
      %get3A_407 = tpu.vector_load %arg9[%get3A_404, %get3A_405, %get3A_406] {strides = array<i32>} : memref<3x128x128xf32, #tpu.memory_space<vmem>>, vector<1x1x16xf32>,
      %get3A_408 = vector.shape_cast %get3A_407 : vector<1x1x16xf32> to vector<16xf32>
      %add3A_409 = arith.addf %get3A_402, %get3A_408 : vector<16xf32>
      %add3A_410 = arith.constant 0 : i32
      %add3A_411 = arith.addi %add3A_410, %add3A_318 : i32
      %swap3A_412 = arith.index_cast %add3A_411 : i32 to index
      %swap3A_413 = arith.constant 64 : index
      %swap3A_414 = tpu.vector_load %arg10[%swap3A_412, %swap3A_413] {strides = array<i32>} : memref<512x128xf32, #tpu.memory_space<vmem>>, vector<1x16xf32>,
      %swap3A_415 = vector.shape_cast %swap3A_414 : vector<1x16xf32> to vector<16xf32>
      %swap3A_416 = vector.shape_cast %add3A_409 : vector<16xf32> to vector<1x16xf32>
      tpu.vector_store %arg10[%swap3A_412, %swap3A_413], %swap3A_416 {strides = array<i32>} : memref<512x128xf32, #tpu.memory_space<vmem>>, vector<1x16xf32>,
      %add3A_417 = arith.constant 0 : i32
      %add3A_418 = arith.addi %add3A_417, %add3A_318 : i32
      %get3A_419 = arith.index_cast %add3A_418 : i32 to index
      %get3A_420 = arith.constant 80 : index
      %get3A_421 = tpu.vector_load %arg10[%get3A_419, %get3A_420] {strides = array<i32>} : memref<512x128xf32, #tpu.memory_space<vmem>>, vector<1x16xf32>,
      %get3A_422 = vector.shape_cast %get3A_421 : vector<1x16xf32> to vector<16xf32>
      %get3A_423 = arith.constant 0 : i32
      %get3A_424 = arith.index_cast %get3A_423 : i32 to index
      %get3A_425 = arith.index_cast %add3A_318 : i32 to index
      %get3A_426 = arith.constant 80 : index
      %get3A_427 = tpu.vector_load %arg9[%get3A_424, %get3A_425, %get3A_426] {strides = array<i32>} : memref<3x128x128xf32, #tpu.memory_space<vmem>>, vector<1x1x16xf32>,
      %get3A_428 = vector.shape_cast %get3A_427 : vector<1x1x16xf32> to vector<16xf32>
      %add3A_429 = arith.addf %get3A_422, %get3A_428 : vector<16xf32>
      %add3A_430 = arith.constant 0 : i32
      %add3A_431 = arith.addi %add3A_430, %add3A_318 : i32
      %swap3A_432 = arith.index_cast %add3A_431 : i32 to index
      %swap3A_433 = arith.constant 80 : index
      %swap3A_434 = tpu.vector_load %arg10[%swap3A_432, %swap3A_433] {strides = array<i32>} : memref<512x128xf32, #tpu.memory_space<vmem>>, vector<1x16xf32>,
      %swap3A_435 = vector.shape_cast %swap3A_434 : vector<1x16xf32> to vector<16xf32>
      %swap3A_436 = vector.shape_cast %add3A_429 : vector<16xf32> to vector<1x16xf32>
      tpu.vector_store %arg10[%swap3A_432, %swap3A_433], %swap3A_436 {strides = array<i32>} : memref<512x128xf32, #tpu.memory_space<vmem>>, vector<1x16xf32>,
      %add3A_437 = arith.constant 0 : i32
      %add3A_438 = arith.addi %add3A_437, %add3A_318 : i32
      %get3A_439 = arith.index_cast %add3A_438 : i32 to index
      %get3A_440 = arith.constant 96 : index
      %get3A_441 = tpu.vector_load %arg10[%get3A_439, %get3A_440] {strides = array<i32>} : memref<512x128xf32, #tpu.memory_space<vmem>>, vector<1x16xf32>,
      %get3A_442 = vector.shape_cast %get3A_441 : vector<1x16xf32> to vector<16xf32>
      %get3A_443 = arith.constant 0 : i32
      %get3A_444 = arith.index_cast %get3A_443 : i32 to index
      %get3A_445 = arith.index_cast %add3A_318 : i32 to index
      %get3A_446 = arith.constant 96 : index
      %get3A_447 = tpu.vector_load %arg9[%get3A_444, %get3A_445, %get3A_446] {strides = array<i32>} : memref<3x128x128xf32, #tpu.memory_space<vmem>>, vector<1x1x16xf32>,
      %get3A_448 = vector.shape_cast %get3A_447 : vector<1x1x16xf32> to vector<16xf32>
      %add3A_449 = arith.addf %get3A_442, %get3A_448 : vector<16xf32>
      %add3A_450 = arith.constant 0 : i32
      %add3A_451 = arith.addi %add3A_450, %add3A_318 : i32
      %swap3A_452 = arith.index_cast %add3A_451 : i32 to index
      %swap3A_453 = arith.constant 96 : index
      %swap3A_454 = tpu.vector_load %arg10[%swap3A_452, %swap3A_453] {strides = array<i32>} : memref<512x128xf32, #tpu.memory_space<vmem>>, vector<1x16xf32>,
      %swap3A_455 = vector.shape_cast %swap3A_454 : vector<1x16xf32> to vector<16xf32>
      %swap3A_456 = vector.shape_cast %add3A_449 : vector<16xf32> to vector<1x16xf32>
      tpu.vector_store %arg10[%swap3A_452, %swap3A_453], %swap3A_456 {strides = array<i32>} : memref<512x128xf32, #tpu.memory_space<vmem>>, vector<1x16xf32>,
      %add3A_457 = arith.constant 0 : i32
      %add3A_458 = arith.addi %add3A_457, %add3A_318 : i32
      %get3A_459 = arith.index_cast %add3A_458 : i32 to index
      %get3A_460 = arith.constant 112 : index
      %get3A_461 = tpu.vector_load %arg10[%get3A_459, %get3A_460] {strides = array<i32>} : memref<512x128xf32, #tpu.memory_space<vmem>>, vector<1x16xf32>,
      %get3A_462 = vector.shape_cast %get3A_461 : vector<1x16xf32> to vector<16xf32>
      %get3A_463 = arith.constant 0 : i32
      %get3A_464 = arith.index_cast %get3A_463 : i32 to index
      %get3A_465 = arith.index_cast %add3A_318 : i32 to index
      %get3A_466 = arith.constant 112 : index
      %get3A_467 = tpu.vector_load %arg9[%get3A_464, %get3A_465, %get3A_466] {strides = array<i32>} : memref<3x128x128xf32, #tpu.memory_space<vmem>>, vector<1x1x16xf32>,
      %get3A_468 = vector.shape_cast %get3A_467 : vector<1x1x16xf32> to vector<16xf32>
      %add3A_469 = arith.addf %get3A_462, %get3A_468 : vector<16xf32>
      %add3A_470 = arith.constant 0 : i32
      %add3A_471 = arith.addi %add3A_470, %add3A_318 : i32
      %swap3A_472 = arith.index_cast %add3A_471 : i32 to index
      %swap3A_473 = arith.constant 112 : index
      %swap3A_474 = tpu.vector_load %arg10[%swap3A_472, %swap3A_473] {strides = array<i32>} : memref<512x128xf32, #tpu.memory_space<vmem>>, vector<1x16xf32>,
      %swap3A_475 = vector.shape_cast %swap3A_474 : vector<1x16xf32> to vector<16xf32>
      %swap3A_476 = vector.shape_cast %add3A_469 : vector<16xf32> to vector<1x16xf32>
      tpu.vector_store %arg10[%swap3A_472, %swap3A_473], %swap3A_476 {strides = array<i32>} : memref<512x128xf32, #tpu.memory_space<vmem>>, vector<1x16xf32>,
      %mul3A_477 = arith.constant 2 : i32
      %mul3A_478 = arith.muli %scan3A_314, %mul3A_477 : i32
      %add3A_479 = arith.constant 1 : i32
      %add3A_480 = arith.addi %mul3A_478, %add3A_479 : i32
      %add3A_481 = arith.constant 0 : i32
      %add3A_482 = arith.addi %add3A_481, %add3A_480 : i32
      %get3A_483 = arith.index_cast %add3A_482 : i32 to index
      %get3A_484 = arith.constant 0 : index
      %get3A_485 = tpu.vector_load %arg10[%get3A_483, %get3A_484] {strides = array<i32>} : memref<512x128xf32, #tpu.memory_space<vmem>>, vector<1x16xf32>,
      %get3A_486 = vector.shape_cast %get3A_485 : vector<1x16xf32> to vector<16xf32>
      %get3A_487 = arith.constant 0 : i32
      %get3A_488 = arith.index_cast %get3A_487 : i32 to index
      %get3A_489 = arith.index_cast %add3A_480 : i32 to index
      %get3A_490 = arith.constant 0 : index
      %get3A_491 = tpu.vector_load %arg9[%get3A_488, %get3A_489, %get3A_490] {strides = array<i32>} : memref<3x128x128xf32, #tpu.memory_space<vmem>>, vector<1x1x16xf32>,
      %get3A_492 = vector.shape_cast %get3A_491 : vector<1x1x16xf32> to vector<16xf32>
      %add3A_493 = arith.addf %get3A_486, %get3A_492 : vector<16xf32>
      %add3A_494 = arith.constant 0 : i32
      %add3A_495 = arith.addi %add3A_494, %add3A_480 : i32
      %swap3A_496 = arith.index_cast %add3A_495 : i32 to index
      %swap3A_497 = arith.constant 0 : index
      %swap3A_498 = tpu.vector_load %arg10[%swap3A_496, %swap3A_497] {strides = array<i32>} : memref<512x128xf32, #tpu.memory_space<vmem>>, vector<1x16xf32>,
      %swap3A_499 = vector.shape_cast %swap3A_498 : vector<1x16xf32> to vector<16xf32>
      %swap3A_500 = vector.shape_cast %add3A_493 : vector<16xf32> to vector<1x16xf32>
      tpu.vector_store %arg10[%swap3A_496, %swap3A_497], %swap3A_500 {strides = array<i32>} : memref<512x128xf32, #tpu.memory_space<vmem>>, vector<1x16xf32>,
      %add3A_501 = arith.constant 0 : i32
      %add3A_502 = arith.addi %add3A_501, %add3A_480 : i32
      %get3A_503 = arith.index_cast %add3A_502 : i32 to index
      %get3A_504 = arith.constant 16 : index
      %get3A_505 = tpu.vector_load %arg10[%get3A_503, %get3A_504] {strides = array<i32>} : memref<512x128xf32, #tpu.memory_space<vmem>>, vector<1x16xf32>,
      %get3A_506 = vector.shape_cast %get3A_505 : vector<1x16xf32> to vector<16xf32>
      %get3A_507 = arith.constant 0 : i32
      %get3A_508 = arith.index_cast %get3A_507 : i32 to index
      %get3A_509 = arith.index_cast %add3A_480 : i32 to index
      %get3A_510 = arith.constant 16 : index
      %get3A_511 = tpu.vector_load %arg9[%get3A_508, %get3A_509, %get3A_510] {strides = array<i32>} : memref<3x128x128xf32, #tpu.memory_space<vmem>>, vector<1x1x16xf32>,
      %get3A_512 = vector.shape_cast %get3A_511 : vector<1x1x16xf32> to vector<16xf32>
      %add3A_513 = arith.addf %get3A_506, %get3A_512 : vector<16xf32>
      %add3A_514 = arith.constant 0 : i32
      %add3A_515 = arith.addi %add3A_514, %add3A_480 : i32
      %swap3A_516 = arith.index_cast %add3A_515 : i32 to index
      %swap3A_517 = arith.constant 16 : index
      %swap3A_518 = tpu.vector_load %arg10[%swap3A_516, %swap3A_517] {strides = array<i32>} : memref<512x128xf32, #tpu.memory_space<vmem>>, vector<1x16xf32>,
      %swap3A_519 = vector.shape_cast %swap3A_518 : vector<1x16xf32> to vector<16xf32>
      %swap3A_520 = vector.shape_cast %add3A_513 : vector<16xf32> to vector<1x16xf32>
      tpu.vector_store %arg10[%swap3A_516, %swap3A_517], %swap3A_520 {strides = array<i32>} : memref<512x128xf32, #tpu.memory_space<vmem>>, vector<1x16xf32>,
      %add3A_521 = arith.constant 0 : i32
      %add3A_522 = arith.addi %add3A_521, %add3A_480 : i32
      %get3A_523 = arith.index_cast %add3A_522 : i32 to index
      %get3A_524 = arith.constant 32 : index
      %get3A_525 = tpu.vector_load %arg10[%get3A_523, %get3A_524] {strides = array<i32>} : memref<512x128xf32, #tpu.memory_space<vmem>>, vector<1x16xf32>,
      %get3A_526 = vector.shape_cast %get3A_525 : vector<1x16xf32> to vector<16xf32>
      %get3A_527 = arith.constant 0 : i32
      %get3A_528 = arith.index_cast %get3A_527 : i32 to index
      %get3A_529 = arith.index_cast %add3A_480 : i32 to index
      %get3A_530 = arith.constant 32 : index
      %get3A_531 = tpu.vector_load %arg9[%get3A_528, %get3A_529, %get3A_530] {strides = array<i32>} : memref<3x128x128xf32, #tpu.memory_space<vmem>>, vector<1x1x16xf32>,
      %get3A_532 = vector.shape_cast %get3A_531 : vector<1x1x16xf32> to vector<16xf32>
      %add3A_533 = arith.addf %get3A_526, %get3A_532 : vector<16xf32>
      %add3A_534 = arith.constant 0 : i32
      %add3A_535 = arith.addi %add3A_534, %add3A_480 : i32
      %swap3A_536 = arith.index_cast %add3A_535 : i32 to index
      %swap3A_537 = arith.constant 32 : index
      %swap3A_538 = tpu.vector_load %arg10[%swap3A_536, %swap3A_537] {strides = array<i32>} : memref<512x128xf32, #tpu.memory_space<vmem>>, vector<1x16xf32>,
      %swap3A_539 = vector.shape_cast %swap3A_538 : vector<1x16xf32> to vector<16xf32>
      %swap3A_540 = vector.shape_cast %add3A_533 : vector<16xf32> to vector<1x16xf32>
      tpu.vector_store %arg10[%swap3A_536, %swap3A_537], %swap3A_540 {strides = array<i32>} : memref<512x128xf32, #tpu.memory_space<vmem>>, vector<1x16xf32>,
      %add3A_541 = arith.constant 0 : i32
      %add3A_542 = arith.addi %add3A_541, %add3A_480 : i32
      %get3A_543 = arith.index_cast %add3A_542 : i32 to index
      %get3A_544 = arith.constant 48 : index
      %get3A_545 = tpu.vector_load %arg10[%get3A_543, %get3A_544] {strides = array<i32>} : memref<512x128xf32, #tpu.memory_space<vmem>>, vector<1x16xf32>,
      %get3A_546 = vector.shape_cast %get3A_545 : vector<1x16xf32> to vector<16xf32>
      %get3A_547 = arith.constant 0 : i32
      %get3A_548 = arith.index_cast %get3A_547 : i32 to index
      %get3A_549 = arith.index_cast %add3A_480 : i32 to index
      %get3A_550 = arith.constant 48 : index
      %get3A_551 = tpu.vector_load %arg9[%get3A_548, %get3A_549, %get3A_550] {strides = array<i32>} : memref<3x128x128xf32, #tpu.memory_space<vmem>>, vector<1x1x16xf32>,
      %get3A_552 = vector.shape_cast %get3A_551 : vector<1x1x16xf32> to vector<16xf32>
      %add3A_553 = arith.addf %get3A_546, %get3A_552 : vector<16xf32>
      %add3A_554 = arith.constant 0 : i32
      %add3A_555 = arith.addi %add3A_554, %add3A_480 : i32
      %swap3A_556 = arith.index_cast %add3A_555 : i32 to index
      %swap3A_557 = arith.constant 48 : index
      %swap3A_558 = tpu.vector_load %arg10[%swap3A_556, %swap3A_557] {strides = array<i32>} : memref<512x128xf32, #tpu.memory_space<vmem>>, vector<1x16xf32>,
      %swap3A_559 = vector.shape_cast %swap3A_558 : vector<1x16xf32> to vector<16xf32>
      %swap3A_560 = vector.shape_cast %add3A_553 : vector<16xf32> to vector<1x16xf32>
      tpu.vector_store %arg10[%swap3A_556, %swap3A_557], %swap3A_560 {strides = array<i32>} : memref<512x128xf32, #tpu.memory_space<vmem>>, vector<1x16xf32>,
      %add3A_561 = arith.constant 0 : i32
      %add3A_562 = arith.addi %add3A_561, %add3A_480 : i32
      %get3A_563 = arith.index_cast %add3A_562 : i32 to index
      %get3A_564 = arith.constant 64 : index
      %get3A_565 = tpu.vector_load %arg10[%get3A_563, %get3A_564] {strides = array<i32>} : memref<512x128xf32, #tpu.memory_space<vmem>>, vector<1x16xf32>,
      %get3A_566 = vector.shape_cast %get3A_565 : vector<1x16xf32> to vector<16xf32>
      %get3A_567 = arith.constant 0 : i32
      %get3A_568 = arith.index_cast %get3A_567 : i32 to index
      %get3A_569 = arith.index_cast %add3A_480 : i32 to index
      %get3A_570 = arith.constant 64 : index
      %get3A_571 = tpu.vector_load %arg9[%get3A_568, %get3A_569, %get3A_570] {strides = array<i32>} : memref<3x128x128xf32, #tpu.memory_space<vmem>>, vector<1x1x16xf32>,
      %get3A_572 = vector.shape_cast %get3A_571 : vector<1x1x16xf32> to vector<16xf32>
      %add3A_573 = arith.addf %get3A_566, %get3A_572 : vector<16xf32>
      %add3A_574 = arith.constant 0 : i32
      %add3A_575 = arith.addi %add3A_574, %add3A_480 : i32
      %swap3A_576 = arith.index_cast %add3A_575 : i32 to index
      %swap3A_577 = arith.constant 64 : index
      %swap3A_578 = tpu.vector_load %arg10[%swap3A_576, %swap3A_577] {strides = array<i32>} : memref<512x128xf32, #tpu.memory_space<vmem>>, vector<1x16xf32>,
      %swap3A_579 = vector.shape_cast %swap3A_578 : vector<1x16xf32> to vector<16xf32>
      %swap3A_580 = vector.shape_cast %add3A_573 : vector<16xf32> to vector<1x16xf32>
      tpu.vector_store %arg10[%swap3A_576, %swap3A_577], %swap3A_580 {strides = array<i32>} : memref<512x128xf32, #tpu.memory_space<vmem>>, vector<1x16xf32>,
      %add3A_581 = arith.constant 0 : i32
      %add3A_582 = arith.addi %add3A_581, %add3A_480 : i32
      %get3A_583 = arith.index_cast %add3A_582 : i32 to index
      %get3A_584 = arith.constant 80 : index
      %get3A_585 = tpu.vector_load %arg10[%get3A_583, %get3A_584] {strides = array<i32>} : memref<512x128xf32, #tpu.memory_space<vmem>>, vector<1x16xf32>,
      %get3A_586 = vector.shape_cast %get3A_585 : vector<1x16xf32> to vector<16xf32>
      %get3A_587 = arith.constant 0 : i32
      %get3A_588 = arith.index_cast %get3A_587 : i32 to index
      %get3A_589 = arith.index_cast %add3A_480 : i32 to index
      %get3A_590 = arith.constant 80 : index
      %get3A_591 = tpu.vector_load %arg9[%get3A_588, %get3A_589, %get3A_590] {strides = array<i32>} : memref<3x128x128xf32, #tpu.memory_space<vmem>>, vector<1x1x16xf32>,
      %get3A_592 = vector.shape_cast %get3A_591 : vector<1x1x16xf32> to vector<16xf32>
      %add3A_593 = arith.addf %get3A_586, %get3A_592 : vector<16xf32>
      %add3A_594 = arith.constant 0 : i32
      %add3A_595 = arith.addi %add3A_594, %add3A_480 : i32
      %swap3A_596 = arith.index_cast %add3A_595 : i32 to index
      %swap3A_597 = arith.constant 80 : index
      %swap3A_598 = tpu.vector_load %arg10[%swap3A_596, %swap3A_597] {strides = array<i32>} : memref<512x128xf32, #tpu.memory_space<vmem>>, vector<1x16xf32>,
      %swap3A_599 = vector.shape_cast %swap3A_598 : vector<1x16xf32> to vector<16xf32>
      %swap3A_600 = vector.shape_cast %add3A_593 : vector<16xf32> to vector<1x16xf32>
      tpu.vector_store %arg10[%swap3A_596, %swap3A_597], %swap3A_600 {strides = array<i32>} : memref<512x128xf32, #tpu.memory_space<vmem>>, vector<1x16xf32>,
      %add3A_601 = arith.constant 0 : i32
      %add3A_602 = arith.addi %add3A_601, %add3A_480 : i32
      %get3A_603 = arith.index_cast %add3A_602 : i32 to index
      %get3A_604 = arith.constant 96 : index
      %get3A_605 = tpu.vector_load %arg10[%get3A_603, %get3A_604] {strides = array<i32>} : memref<512x128xf32, #tpu.memory_space<vmem>>, vector<1x16xf32>,
      %get3A_606 = vector.shape_cast %get3A_605 : vector<1x16xf32> to vector<16xf32>
      %get3A_607 = arith.constant 0 : i32
      %get3A_608 = arith.index_cast %get3A_607 : i32 to index
      %get3A_609 = arith.index_cast %add3A_480 : i32 to index
      %get3A_610 = arith.constant 96 : index
      %get3A_611 = tpu.vector_load %arg9[%get3A_608, %get3A_609, %get3A_610] {strides = array<i32>} : memref<3x128x128xf32, #tpu.memory_space<vmem>>, vector<1x1x16xf32>,
      %get3A_612 = vector.shape_cast %get3A_611 : vector<1x1x16xf32> to vector<16xf32>
      %add3A_613 = arith.addf %get3A_606, %get3A_612 : vector<16xf32>
      %add3A_614 = arith.constant 0 : i32
      %add3A_615 = arith.addi %add3A_614, %add3A_480 : i32
      %swap3A_616 = arith.index_cast %add3A_615 : i32 to index
      %swap3A_617 = arith.constant 96 : index
      %swap3A_618 = tpu.vector_load %arg10[%swap3A_616, %swap3A_617] {strides = array<i32>} : memref<512x128xf32, #tpu.memory_space<vmem>>, vector<1x16xf32>,
      %swap3A_619 = vector.shape_cast %swap3A_618 : vector<1x16xf32> to vector<16xf32>
      %swap3A_620 = vector.shape_cast %add3A_613 : vector<16xf32> to vector<1x16xf32>
      tpu.vector_store %arg10[%swap3A_616, %swap3A_617], %swap3A_620 {strides = array<i32>} : memref<512x128xf32, #tpu.memory_space<vmem>>, vector<1x16xf32>,
      %add3A_621 = arith.constant 0 : i32
      %add3A_622 = arith.addi %add3A_621, %add3A_480 : i32
      %get3A_623 = arith.index_cast %add3A_622 : i32 to index
      %get3A_624 = arith.constant 112 : index
      %get3A_625 = tpu.vector_load %arg10[%get3A_623, %get3A_624] {strides = array<i32>} : memref<512x128xf32, #tpu.memory_space<vmem>>, vector<1x16xf32>,
      %get3A_626 = vector.shape_cast %get3A_625 : vector<1x16xf32> to vector<16xf32>
      %get3A_627 = arith.constant 0 : i32
      %get3A_628 = arith.index_cast %get3A_627 : i32 to index
      %get3A_629 = arith.index_cast %add3A_480 : i32 to index
      %get3A_630 = arith.constant 112 : index
      %get3A_631 = tpu.vector_load %arg9[%get3A_628, %get3A_629, %get3A_630] {strides = array<i32>} : memref<3x128x128xf32, #tpu.memory_space<vmem>>, vector<1x1x16xf32>,
      %get3A_632 = vector.shape_cast %get3A_631 : vector<1x1x16xf32> to vector<16xf32>
      %add3A_633 = arith.addf %get3A_626, %get3A_632 : vector<16xf32>
      %add3A_634 = arith.constant 0 : i32
      %add3A_635 = arith.addi %add3A_634, %add3A_480 : i32
      %swap3A_636 = arith.index_cast %add3A_635 : i32 to index
      %swap3A_637 = arith.constant 112 : index
      %swap3A_638 = tpu.vector_load %arg10[%swap3A_636, %swap3A_637] {strides = array<i32>} : memref<512x128xf32, #tpu.memory_space<vmem>>, vector<1x16xf32>,
      %swap3A_639 = vector.shape_cast %swap3A_638 : vector<1x16xf32> to vector<16xf32>
      %swap3A_640 = vector.shape_cast %add3A_633 : vector<16xf32> to vector<1x16xf32>
      tpu.vector_store %arg10[%swap3A_636, %swap3A_637], %swap3A_640 {strides = array<i32>} : memref<512x128xf32, #tpu.memory_space<vmem>>, vector<1x16xf32>,
    }
    %scan3A_121 = arith.constant 64 : i32
    %dma_wait3A_122 = arith.constant 3 : i32
    %dma_wait3A_123 = arith.constant 0 : i32
    %dma_wait3A_124 = tpu.memref_slice %arg8[%dma_wait3A_122, %dma_wait3A_123] : memref<4x128xi32, #tpu.memory_space<vmem>> -> memref<1x128xi32, #tpu.memory_space<vmem>>
    %dma_wait3A_125 = tpu.memref_squeeze %dma_wait3A_124 : memref<1x128xi32, #tpu.memory_space<vmem>> -> memref<128xi32, #tpu.memory_space<vmem>>
    %dma_wait3A_126 = arith.constant 384 : i32
    %dma_wait3A_127 = tpu.memref_slice %arg7[%dma_wait3A_126] : memref<512xi32, #tpu.memory_space<vmem>> -> memref<128xi32, #tpu.memory_space<vmem>>
    %dma_wait3A_128 = arith.constant 0 : i32
    %dma_wait3A_129 = tpu.memref_slice %arg4[%dma_wait3A_128] : memref<1000000xi32, #tpu.memory_space<hbm>> -> memref<1000000xi32, #tpu.memory_space<hbm>>
    tpu.wait_indirect_dma semaphore(%arg14 : memref<!tpu.dma_semaphore, #tpu.memory_space<semaphore_mem>>) src(%dma_wait3A_129 : memref<1000000xi32, #tpu.memory_space<hbm>>) dst(%dma_wait3A_125 : memref<128xi32, #tpu.memory_space<vmem>>)
    %dma_start3A_130 = arith.constant 3 : i32
    %dma_start3A_131 = arith.constant 0 : i32
    %dma_start3A_132 = arith.constant 0 : i32
    %dma_start3A_133 = arith.constant 0 : i32
    %dma_start3A_134 = tpu.memref_slice %arg9[%dma_start3A_131, %dma_start3A_132, %dma_start3A_133] : memref<3x128x128xf32, #tpu.memory_space<vmem>> -> memref<1x128x128xf32, #tpu.memory_space<vmem>>
    %dma_start3A_135 = tpu.memref_squeeze %dma_start3A_134 : memref<1x128x128xf32, #tpu.memory_space<vmem>> -> memref<128x128xf32, #tpu.memory_space<vmem>>
    %dma_start3A_136 = arith.constant 0 : i32
    %dma_start3A_137 = tpu.memref_slice %arg8[%dma_start3A_130, %dma_start3A_136] : memref<4x128xi32, #tpu.memory_space<vmem>> -> memref<1x128xi32, #tpu.memory_space<vmem>>
    %dma_start3A_138 = tpu.memref_squeeze %dma_start3A_137 : memref<1x128xi32, #tpu.memory_space<vmem>> -> memref<128xi32, #tpu.memory_space<vmem>>
    %dma_start3A_139 = arith.constant 0 : i32
    %dma_start3A_140 = arith.constant 0 : i32
    %dma_start3A_141 = tpu.memref_slice %arg5[%dma_start3A_139, %dma_start3A_140] : memref<65536x128xf32, #tpu.memory_space<hbm>> -> memref<65536x128xf32, #tpu.memory_space<hbm>>
    tpu.enqueue_indirect_dma source(%dma_start3A_141 : memref<65536x128xf32, #tpu.memory_space<hbm>>) target(%dma_start3A_135 : memref<128x128xf32, #tpu.memory_space<vmem>>) offsets(%dma_start3A_138 : memref<128xi32, #tpu.memory_space<vmem>>) semaphore(%arg15 : memref<!tpu.dma_semaphore, #tpu.memory_space<semaphore_mem>>)
    %add3A_142 = arith.constant 0 : i32
    %add3A_143 = arith.addi %mul3A_2, %add3A_142 : i32
    %dma_start3A_144 = arith.constant 0 : i32
    %dma_start3A_145 = arith.constant 0 : i32
    %dma_start3A_146 = tpu.memref_slice %arg10[%dma_start3A_144, %dma_start3A_145] : memref<512x128xf32, #tpu.memory_space<vmem>> -> memref<128x128xf32, #tpu.memory_space<vmem>>
    %dma_start3A_147 = arith.constant 0 : i32
    %dma_start3A_148 = tpu.memref_slice %arg6[%add3A_143, %dma_start3A_147] : memref<16384x128xf32, #tpu.memory_space<hbm>> -> memref<128x128xf32, #tpu.memory_space<hbm>>
    %dma_start3A_149 = arith.constant 0 : i32
    %dma_start3A_150 = tpu.memref_slice %arg6[%add3A_143, %dma_start3A_149] : memref<16384x128xf32, #tpu.memory_space<hbm>> -> memref<128x128xf32, #tpu.memory_space<hbm>>
    %dma_start3A_151 = arith.constant 0 : i32
    %dma_start3A_152 = arith.constant 0 : i32
    %dma_start3A_153 = tpu.memref_slice %arg10[%dma_start3A_151, %dma_start3A_152] : memref<512x128xf32, #tpu.memory_space<vmem>> -> memref<128x128xf32, #tpu.memory_space<vmem>>
    tpu.enqueue_dma source(%dma_start3A_153 : memref<128x128xf32, #tpu.memory_space<vmem>>) target(%dma_start3A_150 : memref<128x128xf32, #tpu.memory_space<hbm>>) target_semaphore(%arg19 : memref<!tpu.dma_semaphore, #tpu.memory_space<semaphore_mem>>)
    %dma_wait3A_154 = arith.constant 1 : i32
    %dma_wait3A_155 = arith.constant 1 : i32
    %dma_wait3A_156 = arith.constant 0 : i32
    %dma_wait3A_157 = arith.constant 0 : i32
    %dma_wait3A_158 = tpu.memref_slice %arg9[%dma_wait3A_155, %dma_wait3A_156, %dma_wait3A_157] : memref<3x128x128xf32, #tpu.memory_space<vmem>> -> memref<1x128x128xf32, #tpu.memory_space<vmem>>
    %dma_wait3A_159 = tpu.memref_squeeze %dma_wait3A_158 : memref<1x128x128xf32, #tpu.memory_space<vmem>> -> memref<128x128xf32, #tpu.memory_space<vmem>>
    %dma_wait3A_160 = arith.constant 0 : i32
    %dma_wait3A_161 = tpu.memref_slice %arg8[%dma_wait3A_154, %dma_wait3A_160] : memref<4x128xi32, #tpu.memory_space<vmem>> -> memref<1x128xi32, #tpu.memory_space<vmem>>
    %dma_wait3A_162 = tpu.memref_squeeze %dma_wait3A_161 : memref<1x128xi32, #tpu.memory_space<vmem>> -> memref<128xi32, #tpu.memory_space<vmem>>
    %dma_wait3A_163 = arith.constant 0 : i32
    %dma_wait3A_164 = arith.constant 0 : i32
    %dma_wait3A_165 = tpu.memref_slice %arg5[%dma_wait3A_163, %dma_wait3A_164] : memref<65536x128xf32, #tpu.memory_space<hbm>> -> memref<65536x128xf32, #tpu.memory_space<hbm>>
    tpu.wait_indirect_dma semaphore(%arg16 : memref<!tpu.dma_semaphore, #tpu.memory_space<semaphore_mem>>) src(%dma_wait3A_165 : memref<65536x128xf32, #tpu.memory_space<hbm>>) dst(%dma_wait3A_159 : memref<128x128xf32, #tpu.memory_space<vmem>>)
    %scan3A_166 = arith.constant 0 : i32
    %scan3A_167 = arith.constant 0 : i32
    %scan3A_168 = arith.constant 64 : i32
    %scan3A_169 = arith.addi %scan3A_167, %scan3A_168 : i32
    %scan3A_170 = arith.constant 1 : i32
    scf.for %scan3A_314 = %scan3A_167 to %scan3A_169 step %scan3A_170  : i32 {
      %mul3A_315 = arith.constant 2 : i32
      %mul3A_316 = arith.muli %scan3A_314, %mul3A_315 : i32
      %add3A_317 = arith.constant 0 : i32
      %add3A_318 = arith.addi %mul3A_316, %add3A_317 : i32
      %add3A_319 = arith.constant 128 : i32
      %add3A_320 = arith.addi %add3A_319, %add3A_318 : i32
      %get3A = arith.index_cast %add3A_320 : i32 to index
      %get3A_321 = arith.constant 0 : index
      %get3A_322 = tpu.vector_load %arg10[%get3A, %get3A_321] {strides = array<i32>} : memref<512x128xf32, #tpu.memory_space<vmem>>, vector<1x16xf32>,
      %get3A_323 = vector.shape_cast %get3A_322 : vector<1x16xf32> to vector<16xf32>
      %get3A_324 = arith.constant 1 : i32
      %get3A_325 = arith.index_cast %get3A_324 : i32 to index
      %get3A_326 = arith.index_cast %add3A_318 : i32 to index
      %get3A_327 = arith.constant 0 : index
      %get3A_328 = tpu.vector_load %arg9[%get3A_325, %get3A_326, %get3A_327] {strides = array<i32>} : memref<3x128x128xf32, #tpu.memory_space<vmem>>, vector<1x1x16xf32>,
      %get3A_329 = vector.shape_cast %get3A_328 : vector<1x1x16xf32> to vector<16xf32>
      %add3A_330 = arith.addf %get3A_323, %get3A_329 : vector<16xf32>
      %add3A_331 = arith.constant 128 : i32
      %add3A_332 = arith.addi %add3A_331, %add3A_318 : i32
      %swap3A = arith.index_cast %add3A_332 : i32 to index
      %swap3A_333 = arith.constant 0 : index
      %swap3A_334 = tpu.vector_load %arg10[%swap3A, %swap3A_333] {strides = array<i32>} : memref<512x128xf32, #tpu.memory_space<vmem>>, vector<1x16xf32>,
      %swap3A_335 = vector.shape_cast %swap3A_334 : vector<1x16xf32> to vector<16xf32>
      %swap3A_336 = vector.shape_cast %add3A_330 : vector<16xf32> to vector<1x16xf32>
      tpu.vector_store %arg10[%swap3A, %swap3A_333], %swap3A_336 {strides = array<i32>} : memref<512x128xf32, #tpu.memory_space<vmem>>, vector<1x16xf32>,
      %add3A_337 = arith.constant 128 : i32
      %add3A_338 = arith.addi %add3A_337, %add3A_318 : i32
      %get3A_339 = arith.index_cast %add3A_338 : i32 to index
      %get3A_340 = arith.constant 16 : index
      %get3A_341 = tpu.vector_load %arg10[%get3A_339, %get3A_340] {strides = array<i32>} : memref<512x128xf32, #tpu.memory_space<vmem>>, vector<1x16xf32>,
      %get3A_342 = vector.shape_cast %get3A_341 : vector<1x16xf32> to vector<16xf32>
      %get3A_343 = arith.constant 1 : i32
      %get3A_344 = arith.index_cast %get3A_343 : i32 to index
      %get3A_345 = arith.index_cast %add3A_318 : i32 to index
      %get3A_346 = arith.constant 16 : index
      %get3A_347 = tpu.vector_load %arg9[%get3A_344, %get3A_345, %get3A_346] {strides = array<i32>} : memref<3x128x128xf32, #tpu.memory_space<vmem>>, vector<1x1x16xf32>,
      %get3A_348 = vector.shape_cast %get3A_347 : vector<1x1x16xf32> to vector<16xf32>
      %add3A_349 = arith.addf %get3A_342, %get3A_348 : vector<16xf32>
      %add3A_350 = arith.constant 128 : i32
      %add3A_351 = arith.addi %add3A_350, %add3A_318 : i32
      %swap3A_352 = arith.index_cast %add3A_351 : i32 to index
      %swap3A_353 = arith.constant 16 : index
      %swap3A_354 = tpu.vector_load %arg10[%swap3A_352, %swap3A_353] {strides = array<i32>} : memref<512x128xf32, #tpu.memory_space<vmem>>, vector<1x16xf32>,
      %swap3A_355 = vector.shape_cast %swap3A_354 : vector<1x16xf32> to vector<16xf32>
      %swap3A_356 = vector.shape_cast %add3A_349 : vector<16xf32> to vector<1x16xf32>
      tpu.vector_store %arg10[%swap3A_352, %swap3A_353], %swap3A_356 {strides = array<i32>} : memref<512x128xf32, #tpu.memory_space<vmem>>, vector<1x16xf32>,
      %add3A_357 = arith.constant 128 : i32
      %add3A_358 = arith.addi %add3A_357, %add3A_318 : i32
      %get3A_359 = arith.index_cast %add3A_358 : i32 to index
      %get3A_360 = arith.constant 32 : index
      %get3A_361 = tpu.vector_load %arg10[%get3A_359, %get3A_360] {strides = array<i32>} : memref<512x128xf32, #tpu.memory_space<vmem>>, vector<1x16xf32>,
      %get3A_362 = vector.shape_cast %get3A_361 : vector<1x16xf32> to vector<16xf32>
      %get3A_363 = arith.constant 1 : i32
      %get3A_364 = arith.index_cast %get3A_363 : i32 to index
      %get3A_365 = arith.index_cast %add3A_318 : i32 to index
      %get3A_366 = arith.constant 32 : index
      %get3A_367 = tpu.vector_load %arg9[%get3A_364, %get3A_365, %get3A_366] {strides = array<i32>} : memref<3x128x128xf32, #tpu.memory_space<vmem>>, vector<1x1x16xf32>,
      %get3A_368 = vector.shape_cast %get3A_367 : vector<1x1x16xf32> to vector<16xf32>
      %add3A_369 = arith.addf %get3A_362, %get3A_368 : vector<16xf32>
      %add3A_370 = arith.constant 128 : i32
      %add3A_371 = arith.addi %add3A_370, %add3A_318 : i32
      %swap3A_372 = arith.index_cast %add3A_371 : i32 to index
      %swap3A_373 = arith.constant 32 : index
      %swap3A_374 = tpu.vector_load %arg10[%swap3A_372, %swap3A_373] {strides = array<i32>} : memref<512x128xf32, #tpu.memory_space<vmem>>, vector<1x16xf32>,
      %swap3A_375 = vector.shape_cast %swap3A_374 : vector<1x16xf32> to vector<16xf32>
      %swap3A_376 = vector.shape_cast %add3A_369 : vector<16xf32> to vector<1x16xf32>
      tpu.vector_store %arg10[%swap3A_372, %swap3A_373], %swap3A_376 {strides = array<i32>} : memref<512x128xf32, #tpu.memory_space<vmem>>, vector<1x16xf32>,
      %add3A_377 = arith.constant 128 : i32
      %add3A_378 = arith.addi %add3A_377, %add3A_318 : i32
      %get3A_379 = arith.index_cast %add3A_378 : i32 to index
      %get3A_380 = arith.constant 48 : index
      %get3A_381 = tpu.vector_load %arg10[%get3A_379, %get3A_380] {strides = array<i32>} : memref<512x128xf32, #tpu.memory_space<vmem>>, vector<1x16xf32>,
      %get3A_382 = vector.shape_cast %get3A_381 : vector<1x16xf32> to vector<16xf32>
      %get3A_383 = arith.constant 1 : i32
      %get3A_384 = arith.index_cast %get3A_383 : i32 to index
      %get3A_385 = arith.index_cast %add3A_318 : i32 to index
      %get3A_386 = arith.constant 48 : index
      %get3A_387 = tpu.vector_load %arg9[%get3A_384, %get3A_385, %get3A_386] {strides = array<i32>} : memref<3x128x128xf32, #tpu.memory_space<vmem>>, vector<1x1x16xf32>,
      %get3A_388 = vector.shape_cast %get3A_387 : vector<1x1x16xf32> to vector<16xf32>
      %add3A_389 = arith.addf %get3A_382, %get3A_388 : vector<16xf32>
      %add3A_390 = arith.constant 128 : i32
      %add3A_391 = arith.addi %add3A_390, %add3A_318 : i32
      %swap3A_392 = arith.index_cast %add3A_391 : i32 to index
      %swap3A_393 = arith.constant 48 : index
      %swap3A_394 = tpu.vector_load %arg10[%swap3A_392, %swap3A_393] {strides = array<i32>} : memref<512x128xf32, #tpu.memory_space<vmem>>, vector<1x16xf32>,
      %swap3A_395 = vector.shape_cast %swap3A_394 : vector<1x16xf32> to vector<16xf32>
      %swap3A_396 = vector.shape_cast %add3A_389 : vector<16xf32> to vector<1x16xf32>
      tpu.vector_store %arg10[%swap3A_392, %swap3A_393], %swap3A_396 {strides = array<i32>} : memref<512x128xf32, #tpu.memory_space<vmem>>, vector<1x16xf32>,
      %add3A_397 = arith.constant 128 : i32
      %add3A_398 = arith.addi %add3A_397, %add3A_318 : i32
      %get3A_399 = arith.index_cast %add3A_398 : i32 to index
      %get3A_400 = arith.constant 64 : index
      %get3A_401 = tpu.vector_load %arg10[%get3A_399, %get3A_400] {strides = array<i32>} : memref<512x128xf32, #tpu.memory_space<vmem>>, vector<1x16xf32>,
      %get3A_402 = vector.shape_cast %get3A_401 : vector<1x16xf32> to vector<16xf32>
      %get3A_403 = arith.constant 1 : i32
      %get3A_404 = arith.index_cast %get3A_403 : i32 to index
      %get3A_405 = arith.index_cast %add3A_318 : i32 to index
      %get3A_406 = arith.constant 64 : index
      %get3A_407 = tpu.vector_load %arg9[%get3A_404, %get3A_405, %get3A_406] {strides = array<i32>} : memref<3x128x128xf32, #tpu.memory_space<vmem>>, vector<1x1x16xf32>,
      %get3A_408 = vector.shape_cast %get3A_407 : vector<1x1x16xf32> to vector<16xf32>
      %add3A_409 = arith.addf %get3A_402, %get3A_408 : vector<16xf32>
      %add3A_410 = arith.constant 128 : i32
      %add3A_411 = arith.addi %add3A_410, %add3A_318 : i32
      %swap3A_412 = arith.index_cast %add3A_411 : i32 to index
      %swap3A_413 = arith.constant 64 : index
      %swap3A_414 = tpu.vector_load %arg10[%swap3A_412, %swap3A_413] {strides = array<i32>} : memref<512x128xf32, #tpu.memory_space<vmem>>, vector<1x16xf32>,
      %swap3A_415 = vector.shape_cast %swap3A_414 : vector<1x16xf32> to vector<16xf32>
      %swap3A_416 = vector.shape_cast %add3A_409 : vector<16xf32> to vector<1x16xf32>
      tpu.vector_store %arg10[%swap3A_412, %swap3A_413], %swap3A_416 {strides = array<i32>} : memref<512x128xf32, #tpu.memory_space<vmem>>, vector<1x16xf32>,
      %add3A_417 = arith.constant 128 : i32
      %add3A_418 = arith.addi %add3A_417, %add3A_318 : i32
      %get3A_419 = arith.index_cast %add3A_418 : i32 to index
      %get3A_420 = arith.constant 80 : index
      %get3A_421 = tpu.vector_load %arg10[%get3A_419, %get3A_420] {strides = array<i32>} : memref<512x128xf32, #tpu.memory_space<vmem>>, vector<1x16xf32>,
      %get3A_422 = vector.shape_cast %get3A_421 : vector<1x16xf32> to vector<16xf32>
      %get3A_423 = arith.constant 1 : i32
      %get3A_424 = arith.index_cast %get3A_423 : i32 to index
      %get3A_425 = arith.index_cast %add3A_318 : i32 to index
      %get3A_426 = arith.constant 80 : index
      %get3A_427 = tpu.vector_load %arg9[%get3A_424, %get3A_425, %get3A_426] {strides = array<i32>} : memref<3x128x128xf32, #tpu.memory_space<vmem>>, vector<1x1x16xf32>,
      %get3A_428 = vector.shape_cast %get3A_427 : vector<1x1x16xf32> to vector<16xf32>
      %add3A_429 = arith.addf %get3A_422, %get3A_428 : vector<16xf32>
      %add3A_430 = arith.constant 128 : i32
      %add3A_431 = arith.addi %add3A_430, %add3A_318 : i32
      %swap3A_432 = arith.index_cast %add3A_431 : i32 to index
      %swap3A_433 = arith.constant 80 : index
      %swap3A_434 = tpu.vector_load %arg10[%swap3A_432, %swap3A_433] {strides = array<i32>} : memref<512x128xf32, #tpu.memory_space<vmem>>, vector<1x16xf32>,
      %swap3A_435 = vector.shape_cast %swap3A_434 : vector<1x16xf32> to vector<16xf32>
      %swap3A_436 = vector.shape_cast %add3A_429 : vector<16xf32> to vector<1x16xf32>
      tpu.vector_store %arg10[%swap3A_432, %swap3A_433], %swap3A_436 {strides = array<i32>} : memref<512x128xf32, #tpu.memory_space<vmem>>, vector<1x16xf32>,
      %add3A_437 = arith.constant 128 : i32
      %add3A_438 = arith.addi %add3A_437, %add3A_318 : i32
      %get3A_439 = arith.index_cast %add3A_438 : i32 to index
      %get3A_440 = arith.constant 96 : index
      %get3A_441 = tpu.vector_load %arg10[%get3A_439, %get3A_440] {strides = array<i32>} : memref<512x128xf32, #tpu.memory_space<vmem>>, vector<1x16xf32>,
      %get3A_442 = vector.shape_cast %get3A_441 : vector<1x16xf32> to vector<16xf32>
      %get3A_443 = arith.constant 1 : i32
      %get3A_444 = arith.index_cast %get3A_443 : i32 to index
      %get3A_445 = arith.index_cast %add3A_318 : i32 to index
      %get3A_446 = arith.constant 96 : index
      %get3A_447 = tpu.vector_load %arg9[%get3A_444, %get3A_445, %get3A_446] {strides = array<i32>} : memref<3x128x128xf32, #tpu.memory_space<vmem>>, vector<1x1x16xf32>,
      %get3A_448 = vector.shape_cast %get3A_447 : vector<1x1x16xf32> to vector<16xf32>
      %add3A_449 = arith.addf %get3A_442, %get3A_448 : vector<16xf32>
      %add3A_450 = arith.constant 128 : i32
      %add3A_451 = arith.addi %add3A_450, %add3A_318 : i32
      %swap3A_452 = arith.index_cast %add3A_451 : i32 to index
      %swap3A_453 = arith.constant 96 : index
      %swap3A_454 = tpu.vector_load %arg10[%swap3A_452, %swap3A_453] {strides = array<i32>} : memref<512x128xf32, #tpu.memory_space<vmem>>, vector<1x16xf32>,
      %swap3A_455 = vector.shape_cast %swap3A_454 : vector<1x16xf32> to vector<16xf32>
      %swap3A_456 = vector.shape_cast %add3A_449 : vector<16xf32> to vector<1x16xf32>
      tpu.vector_store %arg10[%swap3A_452, %swap3A_453], %swap3A_456 {strides = array<i32>} : memref<512x128xf32, #tpu.memory_space<vmem>>, vector<1x16xf32>,
      %add3A_457 = arith.constant 128 : i32
      %add3A_458 = arith.addi %add3A_457, %add3A_318 : i32
      %get3A_459 = arith.index_cast %add3A_458 : i32 to index
      %get3A_460 = arith.constant 112 : index
      %get3A_461 = tpu.vector_load %arg10[%get3A_459, %get3A_460] {strides = array<i32>} : memref<512x128xf32, #tpu.memory_space<vmem>>, vector<1x16xf32>,
      %get3A_462 = vector.shape_cast %get3A_461 : vector<1x16xf32> to vector<16xf32>
      %get3A_463 = arith.constant 1 : i32
      %get3A_464 = arith.index_cast %get3A_463 : i32 to index
      %get3A_465 = arith.index_cast %add3A_318 : i32 to index
      %get3A_466 = arith.constant 112 : index
      %get3A_467 = tpu.vector_load %arg9[%get3A_464, %get3A_465, %get3A_466] {strides = array<i32>} : memref<3x128x128xf32, #tpu.memory_space<vmem>>, vector<1x1x16xf32>,
      %get3A_468 = vector.shape_cast %get3A_467 : vector<1x1x16xf32> to vector<16xf32>
      %add3A_469 = arith.addf %get3A_462, %get3A_468 : vector<16xf32>
      %add3A_470 = arith.constant 128 : i32
      %add3A_471 = arith.addi %add3A_470, %add3A_318 : i32
      %swap3A_472 = arith.index_cast %add3A_471 : i32 to index
      %swap3A_473 = arith.constant 112 : index
      %swap3A_474 = tpu.vector_load %arg10[%swap3A_472, %swap3A_473] {strides = array<i32>} : memref<512x128xf32, #tpu.memory_space<vmem>>, vector<1x16xf32>,
      %swap3A_475 = vector.shape_cast %swap3A_474 : vector<1x16xf32> to vector<16xf32>
      %swap3A_476 = vector.shape_cast %add3A_469 : vector<16xf32> to vector<1x16xf32>
      tpu.vector_store %arg10[%swap3A_472, %swap3A_473], %swap3A_476 {strides = array<i32>} : memref<512x128xf32, #tpu.memory_space<vmem>>, vector<1x16xf32>,
      %mul3A_477 = arith.constant 2 : i32
      %mul3A_478 = arith.muli %scan3A_314, %mul3A_477 : i32
      %add3A_479 = arith.constant 1 : i32
      %add3A_480 = arith.addi %mul3A_478, %add3A_479 : i32
      %add3A_481 = arith.constant 128 : i32
      %add3A_482 = arith.addi %add3A_481, %add3A_480 : i32
      %get3A_483 = arith.index_cast %add3A_482 : i32 to index
      %get3A_484 = arith.constant 0 : index
      %get3A_485 = tpu.vector_load %arg10[%get3A_483, %get3A_484] {strides = array<i32>} : memref<512x128xf32, #tpu.memory_space<vmem>>, vector<1x16xf32>,
      %get3A_486 = vector.shape_cast %get3A_485 : vector<1x16xf32> to vector<16xf32>
      %get3A_487 = arith.constant 1 : i32
      %get3A_488 = arith.index_cast %get3A_487 : i32 to index
      %get3A_489 = arith.index_cast %add3A_480 : i32 to index
      %get3A_490 = arith.constant 0 : index
      %get3A_491 = tpu.vector_load %arg9[%get3A_488, %get3A_489, %get3A_490] {strides = array<i32>} : memref<3x128x128xf32, #tpu.memory_space<vmem>>, vector<1x1x16xf32>,
      %get3A_492 = vector.shape_cast %get3A_491 : vector<1x1x16xf32> to vector<16xf32>
      %add3A_493 = arith.addf %get3A_486, %get3A_492 : vector<16xf32>
      %add3A_494 = arith.constant 128 : i32
      %add3A_495 = arith.addi %add3A_494, %add3A_480 : i32
      %swap3A_496 = arith.index_cast %add3A_495 : i32 to index
      %swap3A_497 = arith.constant 0 : index
      %swap3A_498 = tpu.vector_load %arg10[%swap3A_496, %swap3A_497] {strides = array<i32>} : memref<512x128xf32, #tpu.memory_space<vmem>>, vector<1x16xf32>,
      %swap3A_499 = vector.shape_cast %swap3A_498 : vector<1x16xf32> to vector<16xf32>
      %swap3A_500 = vector.shape_cast %add3A_493 : vector<16xf32> to vector<1x16xf32>
      tpu.vector_store %arg10[%swap3A_496, %swap3A_497], %swap3A_500 {strides = array<i32>} : memref<512x128xf32, #tpu.memory_space<vmem>>, vector<1x16xf32>,
      %add3A_501 = arith.constant 128 : i32
      %add3A_502 = arith.addi %add3A_501, %add3A_480 : i32
      %get3A_503 = arith.index_cast %add3A_502 : i32 to index
      %get3A_504 = arith.constant 16 : index
      %get3A_505 = tpu.vector_load %arg10[%get3A_503, %get3A_504] {strides = array<i32>} : memref<512x128xf32, #tpu.memory_space<vmem>>, vector<1x16xf32>,
      %get3A_506 = vector.shape_cast %get3A_505 : vector<1x16xf32> to vector<16xf32>
      %get3A_507 = arith.constant 1 : i32
      %get3A_508 = arith.index_cast %get3A_507 : i32 to index
      %get3A_509 = arith.index_cast %add3A_480 : i32 to index
      %get3A_510 = arith.constant 16 : index
      %get3A_511 = tpu.vector_load %arg9[%get3A_508, %get3A_509, %get3A_510] {strides = array<i32>} : memref<3x128x128xf32, #tpu.memory_space<vmem>>, vector<1x1x16xf32>,
      %get3A_512 = vector.shape_cast %get3A_511 : vector<1x1x16xf32> to vector<16xf32>
      %add3A_513 = arith.addf %get3A_506, %get3A_512 : vector<16xf32>
      %add3A_514 = arith.constant 128 : i32
      %add3A_515 = arith.addi %add3A_514, %add3A_480 : i32
      %swap3A_516 = arith.index_cast %add3A_515 : i32 to index
      %swap3A_517 = arith.constant 16 : index
      %swap3A_518 = tpu.vector_load %arg10[%swap3A_516, %swap3A_517] {strides = array<i32>} : memref<512x128xf32, #tpu.memory_space<vmem>>, vector<1x16xf32>,
      %swap3A_519 = vector.shape_cast %swap3A_518 : vector<1x16xf32> to vector<16xf32>
      %swap3A_520 = vector.shape_cast %add3A_513 : vector<16xf32> to vector<1x16xf32>
      tpu.vector_store %arg10[%swap3A_516, %swap3A_517], %swap3A_520 {strides = array<i32>} : memref<512x128xf32, #tpu.memory_space<vmem>>, vector<1x16xf32>,
      %add3A_521 = arith.constant 128 : i32
      %add3A_522 = arith.addi %add3A_521, %add3A_480 : i32
      %get3A_523 = arith.index_cast %add3A_522 : i32 to index
      %get3A_524 = arith.constant 32 : index
      %get3A_525 = tpu.vector_load %arg10[%get3A_523, %get3A_524] {strides = array<i32>} : memref<512x128xf32, #tpu.memory_space<vmem>>, vector<1x16xf32>,
      %get3A_526 = vector.shape_cast %get3A_525 : vector<1x16xf32> to vector<16xf32>
      %get3A_527 = arith.constant 1 : i32
      %get3A_528 = arith.index_cast %get3A_527 : i32 to index
      %get3A_529 = arith.index_cast %add3A_480 : i32 to index
      %get3A_530 = arith.constant 32 : index
      %get3A_531 = tpu.vector_load %arg9[%get3A_528, %get3A_529, %get3A_530] {strides = array<i32>} : memref<3x128x128xf32, #tpu.memory_space<vmem>>, vector<1x1x16xf32>,
      %get3A_532 = vector.shape_cast %get3A_531 : vector<1x1x16xf32> to vector<16xf32>
      %add3A_533 = arith.addf %get3A_526, %get3A_532 : vector<16xf32>
      %add3A_534 = arith.constant 128 : i32
      %add3A_535 = arith.addi %add3A_534, %add3A_480 : i32
      %swap3A_536 = arith.index_cast %add3A_535 : i32 to index
      %swap3A_537 = arith.constant 32 : index
      %swap3A_538 = tpu.vector_load %arg10[%swap3A_536, %swap3A_537] {strides = array<i32>} : memref<512x128xf32, #tpu.memory_space<vmem>>, vector<1x16xf32>,
      %swap3A_539 = vector.shape_cast %swap3A_538 : vector<1x16xf32> to vector<16xf32>
      %swap3A_540 = vector.shape_cast %add3A_533 : vector<16xf32> to vector<1x16xf32>
      tpu.vector_store %arg10[%swap3A_536, %swap3A_537], %swap3A_540 {strides = array<i32>} : memref<512x128xf32, #tpu.memory_space<vmem>>, vector<1x16xf32>,
      %add3A_541 = arith.constant 128 : i32
      %add3A_542 = arith.addi %add3A_541, %add3A_480 : i32
      %get3A_543 = arith.index_cast %add3A_542 : i32 to index
      %get3A_544 = arith.constant 48 : index
      %get3A_545 = tpu.vector_load %arg10[%get3A_543, %get3A_544] {strides = array<i32>} : memref<512x128xf32, #tpu.memory_space<vmem>>, vector<1x16xf32>,
      %get3A_546 = vector.shape_cast %get3A_545 : vector<1x16xf32> to vector<16xf32>
      %get3A_547 = arith.constant 1 : i32
      %get3A_548 = arith.index_cast %get3A_547 : i32 to index
      %get3A_549 = arith.index_cast %add3A_480 : i32 to index
      %get3A_550 = arith.constant 48 : index
      %get3A_551 = tpu.vector_load %arg9[%get3A_548, %get3A_549, %get3A_550] {strides = array<i32>} : memref<3x128x128xf32, #tpu.memory_space<vmem>>, vector<1x1x16xf32>,
      %get3A_552 = vector.shape_cast %get3A_551 : vector<1x1x16xf32> to vector<16xf32>
      %add3A_553 = arith.addf %get3A_546, %get3A_552 : vector<16xf32>
      %add3A_554 = arith.constant 128 : i32
      %add3A_555 = arith.addi %add3A_554, %add3A_480 : i32
      %swap3A_556 = arith.index_cast %add3A_555 : i32 to index
      %swap3A_557 = arith.constant 48 : index
      %swap3A_558 = tpu.vector_load %arg10[%swap3A_556, %swap3A_557] {strides = array<i32>} : memref<512x128xf32, #tpu.memory_space<vmem>>, vector<1x16xf32>,
      %swap3A_559 = vector.shape_cast %swap3A_558 : vector<1x16xf32> to vector<16xf32>
      %swap3A_560 = vector.shape_cast %add3A_553 : vector<16xf32> to vector<1x16xf32>
      tpu.vector_store %arg10[%swap3A_556, %swap3A_557], %swap3A_560 {strides = array<i32>} : memref<512x128xf32, #tpu.memory_space<vmem>>, vector<1x16xf32>,
      %add3A_561 = arith.constant 128 : i32
      %add3A_562 = arith.addi %add3A_561, %add3A_480 : i32
      %get3A_563 = arith.index_cast %add3A_562 : i32 to index
      %get3A_564 = arith.constant 64 : index
      %get3A_565 = tpu.vector_load %arg10[%get3A_563, %get3A_564] {strides = array<i32>} : memref<512x128xf32, #tpu.memory_space<vmem>>, vector<1x16xf32>,
      %get3A_566 = vector.shape_cast %get3A_565 : vector<1x16xf32> to vector<16xf32>
      %get3A_567 = arith.constant 1 : i32
      %get3A_568 = arith.index_cast %get3A_567 : i32 to index
      %get3A_569 = arith.index_cast %add3A_480 : i32 to index
      %get3A_570 = arith.constant 64 : index
      %get3A_571 = tpu.vector_load %arg9[%get3A_568, %get3A_569, %get3A_570] {strides = array<i32>} : memref<3x128x128xf32, #tpu.memory_space<vmem>>, vector<1x1x16xf32>,
      %get3A_572 = vector.shape_cast %get3A_571 : vector<1x1x16xf32> to vector<16xf32>
      %add3A_573 = arith.addf %get3A_566, %get3A_572 : vector<16xf32>
      %add3A_574 = arith.constant 128 : i32
      %add3A_575 = arith.addi %add3A_574, %add3A_480 : i32
      %swap3A_576 = arith.index_cast %add3A_575 : i32 to index
      %swap3A_577 = arith.constant 64 : index
      %swap3A_578 = tpu.vector_load %arg10[%swap3A_576, %swap3A_577] {strides = array<i32>} : memref<512x128xf32, #tpu.memory_space<vmem>>, vector<1x16xf32>,
      %swap3A_579 = vector.shape_cast %swap3A_578 : vector<1x16xf32> to vector<16xf32>
      %swap3A_580 = vector.shape_cast %add3A_573 : vector<16xf32> to vector<1x16xf32>
      tpu.vector_store %arg10[%swap3A_576, %swap3A_577], %swap3A_580 {strides = array<i32>} : memref<512x128xf32, #tpu.memory_space<vmem>>, vector<1x16xf32>,
      %add3A_581 = arith.constant 128 : i32
      %add3A_582 = arith.addi %add3A_581, %add3A_480 : i32
      %get3A_583 = arith.index_cast %add3A_582 : i32 to index
      %get3A_584 = arith.constant 80 : index
      %get3A_585 = tpu.vector_load %arg10[%get3A_583, %get3A_584] {strides = array<i32>} : memref<512x128xf32, #tpu.memory_space<vmem>>, vector<1x16xf32>,
      %get3A_586 = vector.shape_cast %get3A_585 : vector<1x16xf32> to vector<16xf32>
      %get3A_587 = arith.constant 1 : i32
      %get3A_588 = arith.index_cast %get3A_587 : i32 to index
      %get3A_589 = arith.index_cast %add3A_480 : i32 to index
      %get3A_590 = arith.constant 80 : index
      %get3A_591 = tpu.vector_load %arg9[%get3A_588, %get3A_589, %get3A_590] {strides = array<i32>} : memref<3x128x128xf32, #tpu.memory_space<vmem>>, vector<1x1x16xf32>,
      %get3A_592 = vector.shape_cast %get3A_591 : vector<1x1x16xf32> to vector<16xf32>
      %add3A_593 = arith.addf %get3A_586, %get3A_592 : vector<16xf32>
      %add3A_594 = arith.constant 128 : i32
      %add3A_595 = arith.addi %add3A_594, %add3A_480 : i32
      %swap3A_596 = arith.index_cast %add3A_595 : i32 to index
      %swap3A_597 = arith.constant 80 : index
      %swap3A_598 = tpu.vector_load %arg10[%swap3A_596, %swap3A_597] {strides = array<i32>} : memref<512x128xf32, #tpu.memory_space<vmem>>, vector<1x16xf32>,
      %swap3A_599 = vector.shape_cast %swap3A_598 : vector<1x16xf32> to vector<16xf32>
      %swap3A_600 = vector.shape_cast %add3A_593 : vector<16xf32> to vector<1x16xf32>
      tpu.vector_store %arg10[%swap3A_596, %swap3A_597], %swap3A_600 {strides = array<i32>} : memref<512x128xf32, #tpu.memory_space<vmem>>, vector<1x16xf32>,
      %add3A_601 = arith.constant 128 : i32
      %add3A_602 = arith.addi %add3A_601, %add3A_480 : i32
      %get3A_603 = arith.index_cast %add3A_602 : i32 to index
      %get3A_604 = arith.constant 96 : index
      %get3A_605 = tpu.vector_load %arg10[%get3A_603, %get3A_604] {strides = array<i32>} : memref<512x128xf32, #tpu.memory_space<vmem>>, vector<1x16xf32>,
      %get3A_606 = vector.shape_cast %get3A_605 : vector<1x16xf32> to vector<16xf32>
      %get3A_607 = arith.constant 1 : i32
      %get3A_608 = arith.index_cast %get3A_607 : i32 to index
      %get3A_609 = arith.index_cast %add3A_480 : i32 to index
      %get3A_610 = arith.constant 96 : index
      %get3A_611 = tpu.vector_load %arg9[%get3A_608, %get3A_609, %get3A_610] {strides = array<i32>} : memref<3x128x128xf32, #tpu.memory_space<vmem>>, vector<1x1x16xf32>,
      %get3A_612 = vector.shape_cast %get3A_611 : vector<1x1x16xf32> to vector<16xf32>
      %add3A_613 = arith.addf %get3A_606, %get3A_612 : vector<16xf32>
      %add3A_614 = arith.constant 128 : i32
      %add3A_615 = arith.addi %add3A_614, %add3A_480 : i32
      %swap3A_616 = arith.index_cast %add3A_615 : i32 to index
      %swap3A_617 = arith.constant 96 : index
      %swap3A_618 = tpu.vector_load %arg10[%swap3A_616, %swap3A_617] {strides = array<i32>} : memref<512x128xf32, #tpu.memory_space<vmem>>, vector<1x16xf32>,
      %swap3A_619 = vector.shape_cast %swap3A_618 : vector<1x16xf32> to vector<16xf32>
      %swap3A_620 = vector.shape_cast %add3A_613 : vector<16xf32> to vector<1x16xf32>
      tpu.vector_store %arg10[%swap3A_616, %swap3A_617], %swap3A_620 {strides = array<i32>} : memref<512x128xf32, #tpu.memory_space<vmem>>, vector<1x16xf32>,
      %add3A_621 = arith.constant 128 : i32
      %add3A_622 = arith.addi %add3A_621, %add3A_480 : i32
      %get3A_623 = arith.index_cast %add3A_622 : i32 to index
      %get3A_624 = arith.constant 112 : index
      %get3A_625 = tpu.vector_load %arg10[%get3A_623, %get3A_624] {strides = array<i32>} : memref<512x128xf32, #tpu.memory_space<vmem>>, vector<1x16xf32>,
      %get3A_626 = vector.shape_cast %get3A_625 : vector<1x16xf32> to vector<16xf32>
      %get3A_627 = arith.constant 1 : i32
      %get3A_628 = arith.index_cast %get3A_627 : i32 to index
      %get3A_629 = arith.index_cast %add3A_480 : i32 to index
      %get3A_630 = arith.constant 112 : index
      %get3A_631 = tpu.vector_load %arg9[%get3A_628, %get3A_629, %get3A_630] {strides = array<i32>} : memref<3x128x128xf32, #tpu.memory_space<vmem>>, vector<1x1x16xf32>,
      %get3A_632 = vector.shape_cast %get3A_631 : vector<1x1x16xf32> to vector<16xf32>
      %add3A_633 = arith.addf %get3A_626, %get3A_632 : vector<16xf32>
      %add3A_634 = arith.constant 128 : i32
      %add3A_635 = arith.addi %add3A_634, %add3A_480 : i32
      %swap3A_636 = arith.index_cast %add3A_635 : i32 to index
      %swap3A_637 = arith.constant 112 : index
      %swap3A_638 = tpu.vector_load %arg10[%swap3A_636, %swap3A_637] {strides = array<i32>} : memref<512x128xf32, #tpu.memory_space<vmem>>, vector<1x16xf32>,
      %swap3A_639 = vector.shape_cast %swap3A_638 : vector<1x16xf32> to vector<16xf32>
      %swap3A_640 = vector.shape_cast %add3A_633 : vector<16xf32> to vector<1x16xf32>
      tpu.vector_store %arg10[%swap3A_636, %swap3A_637], %swap3A_640 {strides = array<i32>} : memref<512x128xf32, #tpu.memory_space<vmem>>, vector<1x16xf32>,
    }
    %scan3A_171 = arith.constant 64 : i32
    %add3A_172 = arith.constant 128 : i32
    %add3A_173 = arith.addi %mul3A_2, %add3A_172 : i32
    %dma_start3A_174 = arith.constant 128 : i32
    %dma_start3A_175 = arith.constant 0 : i32
    %dma_start3A_176 = tpu.memref_slice %arg10[%dma_start3A_174, %dma_start3A_175] : memref<512x128xf32, #tpu.memory_space<vmem>> -> memref<128x128xf32, #tpu.memory_space<vmem>>
    %dma_start3A_177 = arith.constant 0 : i32
    %dma_start3A_178 = tpu.memref_slice %arg6[%add3A_173, %dma_start3A_177] : memref<16384x128xf32, #tpu.memory_space<hbm>> -> memref<128x128xf32, #tpu.memory_space<hbm>>
    %dma_start3A_179 = arith.constant 0 : i32
    %dma_start3A_180 = tpu.memref_slice %arg6[%add3A_173, %dma_start3A_179] : memref<16384x128xf32, #tpu.memory_space<hbm>> -> memref<128x128xf32, #tpu.memory_space<hbm>>
    %dma_start3A_181 = arith.constant 128 : i32
    %dma_start3A_182 = arith.constant 0 : i32
    %dma_start3A_183 = tpu.memref_slice %arg10[%dma_start3A_181, %dma_start3A_182] : memref<512x128xf32, #tpu.memory_space<vmem>> -> memref<128x128xf32, #tpu.memory_space<vmem>>
    tpu.enqueue_dma source(%dma_start3A_183 : memref<128x128xf32, #tpu.memory_space<vmem>>) target(%dma_start3A_180 : memref<128x128xf32, #tpu.memory_space<hbm>>) target_semaphore(%arg19 : memref<!tpu.dma_semaphore, #tpu.memory_space<semaphore_mem>>)
    %dma_wait3A_184 = arith.constant 2 : i32
    %dma_wait3A_185 = arith.constant 2 : i32
    %dma_wait3A_186 = arith.constant 0 : i32
    %dma_wait3A_187 = arith.constant 0 : i32
    %dma_wait3A_188 = tpu.memref_slice %arg9[%dma_wait3A_185, %dma_wait3A_186, %dma_wait3A_187] : memref<3x128x128xf32, #tpu.memory_space<vmem>> -> memref<1x128x128xf32, #tpu.memory_space<vmem>>
    %dma_wait3A_189 = tpu.memref_squeeze %dma_wait3A_188 : memref<1x128x128xf32, #tpu.memory_space<vmem>> -> memref<128x128xf32, #tpu.memory_space<vmem>>
    %dma_wait3A_190 = arith.constant 0 : i32
    %dma_wait3A_191 = tpu.memref_slice %arg8[%dma_wait3A_184, %dma_wait3A_190] : memref<4x128xi32, #tpu.memory_space<vmem>> -> memref<1x128xi32, #tpu.memory_space<vmem>>
    %dma_wait3A_192 = tpu.memref_squeeze %dma_wait3A_191 : memref<1x128xi32, #tpu.memory_space<vmem>> -> memref<128xi32, #tpu.memory_space<vmem>>
    %dma_wait3A_193 = arith.constant 0 : i32
    %dma_wait3A_194 = arith.constant 0 : i32
    %dma_wait3A_195 = tpu.memref_slice %arg5[%dma_wait3A_193, %dma_wait3A_194] : memref<65536x128xf32, #tpu.memory_space<hbm>> -> memref<65536x128xf32, #tpu.memory_space<hbm>>
    tpu.wait_indirect_dma semaphore(%arg17 : memref<!tpu.dma_semaphore, #tpu.memory_space<semaphore_mem>>) src(%dma_wait3A_195 : memref<65536x128xf32, #tpu.memory_space<hbm>>) dst(%dma_wait3A_189 : memref<128x128xf32, #tpu.memory_space<vmem>>)
    %scan3A_196 = arith.constant 0 : i32
    %scan3A_197 = arith.constant 0 : i32
    %scan3A_198 = arith.constant 64 : i32
    %scan3A_199 = arith.addi %scan3A_197, %scan3A_198 : i32
    %scan3A_200 = arith.constant 1 : i32
    scf.for %scan3A_314 = %scan3A_197 to %scan3A_199 step %scan3A_200  : i32 {
      %mul3A_315 = arith.constant 2 : i32
      %mul3A_316 = arith.muli %scan3A_314, %mul3A_315 : i32
      %add3A_317 = arith.constant 0 : i32
      %add3A_318 = arith.addi %mul3A_316, %add3A_317 : i32
      %add3A_319 = arith.constant 256 : i32
      %add3A_320 = arith.addi %add3A_319, %add3A_318 : i32
      %get3A = arith.index_cast %add3A_320 : i32 to index
      %get3A_321 = arith.constant 0 : index
      %get3A_322 = tpu.vector_load %arg10[%get3A, %get3A_321] {strides = array<i32>} : memref<512x128xf32, #tpu.memory_space<vmem>>, vector<1x16xf32>,
      %get3A_323 = vector.shape_cast %get3A_322 : vector<1x16xf32> to vector<16xf32>
      %get3A_324 = arith.constant 2 : i32
      %get3A_325 = arith.index_cast %get3A_324 : i32 to index
      %get3A_326 = arith.index_cast %add3A_318 : i32 to index
      %get3A_327 = arith.constant 0 : index
      %get3A_328 = tpu.vector_load %arg9[%get3A_325, %get3A_326, %get3A_327] {strides = array<i32>} : memref<3x128x128xf32, #tpu.memory_space<vmem>>, vector<1x1x16xf32>,
      %get3A_329 = vector.shape_cast %get3A_328 : vector<1x1x16xf32> to vector<16xf32>
      %add3A_330 = arith.addf %get3A_323, %get3A_329 : vector<16xf32>
      %add3A_331 = arith.constant 256 : i32
      %add3A_332 = arith.addi %add3A_331, %add3A_318 : i32
      %swap3A = arith.index_cast %add3A_332 : i32 to index
      %swap3A_333 = arith.constant 0 : index
      %swap3A_334 = tpu.vector_load %arg10[%swap3A, %swap3A_333] {strides = array<i32>} : memref<512x128xf32, #tpu.memory_space<vmem>>, vector<1x16xf32>,
      %swap3A_335 = vector.shape_cast %swap3A_334 : vector<1x16xf32> to vector<16xf32>
      %swap3A_336 = vector.shape_cast %add3A_330 : vector<16xf32> to vector<1x16xf32>
      tpu.vector_store %arg10[%swap3A, %swap3A_333], %swap3A_336 {strides = array<i32>} : memref<512x128xf32, #tpu.memory_space<vmem>>, vector<1x16xf32>,
      %add3A_337 = arith.constant 256 : i32
      %add3A_338 = arith.addi %add3A_337, %add3A_318 : i32
      %get3A_339 = arith.index_cast %add3A_338 : i32 to index
      %get3A_340 = arith.constant 16 : index
      %get3A_341 = tpu.vector_load %arg10[%get3A_339, %get3A_340] {strides = array<i32>} : memref<512x128xf32, #tpu.memory_space<vmem>>, vector<1x16xf32>,
      %get3A_342 = vector.shape_cast %get3A_341 : vector<1x16xf32> to vector<16xf32>
      %get3A_343 = arith.constant 2 : i32
      %get3A_344 = arith.index_cast %get3A_343 : i32 to index
      %get3A_345 = arith.index_cast %add3A_318 : i32 to index
      %get3A_346 = arith.constant 16 : index
      %get3A_347 = tpu.vector_load %arg9[%get3A_344, %get3A_345, %get3A_346] {strides = array<i32>} : memref<3x128x128xf32, #tpu.memory_space<vmem>>, vector<1x1x16xf32>,
      %get3A_348 = vector.shape_cast %get3A_347 : vector<1x1x16xf32> to vector<16xf32>
      %add3A_349 = arith.addf %get3A_342, %get3A_348 : vector<16xf32>
      %add3A_350 = arith.constant 256 : i32
      %add3A_351 = arith.addi %add3A_350, %add3A_318 : i32
      %swap3A_352 = arith.index_cast %add3A_351 : i32 to index
      %swap3A_353 = arith.constant 16 : index
      %swap3A_354 = tpu.vector_load %arg10[%swap3A_352, %swap3A_353] {strides = array<i32>} : memref<512x128xf32, #tpu.memory_space<vmem>>, vector<1x16xf32>,
      %swap3A_355 = vector.shape_cast %swap3A_354 : vector<1x16xf32> to vector<16xf32>
      %swap3A_356 = vector.shape_cast %add3A_349 : vector<16xf32> to vector<1x16xf32>
      tpu.vector_store %arg10[%swap3A_352, %swap3A_353], %swap3A_356 {strides = array<i32>} : memref<512x128xf32, #tpu.memory_space<vmem>>, vector<1x16xf32>,
      %add3A_357 = arith.constant 256 : i32
      %add3A_358 = arith.addi %add3A_357, %add3A_318 : i32
      %get3A_359 = arith.index_cast %add3A_358 : i32 to index
      %get3A_360 = arith.constant 32 : index
      %get3A_361 = tpu.vector_load %arg10[%get3A_359, %get3A_360] {strides = array<i32>} : memref<512x128xf32, #tpu.memory_space<vmem>>, vector<1x16xf32>,
      %get3A_362 = vector.shape_cast %get3A_361 : vector<1x16xf32> to vector<16xf32>
      %get3A_363 = arith.constant 2 : i32
      %get3A_364 = arith.index_cast %get3A_363 : i32 to index
      %get3A_365 = arith.index_cast %add3A_318 : i32 to index
      %get3A_366 = arith.constant 32 : index
      %get3A_367 = tpu.vector_load %arg9[%get3A_364, %get3A_365, %get3A_366] {strides = array<i32>} : memref<3x128x128xf32, #tpu.memory_space<vmem>>, vector<1x1x16xf32>,
      %get3A_368 = vector.shape_cast %get3A_367 : vector<1x1x16xf32> to vector<16xf32>
      %add3A_369 = arith.addf %get3A_362, %get3A_368 : vector<16xf32>
      %add3A_370 = arith.constant 256 : i32
      %add3A_371 = arith.addi %add3A_370, %add3A_318 : i32
      %swap3A_372 = arith.index_cast %add3A_371 : i32 to index
      %swap3A_373 = arith.constant 32 : index
      %swap3A_374 = tpu.vector_load %arg10[%swap3A_372, %swap3A_373] {strides = array<i32>} : memref<512x128xf32, #tpu.memory_space<vmem>>, vector<1x16xf32>,
      %swap3A_375 = vector.shape_cast %swap3A_374 : vector<1x16xf32> to vector<16xf32>
      %swap3A_376 = vector.shape_cast %add3A_369 : vector<16xf32> to vector<1x16xf32>
      tpu.vector_store %arg10[%swap3A_372, %swap3A_373], %swap3A_376 {strides = array<i32>} : memref<512x128xf32, #tpu.memory_space<vmem>>, vector<1x16xf32>,
      %add3A_377 = arith.constant 256 : i32
      %add3A_378 = arith.addi %add3A_377, %add3A_318 : i32
      %get3A_379 = arith.index_cast %add3A_378 : i32 to index
      %get3A_380 = arith.constant 48 : index
      %get3A_381 = tpu.vector_load %arg10[%get3A_379, %get3A_380] {strides = array<i32>} : memref<512x128xf32, #tpu.memory_space<vmem>>, vector<1x16xf32>,
      %get3A_382 = vector.shape_cast %get3A_381 : vector<1x16xf32> to vector<16xf32>
      %get3A_383 = arith.constant 2 : i32
      %get3A_384 = arith.index_cast %get3A_383 : i32 to index
      %get3A_385 = arith.index_cast %add3A_318 : i32 to index
      %get3A_386 = arith.constant 48 : index
      %get3A_387 = tpu.vector_load %arg9[%get3A_384, %get3A_385, %get3A_386] {strides = array<i32>} : memref<3x128x128xf32, #tpu.memory_space<vmem>>, vector<1x1x16xf32>,
      %get3A_388 = vector.shape_cast %get3A_387 : vector<1x1x16xf32> to vector<16xf32>
      %add3A_389 = arith.addf %get3A_382, %get3A_388 : vector<16xf32>
      %add3A_390 = arith.constant 256 : i32
      %add3A_391 = arith.addi %add3A_390, %add3A_318 : i32
      %swap3A_392 = arith.index_cast %add3A_391 : i32 to index
      %swap3A_393 = arith.constant 48 : index
      %swap3A_394 = tpu.vector_load %arg10[%swap3A_392, %swap3A_393] {strides = array<i32>} : memref<512x128xf32, #tpu.memory_space<vmem>>, vector<1x16xf32>,
      %swap3A_395 = vector.shape_cast %swap3A_394 : vector<1x16xf32> to vector<16xf32>
      %swap3A_396 = vector.shape_cast %add3A_389 : vector<16xf32> to vector<1x16xf32>
      tpu.vector_store %arg10[%swap3A_392, %swap3A_393], %swap3A_396 {strides = array<i32>} : memref<512x128xf32, #tpu.memory_space<vmem>>, vector<1x16xf32>,
      %add3A_397 = arith.constant 256 : i32
      %add3A_398 = arith.addi %add3A_397, %add3A_318 : i32
      %get3A_399 = arith.index_cast %add3A_398 : i32 to index
      %get3A_400 = arith.constant 64 : index
      %get3A_401 = tpu.vector_load %arg10[%get3A_399, %get3A_400] {strides = array<i32>} : memref<512x128xf32, #tpu.memory_space<vmem>>, vector<1x16xf32>,
      %get3A_402 = vector.shape_cast %get3A_401 : vector<1x16xf32> to vector<16xf32>
      %get3A_403 = arith.constant 2 : i32
      %get3A_404 = arith.index_cast %get3A_403 : i32 to index
      %get3A_405 = arith.index_cast %add3A_318 : i32 to index
      %get3A_406 = arith.constant 64 : index
      %get3A_407 = tpu.vector_load %arg9[%get3A_404, %get3A_405, %get3A_406] {strides = array<i32>} : memref<3x128x128xf32, #tpu.memory_space<vmem>>, vector<1x1x16xf32>,
      %get3A_408 = vector.shape_cast %get3A_407 : vector<1x1x16xf32> to vector<16xf32>
      %add3A_409 = arith.addf %get3A_402, %get3A_408 : vector<16xf32>
      %add3A_410 = arith.constant 256 : i32
      %add3A_411 = arith.addi %add3A_410, %add3A_318 : i32
      %swap3A_412 = arith.index_cast %add3A_411 : i32 to index
      %swap3A_413 = arith.constant 64 : index
      %swap3A_414 = tpu.vector_load %arg10[%swap3A_412, %swap3A_413] {strides = array<i32>} : memref<512x128xf32, #tpu.memory_space<vmem>>, vector<1x16xf32>,
      %swap3A_415 = vector.shape_cast %swap3A_414 : vector<1x16xf32> to vector<16xf32>
      %swap3A_416 = vector.shape_cast %add3A_409 : vector<16xf32> to vector<1x16xf32>
      tpu.vector_store %arg10[%swap3A_412, %swap3A_413], %swap3A_416 {strides = array<i32>} : memref<512x128xf32, #tpu.memory_space<vmem>>, vector<1x16xf32>,
      %add3A_417 = arith.constant 256 : i32
      %add3A_418 = arith.addi %add3A_417, %add3A_318 : i32
      %get3A_419 = arith.index_cast %add3A_418 : i32 to index
      %get3A_420 = arith.constant 80 : index
      %get3A_421 = tpu.vector_load %arg10[%get3A_419, %get3A_420] {strides = array<i32>} : memref<512x128xf32, #tpu.memory_space<vmem>>, vector<1x16xf32>,
      %get3A_422 = vector.shape_cast %get3A_421 : vector<1x16xf32> to vector<16xf32>
      %get3A_423 = arith.constant 2 : i32
      %get3A_424 = arith.index_cast %get3A_423 : i32 to index
      %get3A_425 = arith.index_cast %add3A_318 : i32 to index
      %get3A_426 = arith.constant 80 : index
      %get3A_427 = tpu.vector_load %arg9[%get3A_424, %get3A_425, %get3A_426] {strides = array<i32>} : memref<3x128x128xf32, #tpu.memory_space<vmem>>, vector<1x1x16xf32>,
      %get3A_428 = vector.shape_cast %get3A_427 : vector<1x1x16xf32> to vector<16xf32>
      %add3A_429 = arith.addf %get3A_422, %get3A_428 : vector<16xf32>
      %add3A_430 = arith.constant 256 : i32
      %add3A_431 = arith.addi %add3A_430, %add3A_318 : i32
      %swap3A_432 = arith.index_cast %add3A_431 : i32 to index
      %swap3A_433 = arith.constant 80 : index
      %swap3A_434 = tpu.vector_load %arg10[%swap3A_432, %swap3A_433] {strides = array<i32>} : memref<512x128xf32, #tpu.memory_space<vmem>>, vector<1x16xf32>,
      %swap3A_435 = vector.shape_cast %swap3A_434 : vector<1x16xf32> to vector<16xf32>
      %swap3A_436 = vector.shape_cast %add3A_429 : vector<16xf32> to vector<1x16xf32>
      tpu.vector_store %arg10[%swap3A_432, %swap3A_433], %swap3A_436 {strides = array<i32>} : memref<512x128xf32, #tpu.memory_space<vmem>>, vector<1x16xf32>,
      %add3A_437 = arith.constant 256 : i32
      %add3A_438 = arith.addi %add3A_437, %add3A_318 : i32
      %get3A_439 = arith.index_cast %add3A_438 : i32 to index
      %get3A_440 = arith.constant 96 : index
      %get3A_441 = tpu.vector_load %arg10[%get3A_439, %get3A_440] {strides = array<i32>} : memref<512x128xf32, #tpu.memory_space<vmem>>, vector<1x16xf32>,
      %get3A_442 = vector.shape_cast %get3A_441 : vector<1x16xf32> to vector<16xf32>
      %get3A_443 = arith.constant 2 : i32
      %get3A_444 = arith.index_cast %get3A_443 : i32 to index
      %get3A_445 = arith.index_cast %add3A_318 : i32 to index
      %get3A_446 = arith.constant 96 : index
      %get3A_447 = tpu.vector_load %arg9[%get3A_444, %get3A_445, %get3A_446] {strides = array<i32>} : memref<3x128x128xf32, #tpu.memory_space<vmem>>, vector<1x1x16xf32>,
      %get3A_448 = vector.shape_cast %get3A_447 : vector<1x1x16xf32> to vector<16xf32>
      %add3A_449 = arith.addf %get3A_442, %get3A_448 : vector<16xf32>
      %add3A_450 = arith.constant 256 : i32
      %add3A_451 = arith.addi %add3A_450, %add3A_318 : i32
      %swap3A_452 = arith.index_cast %add3A_451 : i32 to index
      %swap3A_453 = arith.constant 96 : index
      %swap3A_454 = tpu.vector_load %arg10[%swap3A_452, %swap3A_453] {strides = array<i32>} : memref<512x128xf32, #tpu.memory_space<vmem>>, vector<1x16xf32>,
      %swap3A_455 = vector.shape_cast %swap3A_454 : vector<1x16xf32> to vector<16xf32>
      %swap3A_456 = vector.shape_cast %add3A_449 : vector<16xf32> to vector<1x16xf32>
      tpu.vector_store %arg10[%swap3A_452, %swap3A_453], %swap3A_456 {strides = array<i32>} : memref<512x128xf32, #tpu.memory_space<vmem>>, vector<1x16xf32>,
      %add3A_457 = arith.constant 256 : i32
      %add3A_458 = arith.addi %add3A_457, %add3A_318 : i32
      %get3A_459 = arith.index_cast %add3A_458 : i32 to index
      %get3A_460 = arith.constant 112 : index
      %get3A_461 = tpu.vector_load %arg10[%get3A_459, %get3A_460] {strides = array<i32>} : memref<512x128xf32, #tpu.memory_space<vmem>>, vector<1x16xf32>,
      %get3A_462 = vector.shape_cast %get3A_461 : vector<1x16xf32> to vector<16xf32>
      %get3A_463 = arith.constant 2 : i32
      %get3A_464 = arith.index_cast %get3A_463 : i32 to index
      %get3A_465 = arith.index_cast %add3A_318 : i32 to index
      %get3A_466 = arith.constant 112 : index
      %get3A_467 = tpu.vector_load %arg9[%get3A_464, %get3A_465, %get3A_466] {strides = array<i32>} : memref<3x128x128xf32, #tpu.memory_space<vmem>>, vector<1x1x16xf32>,
      %get3A_468 = vector.shape_cast %get3A_467 : vector<1x1x16xf32> to vector<16xf32>
      %add3A_469 = arith.addf %get3A_462, %get3A_468 : vector<16xf32>
      %add3A_470 = arith.constant 256 : i32
      %add3A_471 = arith.addi %add3A_470, %add3A_318 : i32
      %swap3A_472 = arith.index_cast %add3A_471 : i32 to index
      %swap3A_473 = arith.constant 112 : index
      %swap3A_474 = tpu.vector_load %arg10[%swap3A_472, %swap3A_473] {strides = array<i32>} : memref<512x128xf32, #tpu.memory_space<vmem>>, vector<1x16xf32>,
      %swap3A_475 = vector.shape_cast %swap3A_474 : vector<1x16xf32> to vector<16xf32>
      %swap3A_476 = vector.shape_cast %add3A_469 : vector<16xf32> to vector<1x16xf32>
      tpu.vector_store %arg10[%swap3A_472, %swap3A_473], %swap3A_476 {strides = array<i32>} : memref<512x128xf32, #tpu.memory_space<vmem>>, vector<1x16xf32>,
      %mul3A_477 = arith.constant 2 : i32
      %mul3A_478 = arith.muli %scan3A_314, %mul3A_477 : i32
      %add3A_479 = arith.constant 1 : i32
      %add3A_480 = arith.addi %mul3A_478, %add3A_479 : i32
      %add3A_481 = arith.constant 256 : i32
      %add3A_482 = arith.addi %add3A_481, %add3A_480 : i32
      %get3A_483 = arith.index_cast %add3A_482 : i32 to index
      %get3A_484 = arith.constant 0 : index
      %get3A_485 = tpu.vector_load %arg10[%get3A_483, %get3A_484] {strides = array<i32>} : memref<512x128xf32, #tpu.memory_space<vmem>>, vector<1x16xf32>,
      %get3A_486 = vector.shape_cast %get3A_485 : vector<1x16xf32> to vector<16xf32>
      %get3A_487 = arith.constant 2 : i32
      %get3A_488 = arith.index_cast %get3A_487 : i32 to index
      %get3A_489 = arith.index_cast %add3A_480 : i32 to index
      %get3A_490 = arith.constant 0 : index
      %get3A_491 = tpu.vector_load %arg9[%get3A_488, %get3A_489, %get3A_490] {strides = array<i32>} : memref<3x128x128xf32, #tpu.memory_space<vmem>>, vector<1x1x16xf32>,
      %get3A_492 = vector.shape_cast %get3A_491 : vector<1x1x16xf32> to vector<16xf32>
      %add3A_493 = arith.addf %get3A_486, %get3A_492 : vector<16xf32>
      %add3A_494 = arith.constant 256 : i32
      %add3A_495 = arith.addi %add3A_494, %add3A_480 : i32
      %swap3A_496 = arith.index_cast %add3A_495 : i32 to index
      %swap3A_497 = arith.constant 0 : index
      %swap3A_498 = tpu.vector_load %arg10[%swap3A_496, %swap3A_497] {strides = array<i32>} : memref<512x128xf32, #tpu.memory_space<vmem>>, vector<1x16xf32>,
      %swap3A_499 = vector.shape_cast %swap3A_498 : vector<1x16xf32> to vector<16xf32>
      %swap3A_500 = vector.shape_cast %add3A_493 : vector<16xf32> to vector<1x16xf32>
      tpu.vector_store %arg10[%swap3A_496, %swap3A_497], %swap3A_500 {strides = array<i32>} : memref<512x128xf32, #tpu.memory_space<vmem>>, vector<1x16xf32>,
      %add3A_501 = arith.constant 256 : i32
      %add3A_502 = arith.addi %add3A_501, %add3A_480 : i32
      %get3A_503 = arith.index_cast %add3A_502 : i32 to index
      %get3A_504 = arith.constant 16 : index
      %get3A_505 = tpu.vector_load %arg10[%get3A_503, %get3A_504] {strides = array<i32>} : memref<512x128xf32, #tpu.memory_space<vmem>>, vector<1x16xf32>,
      %get3A_506 = vector.shape_cast %get3A_505 : vector<1x16xf32> to vector<16xf32>
      %get3A_507 = arith.constant 2 : i32
      %get3A_508 = arith.index_cast %get3A_507 : i32 to index
      %get3A_509 = arith.index_cast %add3A_480 : i32 to index
      %get3A_510 = arith.constant 16 : index
      %get3A_511 = tpu.vector_load %arg9[%get3A_508, %get3A_509, %get3A_510] {strides = array<i32>} : memref<3x128x128xf32, #tpu.memory_space<vmem>>, vector<1x1x16xf32>,
      %get3A_512 = vector.shape_cast %get3A_511 : vector<1x1x16xf32> to vector<16xf32>
      %add3A_513 = arith.addf %get3A_506, %get3A_512 : vector<16xf32>
      %add3A_514 = arith.constant 256 : i32
      %add3A_515 = arith.addi %add3A_514, %add3A_480 : i32
      %swap3A_516 = arith.index_cast %add3A_515 : i32 to index
      %swap3A_517 = arith.constant 16 : index
      %swap3A_518 = tpu.vector_load %arg10[%swap3A_516, %swap3A_517] {strides = array<i32>} : memref<512x128xf32, #tpu.memory_space<vmem>>, vector<1x16xf32>,
      %swap3A_519 = vector.shape_cast %swap3A_518 : vector<1x16xf32> to vector<16xf32>
      %swap3A_520 = vector.shape_cast %add3A_513 : vector<16xf32> to vector<1x16xf32>
      tpu.vector_store %arg10[%swap3A_516, %swap3A_517], %swap3A_520 {strides = array<i32>} : memref<512x128xf32, #tpu.memory_space<vmem>>, vector<1x16xf32>,
      %add3A_521 = arith.constant 256 : i32
      %add3A_522 = arith.addi %add3A_521, %add3A_480 : i32
      %get3A_523 = arith.index_cast %add3A_522 : i32 to index
      %get3A_524 = arith.constant 32 : index
      %get3A_525 = tpu.vector_load %arg10[%get3A_523, %get3A_524] {strides = array<i32>} : memref<512x128xf32, #tpu.memory_space<vmem>>, vector<1x16xf32>,
      %get3A_526 = vector.shape_cast %get3A_525 : vector<1x16xf32> to vector<16xf32>
      %get3A_527 = arith.constant 2 : i32
      %get3A_528 = arith.index_cast %get3A_527 : i32 to index
      %get3A_529 = arith.index_cast %add3A_480 : i32 to index
      %get3A_530 = arith.constant 32 : index
      %get3A_531 = tpu.vector_load %arg9[%get3A_528, %get3A_529, %get3A_530] {strides = array<i32>} : memref<3x128x128xf32, #tpu.memory_space<vmem>>, vector<1x1x16xf32>,
      %get3A_532 = vector.shape_cast %get3A_531 : vector<1x1x16xf32> to vector<16xf32>
      %add3A_533 = arith.addf %get3A_526, %get3A_532 : vector<16xf32>
      %add3A_534 = arith.constant 256 : i32
      %add3A_535 = arith.addi %add3A_534, %add3A_480 : i32
      %swap3A_536 = arith.index_cast %add3A_535 : i32 to index
      %swap3A_537 = arith.constant 32 : index
      %swap3A_538 = tpu.vector_load %arg10[%swap3A_536, %swap3A_537] {strides = array<i32>} : memref<512x128xf32, #tpu.memory_space<vmem>>, vector<1x16xf32>,
      %swap3A_539 = vector.shape_cast %swap3A_538 : vector<1x16xf32> to vector<16xf32>
      %swap3A_540 = vector.shape_cast %add3A_533 : vector<16xf32> to vector<1x16xf32>
      tpu.vector_store %arg10[%swap3A_536, %swap3A_537], %swap3A_540 {strides = array<i32>} : memref<512x128xf32, #tpu.memory_space<vmem>>, vector<1x16xf32>,
      %add3A_541 = arith.constant 256 : i32
      %add3A_542 = arith.addi %add3A_541, %add3A_480 : i32
      %get3A_543 = arith.index_cast %add3A_542 : i32 to index
      %get3A_544 = arith.constant 48 : index
      %get3A_545 = tpu.vector_load %arg10[%get3A_543, %get3A_544] {strides = array<i32>} : memref<512x128xf32, #tpu.memory_space<vmem>>, vector<1x16xf32>,
      %get3A_546 = vector.shape_cast %get3A_545 : vector<1x16xf32> to vector<16xf32>
      %get3A_547 = arith.constant 2 : i32
      %get3A_548 = arith.index_cast %get3A_547 : i32 to index
      %get3A_549 = arith.index_cast %add3A_480 : i32 to index
      %get3A_550 = arith.constant 48 : index
      %get3A_551 = tpu.vector_load %arg9[%get3A_548, %get3A_549, %get3A_550] {strides = array<i32>} : memref<3x128x128xf32, #tpu.memory_space<vmem>>, vector<1x1x16xf32>,
      %get3A_552 = vector.shape_cast %get3A_551 : vector<1x1x16xf32> to vector<16xf32>
      %add3A_553 = arith.addf %get3A_546, %get3A_552 : vector<16xf32>
      %add3A_554 = arith.constant 256 : i32
      %add3A_555 = arith.addi %add3A_554, %add3A_480 : i32
      %swap3A_556 = arith.index_cast %add3A_555 : i32 to index
      %swap3A_557 = arith.constant 48 : index
      %swap3A_558 = tpu.vector_load %arg10[%swap3A_556, %swap3A_557] {strides = array<i32>} : memref<512x128xf32, #tpu.memory_space<vmem>>, vector<1x16xf32>,
      %swap3A_559 = vector.shape_cast %swap3A_558 : vector<1x16xf32> to vector<16xf32>
      %swap3A_560 = vector.shape_cast %add3A_553 : vector<16xf32> to vector<1x16xf32>
      tpu.vector_store %arg10[%swap3A_556, %swap3A_557], %swap3A_560 {strides = array<i32>} : memref<512x128xf32, #tpu.memory_space<vmem>>, vector<1x16xf32>,
      %add3A_561 = arith.constant 256 : i32
      %add3A_562 = arith.addi %add3A_561, %add3A_480 : i32
      %get3A_563 = arith.index_cast %add3A_562 : i32 to index
      %get3A_564 = arith.constant 64 : index
      %get3A_565 = tpu.vector_load %arg10[%get3A_563, %get3A_564] {strides = array<i32>} : memref<512x128xf32, #tpu.memory_space<vmem>>, vector<1x16xf32>,
      %get3A_566 = vector.shape_cast %get3A_565 : vector<1x16xf32> to vector<16xf32>
      %get3A_567 = arith.constant 2 : i32
      %get3A_568 = arith.index_cast %get3A_567 : i32 to index
      %get3A_569 = arith.index_cast %add3A_480 : i32 to index
      %get3A_570 = arith.constant 64 : index
      %get3A_571 = tpu.vector_load %arg9[%get3A_568, %get3A_569, %get3A_570] {strides = array<i32>} : memref<3x128x128xf32, #tpu.memory_space<vmem>>, vector<1x1x16xf32>,
      %get3A_572 = vector.shape_cast %get3A_571 : vector<1x1x16xf32> to vector<16xf32>
      %add3A_573 = arith.addf %get3A_566, %get3A_572 : vector<16xf32>
      %add3A_574 = arith.constant 256 : i32
      %add3A_575 = arith.addi %add3A_574, %add3A_480 : i32
      %swap3A_576 = arith.index_cast %add3A_575 : i32 to index
      %swap3A_577 = arith.constant 64 : index
      %swap3A_578 = tpu.vector_load %arg10[%swap3A_576, %swap3A_577] {strides = array<i32>} : memref<512x128xf32, #tpu.memory_space<vmem>>, vector<1x16xf32>,
      %swap3A_579 = vector.shape_cast %swap3A_578 : vector<1x16xf32> to vector<16xf32>
      %swap3A_580 = vector.shape_cast %add3A_573 : vector<16xf32> to vector<1x16xf32>
      tpu.vector_store %arg10[%swap3A_576, %swap3A_577], %swap3A_580 {strides = array<i32>} : memref<512x128xf32, #tpu.memory_space<vmem>>, vector<1x16xf32>,
      %add3A_581 = arith.constant 256 : i32
      %add3A_582 = arith.addi %add3A_581, %add3A_480 : i32
      %get3A_583 = arith.index_cast %add3A_582 : i32 to index
      %get3A_584 = arith.constant 80 : index
      %get3A_585 = tpu.vector_load %arg10[%get3A_583, %get3A_584] {strides = array<i32>} : memref<512x128xf32, #tpu.memory_space<vmem>>, vector<1x16xf32>,
      %get3A_586 = vector.shape_cast %get3A_585 : vector<1x16xf32> to vector<16xf32>
      %get3A_587 = arith.constant 2 : i32
      %get3A_588 = arith.index_cast %get3A_587 : i32 to index
      %get3A_589 = arith.index_cast %add3A_480 : i32 to index
      %get3A_590 = arith.constant 80 : index
      %get3A_591 = tpu.vector_load %arg9[%get3A_588, %get3A_589, %get3A_590] {strides = array<i32>} : memref<3x128x128xf32, #tpu.memory_space<vmem>>, vector<1x1x16xf32>,
      %get3A_592 = vector.shape_cast %get3A_591 : vector<1x1x16xf32> to vector<16xf32>
      %add3A_593 = arith.addf %get3A_586, %get3A_592 : vector<16xf32>
      %add3A_594 = arith.constant 256 : i32
      %add3A_595 = arith.addi %add3A_594, %add3A_480 : i32
      %swap3A_596 = arith.index_cast %add3A_595 : i32 to index
      %swap3A_597 = arith.constant 80 : index
      %swap3A_598 = tpu.vector_load %arg10[%swap3A_596, %swap3A_597] {strides = array<i32>} : memref<512x128xf32, #tpu.memory_space<vmem>>, vector<1x16xf32>,
      %swap3A_599 = vector.shape_cast %swap3A_598 : vector<1x16xf32> to vector<16xf32>
      %swap3A_600 = vector.shape_cast %add3A_593 : vector<16xf32> to vector<1x16xf32>
      tpu.vector_store %arg10[%swap3A_596, %swap3A_597], %swap3A_600 {strides = array<i32>} : memref<512x128xf32, #tpu.memory_space<vmem>>, vector<1x16xf32>,
      %add3A_601 = arith.constant 256 : i32
      %add3A_602 = arith.addi %add3A_601, %add3A_480 : i32
      %get3A_603 = arith.index_cast %add3A_602 : i32 to index
      %get3A_604 = arith.constant 96 : index
      %get3A_605 = tpu.vector_load %arg10[%get3A_603, %get3A_604] {strides = array<i32>} : memref<512x128xf32, #tpu.memory_space<vmem>>, vector<1x16xf32>,
      %get3A_606 = vector.shape_cast %get3A_605 : vector<1x16xf32> to vector<16xf32>
      %get3A_607 = arith.constant 2 : i32
      %get3A_608 = arith.index_cast %get3A_607 : i32 to index
      %get3A_609 = arith.index_cast %add3A_480 : i32 to index
      %get3A_610 = arith.constant 96 : index
      %get3A_611 = tpu.vector_load %arg9[%get3A_608, %get3A_609, %get3A_610] {strides = array<i32>} : memref<3x128x128xf32, #tpu.memory_space<vmem>>, vector<1x1x16xf32>,
      %get3A_612 = vector.shape_cast %get3A_611 : vector<1x1x16xf32> to vector<16xf32>
      %add3A_613 = arith.addf %get3A_606, %get3A_612 : vector<16xf32>
      %add3A_614 = arith.constant 256 : i32
      %add3A_615 = arith.addi %add3A_614, %add3A_480 : i32
      %swap3A_616 = arith.index_cast %add3A_615 : i32 to index
      %swap3A_617 = arith.constant 96 : index
      %swap3A_618 = tpu.vector_load %arg10[%swap3A_616, %swap3A_617] {strides = array<i32>} : memref<512x128xf32, #tpu.memory_space<vmem>>, vector<1x16xf32>,
      %swap3A_619 = vector.shape_cast %swap3A_618 : vector<1x16xf32> to vector<16xf32>
      %swap3A_620 = vector.shape_cast %add3A_613 : vector<16xf32> to vector<1x16xf32>
      tpu.vector_store %arg10[%swap3A_616, %swap3A_617], %swap3A_620 {strides = array<i32>} : memref<512x128xf32, #tpu.memory_space<vmem>>, vector<1x16xf32>,
      %add3A_621 = arith.constant 256 : i32
      %add3A_622 = arith.addi %add3A_621, %add3A_480 : i32
      %get3A_623 = arith.index_cast %add3A_622 : i32 to index
      %get3A_624 = arith.constant 112 : index
      %get3A_625 = tpu.vector_load %arg10[%get3A_623, %get3A_624] {strides = array<i32>} : memref<512x128xf32, #tpu.memory_space<vmem>>, vector<1x16xf32>,
      %get3A_626 = vector.shape_cast %get3A_625 : vector<1x16xf32> to vector<16xf32>
      %get3A_627 = arith.constant 2 : i32
      %get3A_628 = arith.index_cast %get3A_627 : i32 to index
      %get3A_629 = arith.index_cast %add3A_480 : i32 to index
      %get3A_630 = arith.constant 112 : index
      %get3A_631 = tpu.vector_load %arg9[%get3A_628, %get3A_629, %get3A_630] {strides = array<i32>} : memref<3x128x128xf32, #tpu.memory_space<vmem>>, vector<1x1x16xf32>,
      %get3A_632 = vector.shape_cast %get3A_631 : vector<1x1x16xf32> to vector<16xf32>
      %add3A_633 = arith.addf %get3A_626, %get3A_632 : vector<16xf32>
      %add3A_634 = arith.constant 256 : i32
      %add3A_635 = arith.addi %add3A_634, %add3A_480 : i32
      %swap3A_636 = arith.index_cast %add3A_635 : i32 to index
      %swap3A_637 = arith.constant 112 : index
      %swap3A_638 = tpu.vector_load %arg10[%swap3A_636, %swap3A_637] {strides = array<i32>} : memref<512x128xf32, #tpu.memory_space<vmem>>, vector<1x16xf32>,
      %swap3A_639 = vector.shape_cast %swap3A_638 : vector<1x16xf32> to vector<16xf32>
      %swap3A_640 = vector.shape_cast %add3A_633 : vector<16xf32> to vector<1x16xf32>
      tpu.vector_store %arg10[%swap3A_636, %swap3A_637], %swap3A_640 {strides = array<i32>} : memref<512x128xf32, #tpu.memory_space<vmem>>, vector<1x16xf32>,
    }
    %scan3A_201 = arith.constant 64 : i32
    %add3A_202 = arith.constant 256 : i32
    %add3A_203 = arith.addi %mul3A_2, %add3A_202 : i32
    %dma_start3A_204 = arith.constant 256 : i32
    %dma_start3A_205 = arith.constant 0 : i32
    %dma_start3A_206 = tpu.memref_slice %arg10[%dma_start3A_204, %dma_start3A_205] : memref<512x128xf32, #tpu.memory_space<vmem>> -> memref<128x128xf32, #tpu.memory_space<vmem>>
    %dma_start3A_207 = arith.constant 0 : i32
    %dma_start3A_208 = tpu.memref_slice %arg6[%add3A_203, %dma_start3A_207] : memref<16384x128xf32, #tpu.memory_space<hbm>> -> memref<128x128xf32, #tpu.memory_space<hbm>>
    %dma_start3A_209 = arith.constant 0 : i32
    %dma_start3A_210 = tpu.memref_slice %arg6[%add3A_203, %dma_start3A_209] : memref<16384x128xf32, #tpu.memory_space<hbm>> -> memref<128x128xf32, #tpu.memory_space<hbm>>
    %dma_start3A_211 = arith.constant 256 : i32
    %dma_start3A_212 = arith.constant 0 : i32
    %dma_start3A_213 = tpu.memref_slice %arg10[%dma_start3A_211, %dma_start3A_212] : memref<512x128xf32, #tpu.memory_space<vmem>> -> memref<128x128xf32, #tpu.memory_space<vmem>>
    tpu.enqueue_dma source(%dma_start3A_213 : memref<128x128xf32, #tpu.memory_space<vmem>>) target(%dma_start3A_210 : memref<128x128xf32, #tpu.memory_space<hbm>>) target_semaphore(%arg19 : memref<!tpu.dma_semaphore, #tpu.memory_space<semaphore_mem>>)
    %dma_wait3A_214 = arith.constant 3 : i32
    %dma_wait3A_215 = arith.constant 0 : i32
    %dma_wait3A_216 = arith.constant 0 : i32
    %dma_wait3A_217 = arith.constant 0 : i32
    %dma_wait3A_218 = tpu.memref_slice %arg9[%dma_wait3A_215, %dma_wait3A_216, %dma_wait3A_217] : memref<3x128x128xf32, #tpu.memory_space<vmem>> -> memref<1x128x128xf32, #tpu.memory_space<vmem>>
    %dma_wait3A_219 = tpu.memref_squeeze %dma_wait3A_218 : memref<1x128x128xf32, #tpu.memory_space<vmem>> -> memref<128x128xf32, #tpu.memory_space<vmem>>
    %dma_wait3A_220 = arith.constant 0 : i32
    %dma_wait3A_221 = tpu.memref_slice %arg8[%dma_wait3A_214, %dma_wait3A_220] : memref<4x128xi32, #tpu.memory_space<vmem>> -> memref<1x128xi32, #tpu.memory_space<vmem>>
    %dma_wait3A_222 = tpu.memref_squeeze %dma_wait3A_221 : memref<1x128xi32, #tpu.memory_space<vmem>> -> memref<128xi32, #tpu.memory_space<vmem>>
    %dma_wait3A_223 = arith.constant 0 : i32
    %dma_wait3A_224 = arith.constant 0 : i32
    %dma_wait3A_225 = tpu.memref_slice %arg5[%dma_wait3A_223, %dma_wait3A_224] : memref<65536x128xf32, #tpu.memory_space<hbm>> -> memref<65536x128xf32, #tpu.memory_space<hbm>>
    tpu.wait_indirect_dma semaphore(%arg15 : memref<!tpu.dma_semaphore, #tpu.memory_space<semaphore_mem>>) src(%dma_wait3A_225 : memref<65536x128xf32, #tpu.memory_space<hbm>>) dst(%dma_wait3A_219 : memref<128x128xf32, #tpu.memory_space<vmem>>)
    %scan3A_226 = arith.constant 0 : i32
    %scan3A_227 = arith.constant 0 : i32
    %scan3A_228 = arith.constant 32 : i32
    %scan3A_229 = arith.addi %scan3A_227, %scan3A_228 : i32
    %scan3A_230 = arith.constant 1 : i32
    scf.for %scan3A_314 = %scan3A_227 to %scan3A_229 step %scan3A_230  : i32 {
      %mul3A_315 = arith.constant 2 : i32
      %mul3A_316 = arith.muli %scan3A_314, %mul3A_315 : i32
      %add3A_317 = arith.constant 0 : i32
      %add3A_318 = arith.addi %mul3A_316, %add3A_317 : i32
      %add3A_319 = arith.constant 384 : i32
      %add3A_320 = arith.addi %add3A_319, %add3A_318 : i32
      %get3A = arith.index_cast %add3A_320 : i32 to index
      %get3A_321 = arith.constant 0 : index
      %get3A_322 = tpu.vector_load %arg10[%get3A, %get3A_321] {strides = array<i32>} : memref<512x128xf32, #tpu.memory_space<vmem>>, vector<1x16xf32>,
      %get3A_323 = vector.shape_cast %get3A_322 : vector<1x16xf32> to vector<16xf32>
      %get3A_324 = arith.constant 0 : i32
      %get3A_325 = arith.index_cast %get3A_324 : i32 to index
      %get3A_326 = arith.index_cast %add3A_318 : i32 to index
      %get3A_327 = arith.constant 0 : index
      %get3A_328 = tpu.vector_load %arg9[%get3A_325, %get3A_326, %get3A_327] {strides = array<i32>} : memref<3x128x128xf32, #tpu.memory_space<vmem>>, vector<1x1x16xf32>,
      %get3A_329 = vector.shape_cast %get3A_328 : vector<1x1x16xf32> to vector<16xf32>
      %add3A_330 = arith.addf %get3A_323, %get3A_329 : vector<16xf32>
      %add3A_331 = arith.constant 384 : i32
      %add3A_332 = arith.addi %add3A_331, %add3A_318 : i32
      %swap3A = arith.index_cast %add3A_332 : i32 to index
      %swap3A_333 = arith.constant 0 : index
      %swap3A_334 = tpu.vector_load %arg10[%swap3A, %swap3A_333] {strides = array<i32>} : memref<512x128xf32, #tpu.memory_space<vmem>>, vector<1x16xf32>,
      %swap3A_335 = vector.shape_cast %swap3A_334 : vector<1x16xf32> to vector<16xf32>
      %swap3A_336 = vector.shape_cast %add3A_330 : vector<16xf32> to vector<1x16xf32>
      tpu.vector_store %arg10[%swap3A, %swap3A_333], %swap3A_336 {strides = array<i32>} : memref<512x128xf32, #tpu.memory_space<vmem>>, vector<1x16xf32>,
      %add3A_337 = arith.constant 384 : i32
      %add3A_338 = arith.addi %add3A_337, %add3A_318 : i32
      %get3A_339 = arith.index_cast %add3A_338 : i32 to index
      %get3A_340 = arith.constant 16 : index
      %get3A_341 = tpu.vector_load %arg10[%get3A_339, %get3A_340] {strides = array<i32>} : memref<512x128xf32, #tpu.memory_space<vmem>>, vector<1x16xf32>,
      %get3A_342 = vector.shape_cast %get3A_341 : vector<1x16xf32> to vector<16xf32>
      %get3A_343 = arith.constant 0 : i32
      %get3A_344 = arith.index_cast %get3A_343 : i32 to index
      %get3A_345 = arith.index_cast %add3A_318 : i32 to index
      %get3A_346 = arith.constant 16 : index
      %get3A_347 = tpu.vector_load %arg9[%get3A_344, %get3A_345, %get3A_346] {strides = array<i32>} : memref<3x128x128xf32, #tpu.memory_space<vmem>>, vector<1x1x16xf32>,
      %get3A_348 = vector.shape_cast %get3A_347 : vector<1x1x16xf32> to vector<16xf32>
      %add3A_349 = arith.addf %get3A_342, %get3A_348 : vector<16xf32>
      %add3A_350 = arith.constant 384 : i32
      %add3A_351 = arith.addi %add3A_350, %add3A_318 : i32
      %swap3A_352 = arith.index_cast %add3A_351 : i32 to index
      %swap3A_353 = arith.constant 16 : index
      %swap3A_354 = tpu.vector_load %arg10[%swap3A_352, %swap3A_353] {strides = array<i32>} : memref<512x128xf32, #tpu.memory_space<vmem>>, vector<1x16xf32>,
      %swap3A_355 = vector.shape_cast %swap3A_354 : vector<1x16xf32> to vector<16xf32>
      %swap3A_356 = vector.shape_cast %add3A_349 : vector<16xf32> to vector<1x16xf32>
      tpu.vector_store %arg10[%swap3A_352, %swap3A_353], %swap3A_356 {strides = array<i32>} : memref<512x128xf32, #tpu.memory_space<vmem>>, vector<1x16xf32>,
      %add3A_357 = arith.constant 384 : i32
      %add3A_358 = arith.addi %add3A_357, %add3A_318 : i32
      %get3A_359 = arith.index_cast %add3A_358 : i32 to index
      %get3A_360 = arith.constant 32 : index
      %get3A_361 = tpu.vector_load %arg10[%get3A_359, %get3A_360] {strides = array<i32>} : memref<512x128xf32, #tpu.memory_space<vmem>>, vector<1x16xf32>,
      %get3A_362 = vector.shape_cast %get3A_361 : vector<1x16xf32> to vector<16xf32>
      %get3A_363 = arith.constant 0 : i32
      %get3A_364 = arith.index_cast %get3A_363 : i32 to index
      %get3A_365 = arith.index_cast %add3A_318 : i32 to index
      %get3A_366 = arith.constant 32 : index
      %get3A_367 = tpu.vector_load %arg9[%get3A_364, %get3A_365, %get3A_366] {strides = array<i32>} : memref<3x128x128xf32, #tpu.memory_space<vmem>>, vector<1x1x16xf32>,
      %get3A_368 = vector.shape_cast %get3A_367 : vector<1x1x16xf32> to vector<16xf32>
      %add3A_369 = arith.addf %get3A_362, %get3A_368 : vector<16xf32>
      %add3A_370 = arith.constant 384 : i32
      %add3A_371 = arith.addi %add3A_370, %add3A_318 : i32
      %swap3A_372 = arith.index_cast %add3A_371 : i32 to index
      %swap3A_373 = arith.constant 32 : index
      %swap3A_374 = tpu.vector_load %arg10[%swap3A_372, %swap3A_373] {strides = array<i32>} : memref<512x128xf32, #tpu.memory_space<vmem>>, vector<1x16xf32>,
      %swap3A_375 = vector.shape_cast %swap3A_374 : vector<1x16xf32> to vector<16xf32>
      %swap3A_376 = vector.shape_cast %add3A_369 : vector<16xf32> to vector<1x16xf32>
      tpu.vector_store %arg10[%swap3A_372, %swap3A_373], %swap3A_376 {strides = array<i32>} : memref<512x128xf32, #tpu.memory_space<vmem>>, vector<1x16xf32>,
      %add3A_377 = arith.constant 384 : i32
      %add3A_378 = arith.addi %add3A_377, %add3A_318 : i32
      %get3A_379 = arith.index_cast %add3A_378 : i32 to index
      %get3A_380 = arith.constant 48 : index
      %get3A_381 = tpu.vector_load %arg10[%get3A_379, %get3A_380] {strides = array<i32>} : memref<512x128xf32, #tpu.memory_space<vmem>>, vector<1x16xf32>,
      %get3A_382 = vector.shape_cast %get3A_381 : vector<1x16xf32> to vector<16xf32>
      %get3A_383 = arith.constant 0 : i32
      %get3A_384 = arith.index_cast %get3A_383 : i32 to index
      %get3A_385 = arith.index_cast %add3A_318 : i32 to index
      %get3A_386 = arith.constant 48 : index
      %get3A_387 = tpu.vector_load %arg9[%get3A_384, %get3A_385, %get3A_386] {strides = array<i32>} : memref<3x128x128xf32, #tpu.memory_space<vmem>>, vector<1x1x16xf32>,
      %get3A_388 = vector.shape_cast %get3A_387 : vector<1x1x16xf32> to vector<16xf32>
      %add3A_389 = arith.addf %get3A_382, %get3A_388 : vector<16xf32>
      %add3A_390 = arith.constant 384 : i32
      %add3A_391 = arith.addi %add3A_390, %add3A_318 : i32
      %swap3A_392 = arith.index_cast %add3A_391 : i32 to index
      %swap3A_393 = arith.constant 48 : index
      %swap3A_394 = tpu.vector_load %arg10[%swap3A_392, %swap3A_393] {strides = array<i32>} : memref<512x128xf32, #tpu.memory_space<vmem>>, vector<1x16xf32>,
      %swap3A_395 = vector.shape_cast %swap3A_394 : vector<1x16xf32> to vector<16xf32>
      %swap3A_396 = vector.shape_cast %add3A_389 : vector<16xf32> to vector<1x16xf32>
      tpu.vector_store %arg10[%swap3A_392, %swap3A_393], %swap3A_396 {strides = array<i32>} : memref<512x128xf32, #tpu.memory_space<vmem>>, vector<1x16xf32>,
      %add3A_397 = arith.constant 384 : i32
      %add3A_398 = arith.addi %add3A_397, %add3A_318 : i32
      %get3A_399 = arith.index_cast %add3A_398 : i32 to index
      %get3A_400 = arith.constant 64 : index
      %get3A_401 = tpu.vector_load %arg10[%get3A_399, %get3A_400] {strides = array<i32>} : memref<512x128xf32, #tpu.memory_space<vmem>>, vector<1x16xf32>,
      %get3A_402 = vector.shape_cast %get3A_401 : vector<1x16xf32> to vector<16xf32>
      %get3A_403 = arith.constant 0 : i32
      %get3A_404 = arith.index_cast %get3A_403 : i32 to index
      %get3A_405 = arith.index_cast %add3A_318 : i32 to index
      %get3A_406 = arith.constant 64 : index
      %get3A_407 = tpu.vector_load %arg9[%get3A_404, %get3A_405, %get3A_406] {strides = array<i32>} : memref<3x128x128xf32, #tpu.memory_space<vmem>>, vector<1x1x16xf32>,
      %get3A_408 = vector.shape_cast %get3A_407 : vector<1x1x16xf32> to vector<16xf32>
      %add3A_409 = arith.addf %get3A_402, %get3A_408 : vector<16xf32>
      %add3A_410 = arith.constant 384 : i32
      %add3A_411 = arith.addi %add3A_410, %add3A_318 : i32
      %swap3A_412 = arith.index_cast %add3A_411 : i32 to index
      %swap3A_413 = arith.constant 64 : index
      %swap3A_414 = tpu.vector_load %arg10[%swap3A_412, %swap3A_413] {strides = array<i32>} : memref<512x128xf32, #tpu.memory_space<vmem>>, vector<1x16xf32>,
      %swap3A_415 = vector.shape_cast %swap3A_414 : vector<1x16xf32> to vector<16xf32>
      %swap3A_416 = vector.shape_cast %add3A_409 : vector<16xf32> to vector<1x16xf32>
      tpu.vector_store %arg10[%swap3A_412, %swap3A_413], %swap3A_416 {strides = array<i32>} : memref<512x128xf32, #tpu.memory_space<vmem>>, vector<1x16xf32>,
      %add3A_417 = arith.constant 384 : i32
      %add3A_418 = arith.addi %add3A_417, %add3A_318 : i32
      %get3A_419 = arith.index_cast %add3A_418 : i32 to index
      %get3A_420 = arith.constant 80 : index
      %get3A_421 = tpu.vector_load %arg10[%get3A_419, %get3A_420] {strides = array<i32>} : memref<512x128xf32, #tpu.memory_space<vmem>>, vector<1x16xf32>,
      %get3A_422 = vector.shape_cast %get3A_421 : vector<1x16xf32> to vector<16xf32>
      %get3A_423 = arith.constant 0 : i32
      %get3A_424 = arith.index_cast %get3A_423 : i32 to index
      %get3A_425 = arith.index_cast %add3A_318 : i32 to index
      %get3A_426 = arith.constant 80 : index
      %get3A_427 = tpu.vector_load %arg9[%get3A_424, %get3A_425, %get3A_426] {strides = array<i32>} : memref<3x128x128xf32, #tpu.memory_space<vmem>>, vector<1x1x16xf32>,
      %get3A_428 = vector.shape_cast %get3A_427 : vector<1x1x16xf32> to vector<16xf32>
      %add3A_429 = arith.addf %get3A_422, %get3A_428 : vector<16xf32>
      %add3A_430 = arith.constant 384 : i32
      %add3A_431 = arith.addi %add3A_430, %add3A_318 : i32
      %swap3A_432 = arith.index_cast %add3A_431 : i32 to index
      %swap3A_433 = arith.constant 80 : index
      %swap3A_434 = tpu.vector_load %arg10[%swap3A_432, %swap3A_433] {strides = array<i32>} : memref<512x128xf32, #tpu.memory_space<vmem>>, vector<1x16xf32>,
      %swap3A_435 = vector.shape_cast %swap3A_434 : vector<1x16xf32> to vector<16xf32>
      %swap3A_436 = vector.shape_cast %add3A_429 : vector<16xf32> to vector<1x16xf32>
      tpu.vector_store %arg10[%swap3A_432, %swap3A_433], %swap3A_436 {strides = array<i32>} : memref<512x128xf32, #tpu.memory_space<vmem>>, vector<1x16xf32>,
      %add3A_437 = arith.constant 384 : i32
      %add3A_438 = arith.addi %add3A_437, %add3A_318 : i32
      %get3A_439 = arith.index_cast %add3A_438 : i32 to index
      %get3A_440 = arith.constant 96 : index
      %get3A_441 = tpu.vector_load %arg10[%get3A_439, %get3A_440] {strides = array<i32>} : memref<512x128xf32, #tpu.memory_space<vmem>>, vector<1x16xf32>,
      %get3A_442 = vector.shape_cast %get3A_441 : vector<1x16xf32> to vector<16xf32>
      %get3A_443 = arith.constant 0 : i32
      %get3A_444 = arith.index_cast %get3A_443 : i32 to index
      %get3A_445 = arith.index_cast %add3A_318 : i32 to index
      %get3A_446 = arith.constant 96 : index
      %get3A_447 = tpu.vector_load %arg9[%get3A_444, %get3A_445, %get3A_446] {strides = array<i32>} : memref<3x128x128xf32, #tpu.memory_space<vmem>>, vector<1x1x16xf32>,
      %get3A_448 = vector.shape_cast %get3A_447 : vector<1x1x16xf32> to vector<16xf32>
      %add3A_449 = arith.addf %get3A_442, %get3A_448 : vector<16xf32>
      %add3A_450 = arith.constant 384 : i32
      %add3A_451 = arith.addi %add3A_450, %add3A_318 : i32
      %swap3A_452 = arith.index_cast %add3A_451 : i32 to index
      %swap3A_453 = arith.constant 96 : index
      %swap3A_454 = tpu.vector_load %arg10[%swap3A_452, %swap3A_453] {strides = array<i32>} : memref<512x128xf32, #tpu.memory_space<vmem>>, vector<1x16xf32>,
      %swap3A_455 = vector.shape_cast %swap3A_454 : vector<1x16xf32> to vector<16xf32>
      %swap3A_456 = vector.shape_cast %add3A_449 : vector<16xf32> to vector<1x16xf32>
      tpu.vector_store %arg10[%swap3A_452, %swap3A_453], %swap3A_456 {strides = array<i32>} : memref<512x128xf32, #tpu.memory_space<vmem>>, vector<1x16xf32>,
      %add3A_457 = arith.constant 384 : i32
      %add3A_458 = arith.addi %add3A_457, %add3A_318 : i32
      %get3A_459 = arith.index_cast %add3A_458 : i32 to index
      %get3A_460 = arith.constant 112 : index
      %get3A_461 = tpu.vector_load %arg10[%get3A_459, %get3A_460] {strides = array<i32>} : memref<512x128xf32, #tpu.memory_space<vmem>>, vector<1x16xf32>,
      %get3A_462 = vector.shape_cast %get3A_461 : vector<1x16xf32> to vector<16xf32>
      %get3A_463 = arith.constant 0 : i32
      %get3A_464 = arith.index_cast %get3A_463 : i32 to index
      %get3A_465 = arith.index_cast %add3A_318 : i32 to index
      %get3A_466 = arith.constant 112 : index
      %get3A_467 = tpu.vector_load %arg9[%get3A_464, %get3A_465, %get3A_466] {strides = array<i32>} : memref<3x128x128xf32, #tpu.memory_space<vmem>>, vector<1x1x16xf32>,
      %get3A_468 = vector.shape_cast %get3A_467 : vector<1x1x16xf32> to vector<16xf32>
      %add3A_469 = arith.addf %get3A_462, %get3A_468 : vector<16xf32>
      %add3A_470 = arith.constant 384 : i32
      %add3A_471 = arith.addi %add3A_470, %add3A_318 : i32
      %swap3A_472 = arith.index_cast %add3A_471 : i32 to index
      %swap3A_473 = arith.constant 112 : index
      %swap3A_474 = tpu.vector_load %arg10[%swap3A_472, %swap3A_473] {strides = array<i32>} : memref<512x128xf32, #tpu.memory_space<vmem>>, vector<1x16xf32>,
      %swap3A_475 = vector.shape_cast %swap3A_474 : vector<1x16xf32> to vector<16xf32>
      %swap3A_476 = vector.shape_cast %add3A_469 : vector<16xf32> to vector<1x16xf32>
      tpu.vector_store %arg10[%swap3A_472, %swap3A_473], %swap3A_476 {strides = array<i32>} : memref<512x128xf32, #tpu.memory_space<vmem>>, vector<1x16xf32>,
      %mul3A_477 = arith.constant 2 : i32
      %mul3A_478 = arith.muli %scan3A_314, %mul3A_477 : i32
      %add3A_479 = arith.constant 1 : i32
      %add3A_480 = arith.addi %mul3A_478, %add3A_479 : i32
      %add3A_481 = arith.constant 384 : i32
      %add3A_482 = arith.addi %add3A_481, %add3A_480 : i32
      %get3A_483 = arith.index_cast %add3A_482 : i32 to index
      %get3A_484 = arith.constant 0 : index
      %get3A_485 = tpu.vector_load %arg10[%get3A_483, %get3A_484] {strides = array<i32>} : memref<512x128xf32, #tpu.memory_space<vmem>>, vector<1x16xf32>,
      %get3A_486 = vector.shape_cast %get3A_485 : vector<1x16xf32> to vector<16xf32>
      %get3A_487 = arith.constant 0 : i32
      %get3A_488 = arith.index_cast %get3A_487 : i32 to index
      %get3A_489 = arith.index_cast %add3A_480 : i32 to index
      %get3A_490 = arith.constant 0 : index
      %get3A_491 = tpu.vector_load %arg9[%get3A_488, %get3A_489, %get3A_490] {strides = array<i32>} : memref<3x128x128xf32, #tpu.memory_space<vmem>>, vector<1x1x16xf32>,
      %get3A_492 = vector.shape_cast %get3A_491 : vector<1x1x16xf32> to vector<16xf32>
      %add3A_493 = arith.addf %get3A_486, %get3A_492 : vector<16xf32>
      %add3A_494 = arith.constant 384 : i32
      %add3A_495 = arith.addi %add3A_494, %add3A_480 : i32
      %swap3A_496 = arith.index_cast %add3A_495 : i32 to index
      %swap3A_497 = arith.constant 0 : index
      %swap3A_498 = tpu.vector_load %arg10[%swap3A_496, %swap3A_497] {strides = array<i32>} : memref<512x128xf32, #tpu.memory_space<vmem>>, vector<1x16xf32>,
      %swap3A_499 = vector.shape_cast %swap3A_498 : vector<1x16xf32> to vector<16xf32>
      %swap3A_500 = vector.shape_cast %add3A_493 : vector<16xf32> to vector<1x16xf32>
      tpu.vector_store %arg10[%swap3A_496, %swap3A_497], %swap3A_500 {strides = array<i32>} : memref<512x128xf32, #tpu.memory_space<vmem>>, vector<1x16xf32>,
      %add3A_501 = arith.constant 384 : i32
      %add3A_502 = arith.addi %add3A_501, %add3A_480 : i32
      %get3A_503 = arith.index_cast %add3A_502 : i32 to index
      %get3A_504 = arith.constant 16 : index
      %get3A_505 = tpu.vector_load %arg10[%get3A_503, %get3A_504] {strides = array<i32>} : memref<512x128xf32, #tpu.memory_space<vmem>>, vector<1x16xf32>,
      %get3A_506 = vector.shape_cast %get3A_505 : vector<1x16xf32> to vector<16xf32>
      %get3A_507 = arith.constant 0 : i32
      %get3A_508 = arith.index_cast %get3A_507 : i32 to index
      %get3A_509 = arith.index_cast %add3A_480 : i32 to index
      %get3A_510 = arith.constant 16 : index
      %get3A_511 = tpu.vector_load %arg9[%get3A_508, %get3A_509, %get3A_510] {strides = array<i32>} : memref<3x128x128xf32, #tpu.memory_space<vmem>>, vector<1x1x16xf32>,
      %get3A_512 = vector.shape_cast %get3A_511 : vector<1x1x16xf32> to vector<16xf32>
      %add3A_513 = arith.addf %get3A_506, %get3A_512 : vector<16xf32>
      %add3A_514 = arith.constant 384 : i32
      %add3A_515 = arith.addi %add3A_514, %add3A_480 : i32
      %swap3A_516 = arith.index_cast %add3A_515 : i32 to index
      %swap3A_517 = arith.constant 16 : index
      %swap3A_518 = tpu.vector_load %arg10[%swap3A_516, %swap3A_517] {strides = array<i32>} : memref<512x128xf32, #tpu.memory_space<vmem>>, vector<1x16xf32>,
      %swap3A_519 = vector.shape_cast %swap3A_518 : vector<1x16xf32> to vector<16xf32>
      %swap3A_520 = vector.shape_cast %add3A_513 : vector<16xf32> to vector<1x16xf32>
      tpu.vector_store %arg10[%swap3A_516, %swap3A_517], %swap3A_520 {strides = array<i32>} : memref<512x128xf32, #tpu.memory_space<vmem>>, vector<1x16xf32>,
      %add3A_521 = arith.constant 384 : i32
      %add3A_522 = arith.addi %add3A_521, %add3A_480 : i32
      %get3A_523 = arith.index_cast %add3A_522 : i32 to index
      %get3A_524 = arith.constant 32 : index
      %get3A_525 = tpu.vector_load %arg10[%get3A_523, %get3A_524] {strides = array<i32>} : memref<512x128xf32, #tpu.memory_space<vmem>>, vector<1x16xf32>,
      %get3A_526 = vector.shape_cast %get3A_525 : vector<1x16xf32> to vector<16xf32>
      %get3A_527 = arith.constant 0 : i32
      %get3A_528 = arith.index_cast %get3A_527 : i32 to index
      %get3A_529 = arith.index_cast %add3A_480 : i32 to index
      %get3A_530 = arith.constant 32 : index
      %get3A_531 = tpu.vector_load %arg9[%get3A_528, %get3A_529, %get3A_530] {strides = array<i32>} : memref<3x128x128xf32, #tpu.memory_space<vmem>>, vector<1x1x16xf32>,
      %get3A_532 = vector.shape_cast %get3A_531 : vector<1x1x16xf32> to vector<16xf32>
      %add3A_533 = arith.addf %get3A_526, %get3A_532 : vector<16xf32>
      %add3A_534 = arith.constant 384 : i32
      %add3A_535 = arith.addi %add3A_534, %add3A_480 : i32
      %swap3A_536 = arith.index_cast %add3A_535 : i32 to index
      %swap3A_537 = arith.constant 32 : index
      %swap3A_538 = tpu.vector_load %arg10[%swap3A_536, %swap3A_537] {strides = array<i32>} : memref<512x128xf32, #tpu.memory_space<vmem>>, vector<1x16xf32>,
      %swap3A_539 = vector.shape_cast %swap3A_538 : vector<1x16xf32> to vector<16xf32>
      %swap3A_540 = vector.shape_cast %add3A_533 : vector<16xf32> to vector<1x16xf32>
      tpu.vector_store %arg10[%swap3A_536, %swap3A_537], %swap3A_540 {strides = array<i32>} : memref<512x128xf32, #tpu.memory_space<vmem>>, vector<1x16xf32>,
      %add3A_541 = arith.constant 384 : i32
      %add3A_542 = arith.addi %add3A_541, %add3A_480 : i32
      %get3A_543 = arith.index_cast %add3A_542 : i32 to index
      %get3A_544 = arith.constant 48 : index
      %get3A_545 = tpu.vector_load %arg10[%get3A_543, %get3A_544] {strides = array<i32>} : memref<512x128xf32, #tpu.memory_space<vmem>>, vector<1x16xf32>,
      %get3A_546 = vector.shape_cast %get3A_545 : vector<1x16xf32> to vector<16xf32>
      %get3A_547 = arith.constant 0 : i32
      %get3A_548 = arith.index_cast %get3A_547 : i32 to index
      %get3A_549 = arith.index_cast %add3A_480 : i32 to index
      %get3A_550 = arith.constant 48 : index
      %get3A_551 = tpu.vector_load %arg9[%get3A_548, %get3A_549, %get3A_550] {strides = array<i32>} : memref<3x128x128xf32, #tpu.memory_space<vmem>>, vector<1x1x16xf32>,
      %get3A_552 = vector.shape_cast %get3A_551 : vector<1x1x16xf32> to vector<16xf32>
      %add3A_553 = arith.addf %get3A_546, %get3A_552 : vector<16xf32>
      %add3A_554 = arith.constant 384 : i32
      %add3A_555 = arith.addi %add3A_554, %add3A_480 : i32
      %swap3A_556 = arith.index_cast %add3A_555 : i32 to index
      %swap3A_557 = arith.constant 48 : index
      %swap3A_558 = tpu.vector_load %arg10[%swap3A_556, %swap3A_557] {strides = array<i32>} : memref<512x128xf32, #tpu.memory_space<vmem>>, vector<1x16xf32>,
      %swap3A_559 = vector.shape_cast %swap3A_558 : vector<1x16xf32> to vector<16xf32>
      %swap3A_560 = vector.shape_cast %add3A_553 : vector<16xf32> to vector<1x16xf32>
      tpu.vector_store %arg10[%swap3A_556, %swap3A_557], %swap3A_560 {strides = array<i32>} : memref<512x128xf32, #tpu.memory_space<vmem>>, vector<1x16xf32>,
      %add3A_561 = arith.constant 384 : i32
      %add3A_562 = arith.addi %add3A_561, %add3A_480 : i32
      %get3A_563 = arith.index_cast %add3A_562 : i32 to index
      %get3A_564 = arith.constant 64 : index
      %get3A_565 = tpu.vector_load %arg10[%get3A_563, %get3A_564] {strides = array<i32>} : memref<512x128xf32, #tpu.memory_space<vmem>>, vector<1x16xf32>,
      %get3A_566 = vector.shape_cast %get3A_565 : vector<1x16xf32> to vector<16xf32>
      %get3A_567 = arith.constant 0 : i32
      %get3A_568 = arith.index_cast %get3A_567 : i32 to index
      %get3A_569 = arith.index_cast %add3A_480 : i32 to index
      %get3A_570 = arith.constant 64 : index
      %get3A_571 = tpu.vector_load %arg9[%get3A_568, %get3A_569, %get3A_570] {strides = array<i32>} : memref<3x128x128xf32, #tpu.memory_space<vmem>>, vector<1x1x16xf32>,
      %get3A_572 = vector.shape_cast %get3A_571 : vector<1x1x16xf32> to vector<16xf32>
      %add3A_573 = arith.addf %get3A_566, %get3A_572 : vector<16xf32>
      %add3A_574 = arith.constant 384 : i32
      %add3A_575 = arith.addi %add3A_574, %add3A_480 : i32
      %swap3A_576 = arith.index_cast %add3A_575 : i32 to index
      %swap3A_577 = arith.constant 64 : index
      %swap3A_578 = tpu.vector_load %arg10[%swap3A_576, %swap3A_577] {strides = array<i32>} : memref<512x128xf32, #tpu.memory_space<vmem>>, vector<1x16xf32>,
      %swap3A_579 = vector.shape_cast %swap3A_578 : vector<1x16xf32> to vector<16xf32>
      %swap3A_580 = vector.shape_cast %add3A_573 : vector<16xf32> to vector<1x16xf32>
      tpu.vector_store %arg10[%swap3A_576, %swap3A_577], %swap3A_580 {strides = array<i32>} : memref<512x128xf32, #tpu.memory_space<vmem>>, vector<1x16xf32>,
      %add3A_581 = arith.constant 384 : i32
      %add3A_582 = arith.addi %add3A_581, %add3A_480 : i32
      %get3A_583 = arith.index_cast %add3A_582 : i32 to index
      %get3A_584 = arith.constant 80 : index
      %get3A_585 = tpu.vector_load %arg10[%get3A_583, %get3A_584] {strides = array<i32>} : memref<512x128xf32, #tpu.memory_space<vmem>>, vector<1x16xf32>,
      %get3A_586 = vector.shape_cast %get3A_585 : vector<1x16xf32> to vector<16xf32>
      %get3A_587 = arith.constant 0 : i32
      %get3A_588 = arith.index_cast %get3A_587 : i32 to index
      %get3A_589 = arith.index_cast %add3A_480 : i32 to index
      %get3A_590 = arith.constant 80 : index
      %get3A_591 = tpu.vector_load %arg9[%get3A_588, %get3A_589, %get3A_590] {strides = array<i32>} : memref<3x128x128xf32, #tpu.memory_space<vmem>>, vector<1x1x16xf32>,
      %get3A_592 = vector.shape_cast %get3A_591 : vector<1x1x16xf32> to vector<16xf32>
      %add3A_593 = arith.addf %get3A_586, %get3A_592 : vector<16xf32>
      %add3A_594 = arith.constant 384 : i32
      %add3A_595 = arith.addi %add3A_594, %add3A_480 : i32
      %swap3A_596 = arith.index_cast %add3A_595 : i32 to index
      %swap3A_597 = arith.constant 80 : index
      %swap3A_598 = tpu.vector_load %arg10[%swap3A_596, %swap3A_597] {strides = array<i32>} : memref<512x128xf32, #tpu.memory_space<vmem>>, vector<1x16xf32>,
      %swap3A_599 = vector.shape_cast %swap3A_598 : vector<1x16xf32> to vector<16xf32>
      %swap3A_600 = vector.shape_cast %add3A_593 : vector<16xf32> to vector<1x16xf32>
      tpu.vector_store %arg10[%swap3A_596, %swap3A_597], %swap3A_600 {strides = array<i32>} : memref<512x128xf32, #tpu.memory_space<vmem>>, vector<1x16xf32>,
      %add3A_601 = arith.constant 384 : i32
      %add3A_602 = arith.addi %add3A_601, %add3A_480 : i32
      %get3A_603 = arith.index_cast %add3A_602 : i32 to index
      %get3A_604 = arith.constant 96 : index
      %get3A_605 = tpu.vector_load %arg10[%get3A_603, %get3A_604] {strides = array<i32>} : memref<512x128xf32, #tpu.memory_space<vmem>>, vector<1x16xf32>,
      %get3A_606 = vector.shape_cast %get3A_605 : vector<1x16xf32> to vector<16xf32>
      %get3A_607 = arith.constant 0 : i32
      %get3A_608 = arith.index_cast %get3A_607 : i32 to index
      %get3A_609 = arith.index_cast %add3A_480 : i32 to index
      %get3A_610 = arith.constant 96 : index
      %get3A_611 = tpu.vector_load %arg9[%get3A_608, %get3A_609, %get3A_610] {strides = array<i32>} : memref<3x128x128xf32, #tpu.memory_space<vmem>>, vector<1x1x16xf32>,
      %get3A_612 = vector.shape_cast %get3A_611 : vector<1x1x16xf32> to vector<16xf32>
      %add3A_613 = arith.addf %get3A_606, %get3A_612 : vector<16xf32>
      %add3A_614 = arith.constant 384 : i32
      %add3A_615 = arith.addi %add3A_614, %add3A_480 : i32
      %swap3A_616 = arith.index_cast %add3A_615 : i32 to index
      %swap3A_617 = arith.constant 96 : index
      %swap3A_618 = tpu.vector_load %arg10[%swap3A_616, %swap3A_617] {strides = array<i32>} : memref<512x128xf32, #tpu.memory_space<vmem>>, vector<1x16xf32>,
      %swap3A_619 = vector.shape_cast %swap3A_618 : vector<1x16xf32> to vector<16xf32>
      %swap3A_620 = vector.shape_cast %add3A_613 : vector<16xf32> to vector<1x16xf32>
      tpu.vector_store %arg10[%swap3A_616, %swap3A_617], %swap3A_620 {strides = array<i32>} : memref<512x128xf32, #tpu.memory_space<vmem>>, vector<1x16xf32>,
      %add3A_621 = arith.constant 384 : i32
      %add3A_622 = arith.addi %add3A_621, %add3A_480 : i32
      %get3A_623 = arith.index_cast %add3A_622 : i32 to index
      %get3A_624 = arith.constant 112 : index
      %get3A_625 = tpu.vector_load %arg10[%get3A_623, %get3A_624] {strides = array<i32>} : memref<512x128xf32, #tpu.memory_space<vmem>>, vector<1x16xf32>,
      %get3A_626 = vector.shape_cast %get3A_625 : vector<1x16xf32> to vector<16xf32>
      %get3A_627 = arith.constant 0 : i32
      %get3A_628 = arith.index_cast %get3A_627 : i32 to index
      %get3A_629 = arith.index_cast %add3A_480 : i32 to index
      %get3A_630 = arith.constant 112 : index
      %get3A_631 = tpu.vector_load %arg9[%get3A_628, %get3A_629, %get3A_630] {strides = array<i32>} : memref<3x128x128xf32, #tpu.memory_space<vmem>>, vector<1x1x16xf32>,
      %get3A_632 = vector.shape_cast %get3A_631 : vector<1x1x16xf32> to vector<16xf32>
      %add3A_633 = arith.addf %get3A_626, %get3A_632 : vector<16xf32>
      %add3A_634 = arith.constant 384 : i32
      %add3A_635 = arith.addi %add3A_634, %add3A_480 : i32
      %swap3A_636 = arith.index_cast %add3A_635 : i32 to index
      %swap3A_637 = arith.constant 112 : index
      %swap3A_638 = tpu.vector_load %arg10[%swap3A_636, %swap3A_637] {strides = array<i32>} : memref<512x128xf32, #tpu.memory_space<vmem>>, vector<1x16xf32>,
      %swap3A_639 = vector.shape_cast %swap3A_638 : vector<1x16xf32> to vector<16xf32>
      %swap3A_640 = vector.shape_cast %add3A_633 : vector<16xf32> to vector<1x16xf32>
      tpu.vector_store %arg10[%swap3A_636, %swap3A_637], %swap3A_640 {strides = array<i32>} : memref<512x128xf32, #tpu.memory_space<vmem>>, vector<1x16xf32>,
    }
    %scan3A_231 = arith.constant 32 : i32
    %add3A_232 = arith.constant 384 : i32
    %add3A_233 = arith.addi %mul3A_2, %add3A_232 : i32
    %dma_start3A_234 = arith.constant 384 : i32
    %dma_start3A_235 = arith.constant 0 : i32
    %dma_start3A_236 = tpu.memref_slice %arg10[%dma_start3A_234, %dma_start3A_235] : memref<512x128xf32, #tpu.memory_space<vmem>> -> memref<64x128xf32, #tpu.memory_space<vmem>>
    %dma_start3A_237 = arith.constant 0 : i32
    %dma_start3A_238 = tpu.memref_slice %arg6[%add3A_233, %dma_start3A_237] : memref<16384x128xf32, #tpu.memory_space<hbm>> -> memref<64x128xf32, #tpu.memory_space<hbm>>
    %dma_start3A_239 = arith.constant 0 : i32
    %dma_start3A_240 = tpu.memref_slice %arg6[%add3A_233, %dma_start3A_239] : memref<16384x128xf32, #tpu.memory_space<hbm>> -> memref<64x128xf32, #tpu.memory_space<hbm>>
    %dma_start3A_241 = arith.constant 384 : i32
    %dma_start3A_242 = arith.constant 0 : i32
    %dma_start3A_243 = tpu.memref_slice %arg10[%dma_start3A_241, %dma_start3A_242] : memref<512x128xf32, #tpu.memory_space<vmem>> -> memref<64x128xf32, #tpu.memory_space<vmem>>
    tpu.enqueue_dma source(%dma_start3A_243 : memref<64x128xf32, #tpu.memory_space<vmem>>) target(%dma_start3A_240 : memref<64x128xf32, #tpu.memory_space<hbm>>) target_semaphore(%arg19 : memref<!tpu.dma_semaphore, #tpu.memory_space<semaphore_mem>>)
    %scan3A_244 = arith.constant 0 : i32
    %scan3A_245 = arith.constant 32 : i32
    %scan3A_246 = arith.constant 32 : i32
    %scan3A_247 = arith.addi %scan3A_245, %scan3A_246 : i32
    %scan3A_248 = arith.constant 1 : i32
    scf.for %scan3A_314 = %scan3A_245 to %scan3A_247 step %scan3A_248  : i32 {
      %mul3A_315 = arith.constant 2 : i32
      %mul3A_316 = arith.muli %scan3A_314, %mul3A_315 : i32
      %add3A_317 = arith.constant 0 : i32
      %add3A_318 = arith.addi %mul3A_316, %add3A_317 : i32
      %add3A_319 = arith.constant 384 : i32
      %add3A_320 = arith.addi %add3A_319, %add3A_318 : i32
      %get3A = arith.index_cast %add3A_320 : i32 to index
      %get3A_321 = arith.constant 0 : index
      %get3A_322 = tpu.vector_load %arg10[%get3A, %get3A_321] {strides = array<i32>} : memref<512x128xf32, #tpu.memory_space<vmem>>, vector<1x16xf32>,
      %get3A_323 = vector.shape_cast %get3A_322 : vector<1x16xf32> to vector<16xf32>
      %get3A_324 = arith.constant 0 : i32
      %get3A_325 = arith.index_cast %get3A_324 : i32 to index
      %get3A_326 = arith.index_cast %add3A_318 : i32 to index
      %get3A_327 = arith.constant 0 : index
      %get3A_328 = tpu.vector_load %arg9[%get3A_325, %get3A_326, %get3A_327] {strides = array<i32>} : memref<3x128x128xf32, #tpu.memory_space<vmem>>, vector<1x1x16xf32>,
      %get3A_329 = vector.shape_cast %get3A_328 : vector<1x1x16xf32> to vector<16xf32>
      %add3A_330 = arith.addf %get3A_323, %get3A_329 : vector<16xf32>
      %add3A_331 = arith.constant 384 : i32
      %add3A_332 = arith.addi %add3A_331, %add3A_318 : i32
      %swap3A = arith.index_cast %add3A_332 : i32 to index
      %swap3A_333 = arith.constant 0 : index
      %swap3A_334 = tpu.vector_load %arg10[%swap3A, %swap3A_333] {strides = array<i32>} : memref<512x128xf32, #tpu.memory_space<vmem>>, vector<1x16xf32>,
      %swap3A_335 = vector.shape_cast %swap3A_334 : vector<1x16xf32> to vector<16xf32>
      %swap3A_336 = vector.shape_cast %add3A_330 : vector<16xf32> to vector<1x16xf32>
      tpu.vector_store %arg10[%swap3A, %swap3A_333], %swap3A_336 {strides = array<i32>} : memref<512x128xf32, #tpu.memory_space<vmem>>, vector<1x16xf32>,
      %add3A_337 = arith.constant 384 : i32
      %add3A_338 = arith.addi %add3A_337, %add3A_318 : i32
      %get3A_339 = arith.index_cast %add3A_338 : i32 to index
      %get3A_340 = arith.constant 16 : index
      %get3A_341 = tpu.vector_load %arg10[%get3A_339, %get3A_340] {strides = array<i32>} : memref<512x128xf32, #tpu.memory_space<vmem>>, vector<1x16xf32>,
      %get3A_342 = vector.shape_cast %get3A_341 : vector<1x16xf32> to vector<16xf32>
      %get3A_343 = arith.constant 0 : i32
      %get3A_344 = arith.index_cast %get3A_343 : i32 to index
      %get3A_345 = arith.index_cast %add3A_318 : i32 to index
      %get3A_346 = arith.constant 16 : index
      %get3A_347 = tpu.vector_load %arg9[%get3A_344, %get3A_345, %get3A_346] {strides = array<i32>} : memref<3x128x128xf32, #tpu.memory_space<vmem>>, vector<1x1x16xf32>,
      %get3A_348 = vector.shape_cast %get3A_347 : vector<1x1x16xf32> to vector<16xf32>
      %add3A_349 = arith.addf %get3A_342, %get3A_348 : vector<16xf32>
      %add3A_350 = arith.constant 384 : i32
      %add3A_351 = arith.addi %add3A_350, %add3A_318 : i32
      %swap3A_352 = arith.index_cast %add3A_351 : i32 to index
      %swap3A_353 = arith.constant 16 : index
      %swap3A_354 = tpu.vector_load %arg10[%swap3A_352, %swap3A_353] {strides = array<i32>} : memref<512x128xf32, #tpu.memory_space<vmem>>, vector<1x16xf32>,
      %swap3A_355 = vector.shape_cast %swap3A_354 : vector<1x16xf32> to vector<16xf32>
      %swap3A_356 = vector.shape_cast %add3A_349 : vector<16xf32> to vector<1x16xf32>
      tpu.vector_store %arg10[%swap3A_352, %swap3A_353], %swap3A_356 {strides = array<i32>} : memref<512x128xf32, #tpu.memory_space<vmem>>, vector<1x16xf32>,
      %add3A_357 = arith.constant 384 : i32
      %add3A_358 = arith.addi %add3A_357, %add3A_318 : i32
      %get3A_359 = arith.index_cast %add3A_358 : i32 to index
      %get3A_360 = arith.constant 32 : index
      %get3A_361 = tpu.vector_load %arg10[%get3A_359, %get3A_360] {strides = array<i32>} : memref<512x128xf32, #tpu.memory_space<vmem>>, vector<1x16xf32>,
      %get3A_362 = vector.shape_cast %get3A_361 : vector<1x16xf32> to vector<16xf32>
      %get3A_363 = arith.constant 0 : i32
      %get3A_364 = arith.index_cast %get3A_363 : i32 to index
      %get3A_365 = arith.index_cast %add3A_318 : i32 to index
      %get3A_366 = arith.constant 32 : index
      %get3A_367 = tpu.vector_load %arg9[%get3A_364, %get3A_365, %get3A_366] {strides = array<i32>} : memref<3x128x128xf32, #tpu.memory_space<vmem>>, vector<1x1x16xf32>,
      %get3A_368 = vector.shape_cast %get3A_367 : vector<1x1x16xf32> to vector<16xf32>
      %add3A_369 = arith.addf %get3A_362, %get3A_368 : vector<16xf32>
      %add3A_370 = arith.constant 384 : i32
      %add3A_371 = arith.addi %add3A_370, %add3A_318 : i32
      %swap3A_372 = arith.index_cast %add3A_371 : i32 to index
      %swap3A_373 = arith.constant 32 : index
      %swap3A_374 = tpu.vector_load %arg10[%swap3A_372, %swap3A_373] {strides = array<i32>} : memref<512x128xf32, #tpu.memory_space<vmem>>, vector<1x16xf32>,
      %swap3A_375 = vector.shape_cast %swap3A_374 : vector<1x16xf32> to vector<16xf32>
      %swap3A_376 = vector.shape_cast %add3A_369 : vector<16xf32> to vector<1x16xf32>
      tpu.vector_store %arg10[%swap3A_372, %swap3A_373], %swap3A_376 {strides = array<i32>} : memref<512x128xf32, #tpu.memory_space<vmem>>, vector<1x16xf32>,
      %add3A_377 = arith.constant 384 : i32
      %add3A_378 = arith.addi %add3A_377, %add3A_318 : i32
      %get3A_379 = arith.index_cast %add3A_378 : i32 to index
      %get3A_380 = arith.constant 48 : index
      %get3A_381 = tpu.vector_load %arg10[%get3A_379, %get3A_380] {strides = array<i32>} : memref<512x128xf32, #tpu.memory_space<vmem>>, vector<1x16xf32>,
      %get3A_382 = vector.shape_cast %get3A_381 : vector<1x16xf32> to vector<16xf32>
      %get3A_383 = arith.constant 0 : i32
      %get3A_384 = arith.index_cast %get3A_383 : i32 to index
      %get3A_385 = arith.index_cast %add3A_318 : i32 to index
      %get3A_386 = arith.constant 48 : index
      %get3A_387 = tpu.vector_load %arg9[%get3A_384, %get3A_385, %get3A_386] {strides = array<i32>} : memref<3x128x128xf32, #tpu.memory_space<vmem>>, vector<1x1x16xf32>,
      %get3A_388 = vector.shape_cast %get3A_387 : vector<1x1x16xf32> to vector<16xf32>
      %add3A_389 = arith.addf %get3A_382, %get3A_388 : vector<16xf32>
      %add3A_390 = arith.constant 384 : i32
      %add3A_391 = arith.addi %add3A_390, %add3A_318 : i32
      %swap3A_392 = arith.index_cast %add3A_391 : i32 to index
      %swap3A_393 = arith.constant 48 : index
      %swap3A_394 = tpu.vector_load %arg10[%swap3A_392, %swap3A_393] {strides = array<i32>} : memref<512x128xf32, #tpu.memory_space<vmem>>, vector<1x16xf32>,
      %swap3A_395 = vector.shape_cast %swap3A_394 : vector<1x16xf32> to vector<16xf32>
      %swap3A_396 = vector.shape_cast %add3A_389 : vector<16xf32> to vector<1x16xf32>
      tpu.vector_store %arg10[%swap3A_392, %swap3A_393], %swap3A_396 {strides = array<i32>} : memref<512x128xf32, #tpu.memory_space<vmem>>, vector<1x16xf32>,
      %add3A_397 = arith.constant 384 : i32
      %add3A_398 = arith.addi %add3A_397, %add3A_318 : i32
      %get3A_399 = arith.index_cast %add3A_398 : i32 to index
      %get3A_400 = arith.constant 64 : index
      %get3A_401 = tpu.vector_load %arg10[%get3A_399, %get3A_400] {strides = array<i32>} : memref<512x128xf32, #tpu.memory_space<vmem>>, vector<1x16xf32>,
      %get3A_402 = vector.shape_cast %get3A_401 : vector<1x16xf32> to vector<16xf32>
      %get3A_403 = arith.constant 0 : i32
      %get3A_404 = arith.index_cast %get3A_403 : i32 to index
      %get3A_405 = arith.index_cast %add3A_318 : i32 to index
      %get3A_406 = arith.constant 64 : index
      %get3A_407 = tpu.vector_load %arg9[%get3A_404, %get3A_405, %get3A_406] {strides = array<i32>} : memref<3x128x128xf32, #tpu.memory_space<vmem>>, vector<1x1x16xf32>,
      %get3A_408 = vector.shape_cast %get3A_407 : vector<1x1x16xf32> to vector<16xf32>
      %add3A_409 = arith.addf %get3A_402, %get3A_408 : vector<16xf32>
      %add3A_410 = arith.constant 384 : i32
      %add3A_411 = arith.addi %add3A_410, %add3A_318 : i32
      %swap3A_412 = arith.index_cast %add3A_411 : i32 to index
      %swap3A_413 = arith.constant 64 : index
      %swap3A_414 = tpu.vector_load %arg10[%swap3A_412, %swap3A_413] {strides = array<i32>} : memref<512x128xf32, #tpu.memory_space<vmem>>, vector<1x16xf32>,
      %swap3A_415 = vector.shape_cast %swap3A_414 : vector<1x16xf32> to vector<16xf32>
      %swap3A_416 = vector.shape_cast %add3A_409 : vector<16xf32> to vector<1x16xf32>
      tpu.vector_store %arg10[%swap3A_412, %swap3A_413], %swap3A_416 {strides = array<i32>} : memref<512x128xf32, #tpu.memory_space<vmem>>, vector<1x16xf32>,
      %add3A_417 = arith.constant 384 : i32
      %add3A_418 = arith.addi %add3A_417, %add3A_318 : i32
      %get3A_419 = arith.index_cast %add3A_418 : i32 to index
      %get3A_420 = arith.constant 80 : index
      %get3A_421 = tpu.vector_load %arg10[%get3A_419, %get3A_420] {strides = array<i32>} : memref<512x128xf32, #tpu.memory_space<vmem>>, vector<1x16xf32>,
      %get3A_422 = vector.shape_cast %get3A_421 : vector<1x16xf32> to vector<16xf32>
      %get3A_423 = arith.constant 0 : i32
      %get3A_424 = arith.index_cast %get3A_423 : i32 to index
      %get3A_425 = arith.index_cast %add3A_318 : i32 to index
      %get3A_426 = arith.constant 80 : index
      %get3A_427 = tpu.vector_load %arg9[%get3A_424, %get3A_425, %get3A_426] {strides = array<i32>} : memref<3x128x128xf32, #tpu.memory_space<vmem>>, vector<1x1x16xf32>,
      %get3A_428 = vector.shape_cast %get3A_427 : vector<1x1x16xf32> to vector<16xf32>
      %add3A_429 = arith.addf %get3A_422, %get3A_428 : vector<16xf32>
      %add3A_430 = arith.constant 384 : i32
      %add3A_431 = arith.addi %add3A_430, %add3A_318 : i32
      %swap3A_432 = arith.index_cast %add3A_431 : i32 to index
      %swap3A_433 = arith.constant 80 : index
      %swap3A_434 = tpu.vector_load %arg10[%swap3A_432, %swap3A_433] {strides = array<i32>} : memref<512x128xf32, #tpu.memory_space<vmem>>, vector<1x16xf32>,
      %swap3A_435 = vector.shape_cast %swap3A_434 : vector<1x16xf32> to vector<16xf32>
      %swap3A_436 = vector.shape_cast %add3A_429 : vector<16xf32> to vector<1x16xf32>
      tpu.vector_store %arg10[%swap3A_432, %swap3A_433], %swap3A_436 {strides = array<i32>} : memref<512x128xf32, #tpu.memory_space<vmem>>, vector<1x16xf32>,
      %add3A_437 = arith.constant 384 : i32
      %add3A_438 = arith.addi %add3A_437, %add3A_318 : i32
      %get3A_439 = arith.index_cast %add3A_438 : i32 to index
      %get3A_440 = arith.constant 96 : index
      %get3A_441 = tpu.vector_load %arg10[%get3A_439, %get3A_440] {strides = array<i32>} : memref<512x128xf32, #tpu.memory_space<vmem>>, vector<1x16xf32>,
      %get3A_442 = vector.shape_cast %get3A_441 : vector<1x16xf32> to vector<16xf32>
      %get3A_443 = arith.constant 0 : i32
      %get3A_444 = arith.index_cast %get3A_443 : i32 to index
      %get3A_445 = arith.index_cast %add3A_318 : i32 to index
      %get3A_446 = arith.constant 96 : index
      %get3A_447 = tpu.vector_load %arg9[%get3A_444, %get3A_445, %get3A_446] {strides = array<i32>} : memref<3x128x128xf32, #tpu.memory_space<vmem>>, vector<1x1x16xf32>,
      %get3A_448 = vector.shape_cast %get3A_447 : vector<1x1x16xf32> to vector<16xf32>
      %add3A_449 = arith.addf %get3A_442, %get3A_448 : vector<16xf32>
      %add3A_450 = arith.constant 384 : i32
      %add3A_451 = arith.addi %add3A_450, %add3A_318 : i32
      %swap3A_452 = arith.index_cast %add3A_451 : i32 to index
      %swap3A_453 = arith.constant 96 : index
      %swap3A_454 = tpu.vector_load %arg10[%swap3A_452, %swap3A_453] {strides = array<i32>} : memref<512x128xf32, #tpu.memory_space<vmem>>, vector<1x16xf32>,
      %swap3A_455 = vector.shape_cast %swap3A_454 : vector<1x16xf32> to vector<16xf32>
      %swap3A_456 = vector.shape_cast %add3A_449 : vector<16xf32> to vector<1x16xf32>
      tpu.vector_store %arg10[%swap3A_452, %swap3A_453], %swap3A_456 {strides = array<i32>} : memref<512x128xf32, #tpu.memory_space<vmem>>, vector<1x16xf32>,
      %add3A_457 = arith.constant 384 : i32
      %add3A_458 = arith.addi %add3A_457, %add3A_318 : i32
      %get3A_459 = arith.index_cast %add3A_458 : i32 to index
      %get3A_460 = arith.constant 112 : index
      %get3A_461 = tpu.vector_load %arg10[%get3A_459, %get3A_460] {strides = array<i32>} : memref<512x128xf32, #tpu.memory_space<vmem>>, vector<1x16xf32>,
      %get3A_462 = vector.shape_cast %get3A_461 : vector<1x16xf32> to vector<16xf32>
      %get3A_463 = arith.constant 0 : i32
      %get3A_464 = arith.index_cast %get3A_463 : i32 to index
      %get3A_465 = arith.index_cast %add3A_318 : i32 to index
      %get3A_466 = arith.constant 112 : index
      %get3A_467 = tpu.vector_load %arg9[%get3A_464, %get3A_465, %get3A_466] {strides = array<i32>} : memref<3x128x128xf32, #tpu.memory_space<vmem>>, vector<1x1x16xf32>,
      %get3A_468 = vector.shape_cast %get3A_467 : vector<1x1x16xf32> to vector<16xf32>
      %add3A_469 = arith.addf %get3A_462, %get3A_468 : vector<16xf32>
      %add3A_470 = arith.constant 384 : i32
      %add3A_471 = arith.addi %add3A_470, %add3A_318 : i32
      %swap3A_472 = arith.index_cast %add3A_471 : i32 to index
      %swap3A_473 = arith.constant 112 : index
      %swap3A_474 = tpu.vector_load %arg10[%swap3A_472, %swap3A_473] {strides = array<i32>} : memref<512x128xf32, #tpu.memory_space<vmem>>, vector<1x16xf32>,
      %swap3A_475 = vector.shape_cast %swap3A_474 : vector<1x16xf32> to vector<16xf32>
      %swap3A_476 = vector.shape_cast %add3A_469 : vector<16xf32> to vector<1x16xf32>
      tpu.vector_store %arg10[%swap3A_472, %swap3A_473], %swap3A_476 {strides = array<i32>} : memref<512x128xf32, #tpu.memory_space<vmem>>, vector<1x16xf32>,
      %mul3A_477 = arith.constant 2 : i32
      %mul3A_478 = arith.muli %scan3A_314, %mul3A_477 : i32
      %add3A_479 = arith.constant 1 : i32
      %add3A_480 = arith.addi %mul3A_478, %add3A_479 : i32
      %add3A_481 = arith.constant 384 : i32
      %add3A_482 = arith.addi %add3A_481, %add3A_480 : i32
      %get3A_483 = arith.index_cast %add3A_482 : i32 to index
      %get3A_484 = arith.constant 0 : index
      %get3A_485 = tpu.vector_load %arg10[%get3A_483, %get3A_484] {strides = array<i32>} : memref<512x128xf32, #tpu.memory_space<vmem>>, vector<1x16xf32>,
      %get3A_486 = vector.shape_cast %get3A_485 : vector<1x16xf32> to vector<16xf32>
      %get3A_487 = arith.constant 0 : i32
      %get3A_488 = arith.index_cast %get3A_487 : i32 to index
      %get3A_489 = arith.index_cast %add3A_480 : i32 to index
      %get3A_490 = arith.constant 0 : index
      %get3A_491 = tpu.vector_load %arg9[%get3A_488, %get3A_489, %get3A_490] {strides = array<i32>} : memref<3x128x128xf32, #tpu.memory_space<vmem>>, vector<1x1x16xf32>,
      %get3A_492 = vector.shape_cast %get3A_491 : vector<1x1x16xf32> to vector<16xf32>
      %add3A_493 = arith.addf %get3A_486, %get3A_492 : vector<16xf32>
      %add3A_494 = arith.constant 384 : i32
      %add3A_495 = arith.addi %add3A_494, %add3A_480 : i32
      %swap3A_496 = arith.index_cast %add3A_495 : i32 to index
      %swap3A_497 = arith.constant 0 : index
      %swap3A_498 = tpu.vector_load %arg10[%swap3A_496, %swap3A_497] {strides = array<i32>} : memref<512x128xf32, #tpu.memory_space<vmem>>, vector<1x16xf32>,
      %swap3A_499 = vector.shape_cast %swap3A_498 : vector<1x16xf32> to vector<16xf32>
      %swap3A_500 = vector.shape_cast %add3A_493 : vector<16xf32> to vector<1x16xf32>
      tpu.vector_store %arg10[%swap3A_496, %swap3A_497], %swap3A_500 {strides = array<i32>} : memref<512x128xf32, #tpu.memory_space<vmem>>, vector<1x16xf32>,
      %add3A_501 = arith.constant 384 : i32
      %add3A_502 = arith.addi %add3A_501, %add3A_480 : i32
      %get3A_503 = arith.index_cast %add3A_502 : i32 to index
      %get3A_504 = arith.constant 16 : index
      %get3A_505 = tpu.vector_load %arg10[%get3A_503, %get3A_504] {strides = array<i32>} : memref<512x128xf32, #tpu.memory_space<vmem>>, vector<1x16xf32>,
      %get3A_506 = vector.shape_cast %get3A_505 : vector<1x16xf32> to vector<16xf32>
      %get3A_507 = arith.constant 0 : i32
      %get3A_508 = arith.index_cast %get3A_507 : i32 to index
      %get3A_509 = arith.index_cast %add3A_480 : i32 to index
      %get3A_510 = arith.constant 16 : index
      %get3A_511 = tpu.vector_load %arg9[%get3A_508, %get3A_509, %get3A_510] {strides = array<i32>} : memref<3x128x128xf32, #tpu.memory_space<vmem>>, vector<1x1x16xf32>,
      %get3A_512 = vector.shape_cast %get3A_511 : vector<1x1x16xf32> to vector<16xf32>
      %add3A_513 = arith.addf %get3A_506, %get3A_512 : vector<16xf32>
      %add3A_514 = arith.constant 384 : i32
      %add3A_515 = arith.addi %add3A_514, %add3A_480 : i32
      %swap3A_516 = arith.index_cast %add3A_515 : i32 to index
      %swap3A_517 = arith.constant 16 : index
      %swap3A_518 = tpu.vector_load %arg10[%swap3A_516, %swap3A_517] {strides = array<i32>} : memref<512x128xf32, #tpu.memory_space<vmem>>, vector<1x16xf32>,
      %swap3A_519 = vector.shape_cast %swap3A_518 : vector<1x16xf32> to vector<16xf32>
      %swap3A_520 = vector.shape_cast %add3A_513 : vector<16xf32> to vector<1x16xf32>
      tpu.vector_store %arg10[%swap3A_516, %swap3A_517], %swap3A_520 {strides = array<i32>} : memref<512x128xf32, #tpu.memory_space<vmem>>, vector<1x16xf32>,
      %add3A_521 = arith.constant 384 : i32
      %add3A_522 = arith.addi %add3A_521, %add3A_480 : i32
      %get3A_523 = arith.index_cast %add3A_522 : i32 to index
      %get3A_524 = arith.constant 32 : index
      %get3A_525 = tpu.vector_load %arg10[%get3A_523, %get3A_524] {strides = array<i32>} : memref<512x128xf32, #tpu.memory_space<vmem>>, vector<1x16xf32>,
      %get3A_526 = vector.shape_cast %get3A_525 : vector<1x16xf32> to vector<16xf32>
      %get3A_527 = arith.constant 0 : i32
      %get3A_528 = arith.index_cast %get3A_527 : i32 to index
      %get3A_529 = arith.index_cast %add3A_480 : i32 to index
      %get3A_530 = arith.constant 32 : index
      %get3A_531 = tpu.vector_load %arg9[%get3A_528, %get3A_529, %get3A_530] {strides = array<i32>} : memref<3x128x128xf32, #tpu.memory_space<vmem>>, vector<1x1x16xf32>,
      %get3A_532 = vector.shape_cast %get3A_531 : vector<1x1x16xf32> to vector<16xf32>
      %add3A_533 = arith.addf %get3A_526, %get3A_532 : vector<16xf32>
      %add3A_534 = arith.constant 384 : i32
      %add3A_535 = arith.addi %add3A_534, %add3A_480 : i32
      %swap3A_536 = arith.index_cast %add3A_535 : i32 to index
      %swap3A_537 = arith.constant 32 : index
      %swap3A_538 = tpu.vector_load %arg10[%swap3A_536, %swap3A_537] {strides = array<i32>} : memref<512x128xf32, #tpu.memory_space<vmem>>, vector<1x16xf32>,
      %swap3A_539 = vector.shape_cast %swap3A_538 : vector<1x16xf32> to vector<16xf32>
      %swap3A_540 = vector.shape_cast %add3A_533 : vector<16xf32> to vector<1x16xf32>
      tpu.vector_store %arg10[%swap3A_536, %swap3A_537], %swap3A_540 {strides = array<i32>} : memref<512x128xf32, #tpu.memory_space<vmem>>, vector<1x16xf32>,
      %add3A_541 = arith.constant 384 : i32
      %add3A_542 = arith.addi %add3A_541, %add3A_480 : i32
      %get3A_543 = arith.index_cast %add3A_542 : i32 to index
      %get3A_544 = arith.constant 48 : index
      %get3A_545 = tpu.vector_load %arg10[%get3A_543, %get3A_544] {strides = array<i32>} : memref<512x128xf32, #tpu.memory_space<vmem>>, vector<1x16xf32>,
      %get3A_546 = vector.shape_cast %get3A_545 : vector<1x16xf32> to vector<16xf32>
      %get3A_547 = arith.constant 0 : i32
      %get3A_548 = arith.index_cast %get3A_547 : i32 to index
      %get3A_549 = arith.index_cast %add3A_480 : i32 to index
      %get3A_550 = arith.constant 48 : index
      %get3A_551 = tpu.vector_load %arg9[%get3A_548, %get3A_549, %get3A_550] {strides = array<i32>} : memref<3x128x128xf32, #tpu.memory_space<vmem>>, vector<1x1x16xf32>,
      %get3A_552 = vector.shape_cast %get3A_551 : vector<1x1x16xf32> to vector<16xf32>
      %add3A_553 = arith.addf %get3A_546, %get3A_552 : vector<16xf32>
      %add3A_554 = arith.constant 384 : i32
      %add3A_555 = arith.addi %add3A_554, %add3A_480 : i32
      %swap3A_556 = arith.index_cast %add3A_555 : i32 to index
      %swap3A_557 = arith.constant 48 : index
      %swap3A_558 = tpu.vector_load %arg10[%swap3A_556, %swap3A_557] {strides = array<i32>} : memref<512x128xf32, #tpu.memory_space<vmem>>, vector<1x16xf32>,
      %swap3A_559 = vector.shape_cast %swap3A_558 : vector<1x16xf32> to vector<16xf32>
      %swap3A_560 = vector.shape_cast %add3A_553 : vector<16xf32> to vector<1x16xf32>
      tpu.vector_store %arg10[%swap3A_556, %swap3A_557], %swap3A_560 {strides = array<i32>} : memref<512x128xf32, #tpu.memory_space<vmem>>, vector<1x16xf32>,
      %add3A_561 = arith.constant 384 : i32
      %add3A_562 = arith.addi %add3A_561, %add3A_480 : i32
      %get3A_563 = arith.index_cast %add3A_562 : i32 to index
      %get3A_564 = arith.constant 64 : index
      %get3A_565 = tpu.vector_load %arg10[%get3A_563, %get3A_564] {strides = array<i32>} : memref<512x128xf32, #tpu.memory_space<vmem>>, vector<1x16xf32>,
      %get3A_566 = vector.shape_cast %get3A_565 : vector<1x16xf32> to vector<16xf32>
      %get3A_567 = arith.constant 0 : i32
      %get3A_568 = arith.index_cast %get3A_567 : i32 to index
      %get3A_569 = arith.index_cast %add3A_480 : i32 to index
      %get3A_570 = arith.constant 64 : index
      %get3A_571 = tpu.vector_load %arg9[%get3A_568, %get3A_569, %get3A_570] {strides = array<i32>} : memref<3x128x128xf32, #tpu.memory_space<vmem>>, vector<1x1x16xf32>,
      %get3A_572 = vector.shape_cast %get3A_571 : vector<1x1x16xf32> to vector<16xf32>
      %add3A_573 = arith.addf %get3A_566, %get3A_572 : vector<16xf32>
      %add3A_574 = arith.constant 384 : i32
      %add3A_575 = arith.addi %add3A_574, %add3A_480 : i32
      %swap3A_576 = arith.index_cast %add3A_575 : i32 to index
      %swap3A_577 = arith.constant 64 : index
      %swap3A_578 = tpu.vector_load %arg10[%swap3A_576, %swap3A_577] {strides = array<i32>} : memref<512x128xf32, #tpu.memory_space<vmem>>, vector<1x16xf32>,
      %swap3A_579 = vector.shape_cast %swap3A_578 : vector<1x16xf32> to vector<16xf32>
      %swap3A_580 = vector.shape_cast %add3A_573 : vector<16xf32> to vector<1x16xf32>
      tpu.vector_store %arg10[%swap3A_576, %swap3A_577], %swap3A_580 {strides = array<i32>} : memref<512x128xf32, #tpu.memory_space<vmem>>, vector<1x16xf32>,
      %add3A_581 = arith.constant 384 : i32
      %add3A_582 = arith.addi %add3A_581, %add3A_480 : i32
      %get3A_583 = arith.index_cast %add3A_582 : i32 to index
      %get3A_584 = arith.constant 80 : index
      %get3A_585 = tpu.vector_load %arg10[%get3A_583, %get3A_584] {strides = array<i32>} : memref<512x128xf32, #tpu.memory_space<vmem>>, vector<1x16xf32>,
      %get3A_586 = vector.shape_cast %get3A_585 : vector<1x16xf32> to vector<16xf32>
      %get3A_587 = arith.constant 0 : i32
      %get3A_588 = arith.index_cast %get3A_587 : i32 to index
      %get3A_589 = arith.index_cast %add3A_480 : i32 to index
      %get3A_590 = arith.constant 80 : index
      %get3A_591 = tpu.vector_load %arg9[%get3A_588, %get3A_589, %get3A_590] {strides = array<i32>} : memref<3x128x128xf32, #tpu.memory_space<vmem>>, vector<1x1x16xf32>,
      %get3A_592 = vector.shape_cast %get3A_591 : vector<1x1x16xf32> to vector<16xf32>
      %add3A_593 = arith.addf %get3A_586, %get3A_592 : vector<16xf32>
      %add3A_594 = arith.constant 384 : i32
      %add3A_595 = arith.addi %add3A_594, %add3A_480 : i32
      %swap3A_596 = arith.index_cast %add3A_595 : i32 to index
      %swap3A_597 = arith.constant 80 : index
      %swap3A_598 = tpu.vector_load %arg10[%swap3A_596, %swap3A_597] {strides = array<i32>} : memref<512x128xf32, #tpu.memory_space<vmem>>, vector<1x16xf32>,
      %swap3A_599 = vector.shape_cast %swap3A_598 : vector<1x16xf32> to vector<16xf32>
      %swap3A_600 = vector.shape_cast %add3A_593 : vector<16xf32> to vector<1x16xf32>
      tpu.vector_store %arg10[%swap3A_596, %swap3A_597], %swap3A_600 {strides = array<i32>} : memref<512x128xf32, #tpu.memory_space<vmem>>, vector<1x16xf32>,
      %add3A_601 = arith.constant 384 : i32
      %add3A_602 = arith.addi %add3A_601, %add3A_480 : i32
      %get3A_603 = arith.index_cast %add3A_602 : i32 to index
      %get3A_604 = arith.constant 96 : index
      %get3A_605 = tpu.vector_load %arg10[%get3A_603, %get3A_604] {strides = array<i32>} : memref<512x128xf32, #tpu.memory_space<vmem>>, vector<1x16xf32>,
      %get3A_606 = vector.shape_cast %get3A_605 : vector<1x16xf32> to vector<16xf32>
      %get3A_607 = arith.constant 0 : i32
      %get3A_608 = arith.index_cast %get3A_607 : i32 to index
      %get3A_609 = arith.index_cast %add3A_480 : i32 to index
      %get3A_610 = arith.constant 96 : index
      %get3A_611 = tpu.vector_load %arg9[%get3A_608, %get3A_609, %get3A_610] {strides = array<i32>} : memref<3x128x128xf32, #tpu.memory_space<vmem>>, vector<1x1x16xf32>,
      %get3A_612 = vector.shape_cast %get3A_611 : vector<1x1x16xf32> to vector<16xf32>
      %add3A_613 = arith.addf %get3A_606, %get3A_612 : vector<16xf32>
      %add3A_614 = arith.constant 384 : i32
      %add3A_615 = arith.addi %add3A_614, %add3A_480 : i32
      %swap3A_616 = arith.index_cast %add3A_615 : i32 to index
      %swap3A_617 = arith.constant 96 : index
      %swap3A_618 = tpu.vector_load %arg10[%swap3A_616, %swap3A_617] {strides = array<i32>} : memref<512x128xf32, #tpu.memory_space<vmem>>, vector<1x16xf32>,
      %swap3A_619 = vector.shape_cast %swap3A_618 : vector<1x16xf32> to vector<16xf32>
      %swap3A_620 = vector.shape_cast %add3A_613 : vector<16xf32> to vector<1x16xf32>
      tpu.vector_store %arg10[%swap3A_616, %swap3A_617], %swap3A_620 {strides = array<i32>} : memref<512x128xf32, #tpu.memory_space<vmem>>, vector<1x16xf32>,
      %add3A_621 = arith.constant 384 : i32
      %add3A_622 = arith.addi %add3A_621, %add3A_480 : i32
      %get3A_623 = arith.index_cast %add3A_622 : i32 to index
      %get3A_624 = arith.constant 112 : index
      %get3A_625 = tpu.vector_load %arg10[%get3A_623, %get3A_624] {strides = array<i32>} : memref<512x128xf32, #tpu.memory_space<vmem>>, vector<1x16xf32>,
      %get3A_626 = vector.shape_cast %get3A_625 : vector<1x16xf32> to vector<16xf32>
      %get3A_627 = arith.constant 0 : i32
      %get3A_628 = arith.index_cast %get3A_627 : i32 to index
      %get3A_629 = arith.index_cast %add3A_480 : i32 to index
      %get3A_630 = arith.constant 112 : index
      %get3A_631 = tpu.vector_load %arg9[%get3A_628, %get3A_629, %get3A_630] {strides = array<i32>} : memref<3x128x128xf32, #tpu.memory_space<vmem>>, vector<1x1x16xf32>,
      %get3A_632 = vector.shape_cast %get3A_631 : vector<1x1x16xf32> to vector<16xf32>
      %add3A_633 = arith.addf %get3A_626, %get3A_632 : vector<16xf32>
      %add3A_634 = arith.constant 384 : i32
      %add3A_635 = arith.addi %add3A_634, %add3A_480 : i32
      %swap3A_636 = arith.index_cast %add3A_635 : i32 to index
      %swap3A_637 = arith.constant 112 : index
      %swap3A_638 = tpu.vector_load %arg10[%swap3A_636, %swap3A_637] {strides = array<i32>} : memref<512x128xf32, #tpu.memory_space<vmem>>, vector<1x16xf32>,
      %swap3A_639 = vector.shape_cast %swap3A_638 : vector<1x16xf32> to vector<16xf32>
      %swap3A_640 = vector.shape_cast %add3A_633 : vector<16xf32> to vector<1x16xf32>
      tpu.vector_store %arg10[%swap3A_636, %swap3A_637], %swap3A_640 {strides = array<i32>} : memref<512x128xf32, #tpu.memory_space<vmem>>, vector<1x16xf32>,
    }
    %scan3A_249 = arith.constant 32 : i32
    %add3A_250 = arith.constant 384 : i32
    %add3A_251 = arith.addi %mul3A_2, %add3A_250 : i32
    %add3A_252 = arith.constant 64 : i32
    %add3A_253 = arith.addi %add3A_251, %add3A_252 : i32
    %dma_start3A_254 = arith.constant 448 : i32
    %dma_start3A_255 = arith.constant 0 : i32
    %dma_start3A_256 = tpu.memref_slice %arg10[%dma_start3A_254, %dma_start3A_255] : memref<512x128xf32, #tpu.memory_space<vmem>> -> memref<64x128xf32, #tpu.memory_space<vmem>>
    %dma_start3A_257 = arith.constant 0 : i32
    %dma_start3A_258 = tpu.memref_slice %arg6[%add3A_253, %dma_start3A_257] : memref<16384x128xf32, #tpu.memory_space<hbm>> -> memref<64x128xf32, #tpu.memory_space<hbm>>
    %dma_start3A_259 = arith.constant 0 : i32
    %dma_start3A_260 = tpu.memref_slice %arg6[%add3A_253, %dma_start3A_259] : memref<16384x128xf32, #tpu.memory_space<hbm>> -> memref<64x128xf32, #tpu.memory_space<hbm>>
    %dma_start3A_261 = arith.constant 448 : i32
    %dma_start3A_262 = arith.constant 0 : i32
    %dma_start3A_263 = tpu.memref_slice %arg10[%dma_start3A_261, %dma_start3A_262] : memref<512x128xf32, #tpu.memory_space<vmem>> -> memref<64x128xf32, #tpu.memory_space<vmem>>
    tpu.enqueue_dma source(%dma_start3A_263 : memref<64x128xf32, #tpu.memory_space<vmem>>) target(%dma_start3A_260 : memref<64x128xf32, #tpu.memory_space<hbm>>) target_semaphore(%arg19 : memref<!tpu.dma_semaphore, #tpu.memory_space<semaphore_mem>>)
    %dma_wait3A_264 = arith.constant 0 : i32
    %dma_wait3A_265 = arith.constant 0 : i32
    %dma_wait3A_266 = tpu.memref_slice %arg10[%dma_wait3A_264, %dma_wait3A_265] : memref<512x128xf32, #tpu.memory_space<vmem>> -> memref<128x128xf32, #tpu.memory_space<vmem>>
    %dma_wait3A_267 = arith.constant 0 : i32
    %dma_wait3A_268 = tpu.memref_slice %arg6[%add3A_143, %dma_wait3A_267] : memref<16384x128xf32, #tpu.memory_space<hbm>> -> memref<128x128xf32, #tpu.memory_space<hbm>>
    %dma_wait3A_269 = arith.constant 0 : i32
    %dma_wait3A_270 = tpu.memref_slice %arg6[%add3A_143, %dma_wait3A_269] : memref<16384x128xf32, #tpu.memory_space<hbm>> -> memref<128x128xf32, #tpu.memory_space<hbm>>
    %dma_wait3A_271 = arith.constant 0 : i32
    %dma_wait3A_272 = arith.constant 0 : i32
    %dma_wait3A_273 = tpu.memref_slice %arg10[%dma_wait3A_271, %dma_wait3A_272] : memref<512x128xf32, #tpu.memory_space<vmem>> -> memref<128x128xf32, #tpu.memory_space<vmem>>
    tpu.wait_dma2 semaphore(%arg19 : memref<!tpu.dma_semaphore, #tpu.memory_space<semaphore_mem>>) src(%dma_wait3A_273 : memref<128x128xf32, #tpu.memory_space<vmem>>) dst(%dma_wait3A_270 : memref<128x128xf32, #tpu.memory_space<hbm>>)
    %dma_wait3A_274 = arith.constant 128 : i32
    %dma_wait3A_275 = arith.constant 0 : i32
    %dma_wait3A_276 = tpu.memref_slice %arg10[%dma_wait3A_274, %dma_wait3A_275] : memref<512x128xf32, #tpu.memory_space<vmem>> -> memref<128x128xf32, #tpu.memory_space<vmem>>
    %dma_wait3A_277 = arith.constant 0 : i32
    %dma_wait3A_278 = tpu.memref_slice %arg6[%add3A_173, %dma_wait3A_277] : memref<16384x128xf32, #tpu.memory_space<hbm>> -> memref<128x128xf32, #tpu.memory_space<hbm>>
    %dma_wait3A_279 = arith.constant 0 : i32
    %dma_wait3A_280 = tpu.memref_slice %arg6[%add3A_173, %dma_wait3A_279] : memref<16384x128xf32, #tpu.memory_space<hbm>> -> memref<128x128xf32, #tpu.memory_space<hbm>>
    %dma_wait3A_281 = arith.constant 128 : i32
    %dma_wait3A_282 = arith.constant 0 : i32
    %dma_wait3A_283 = tpu.memref_slice %arg10[%dma_wait3A_281, %dma_wait3A_282] : memref<512x128xf32, #tpu.memory_space<vmem>> -> memref<128x128xf32, #tpu.memory_space<vmem>>
    tpu.wait_dma2 semaphore(%arg19 : memref<!tpu.dma_semaphore, #tpu.memory_space<semaphore_mem>>) src(%dma_wait3A_283 : memref<128x128xf32, #tpu.memory_space<vmem>>) dst(%dma_wait3A_280 : memref<128x128xf32, #tpu.memory_space<hbm>>)
    %dma_wait3A_284 = arith.constant 256 : i32
    %dma_wait3A_285 = arith.constant 0 : i32
    %dma_wait3A_286 = tpu.memref_slice %arg10[%dma_wait3A_284, %dma_wait3A_285] : memref<512x128xf32, #tpu.memory_space<vmem>> -> memref<128x128xf32, #tpu.memory_space<vmem>>
    %dma_wait3A_287 = arith.constant 0 : i32
    %dma_wait3A_288 = tpu.memref_slice %arg6[%add3A_203, %dma_wait3A_287] : memref<16384x128xf32, #tpu.memory_space<hbm>> -> memref<128x128xf32, #tpu.memory_space<hbm>>
    %dma_wait3A_289 = arith.constant 0 : i32
    %dma_wait3A_290 = tpu.memref_slice %arg6[%add3A_203, %dma_wait3A_289] : memref<16384x128xf32, #tpu.memory_space<hbm>> -> memref<128x128xf32, #tpu.memory_space<hbm>>
    %dma_wait3A_291 = arith.constant 256 : i32
    %dma_wait3A_292 = arith.constant 0 : i32
    %dma_wait3A_293 = tpu.memref_slice %arg10[%dma_wait3A_291, %dma_wait3A_292] : memref<512x128xf32, #tpu.memory_space<vmem>> -> memref<128x128xf32, #tpu.memory_space<vmem>>
    tpu.wait_dma2 semaphore(%arg19 : memref<!tpu.dma_semaphore, #tpu.memory_space<semaphore_mem>>) src(%dma_wait3A_293 : memref<128x128xf32, #tpu.memory_space<vmem>>) dst(%dma_wait3A_290 : memref<128x128xf32, #tpu.memory_space<hbm>>)
    %dma_wait3A_294 = arith.constant 384 : i32
    %dma_wait3A_295 = arith.constant 0 : i32
    %dma_wait3A_296 = tpu.memref_slice %arg10[%dma_wait3A_294, %dma_wait3A_295] : memref<512x128xf32, #tpu.memory_space<vmem>> -> memref<64x128xf32, #tpu.memory_space<vmem>>
    %dma_wait3A_297 = arith.constant 0 : i32
    %dma_wait3A_298 = tpu.memref_slice %arg6[%add3A_233, %dma_wait3A_297] : memref<16384x128xf32, #tpu.memory_space<hbm>> -> memref<64x128xf32, #tpu.memory_space<hbm>>
    %dma_wait3A_299 = arith.constant 0 : i32
    %dma_wait3A_300 = tpu.memref_slice %arg6[%add3A_233, %dma_wait3A_299] : memref<16384x128xf32, #tpu.memory_space<hbm>> -> memref<64x128xf32, #tpu.memory_space<hbm>>
    %dma_wait3A_301 = arith.constant 384 : i32
    %dma_wait3A_302 = arith.constant 0 : i32
    %dma_wait3A_303 = tpu.memref_slice %arg10[%dma_wait3A_301, %dma_wait3A_302] : memref<512x128xf32, #tpu.memory_space<vmem>> -> memref<64x128xf32, #tpu.memory_space<vmem>>
    tpu.wait_dma2 semaphore(%arg19 : memref<!tpu.dma_semaphore, #tpu.memory_space<semaphore_mem>>) src(%dma_wait3A_303 : memref<64x128xf32, #tpu.memory_space<vmem>>) dst(%dma_wait3A_300 : memref<64x128xf32, #tpu.memory_space<hbm>>)
    %dma_wait3A_304 = arith.constant 448 : i32
    %dma_wait3A_305 = arith.constant 0 : i32
    %dma_wait3A_306 = tpu.memref_slice %arg10[%dma_wait3A_304, %dma_wait3A_305] : memref<512x128xf32, #tpu.memory_space<vmem>> -> memref<64x128xf32, #tpu.memory_space<vmem>>
    %dma_wait3A_307 = arith.constant 0 : i32
    %dma_wait3A_308 = tpu.memref_slice %arg6[%add3A_253, %dma_wait3A_307] : memref<16384x128xf32, #tpu.memory_space<hbm>> -> memref<64x128xf32, #tpu.memory_space<hbm>>
    %dma_wait3A_309 = arith.constant 0 : i32
    %dma_wait3A_310 = tpu.memref_slice %arg6[%add3A_253, %dma_wait3A_309] : memref<16384x128xf32, #tpu.memory_space<hbm>> -> memref<64x128xf32, #tpu.memory_space<hbm>>
    %dma_wait3A_311 = arith.constant 448 : i32
    %dma_wait3A_312 = arith.constant 0 : i32
    %dma_wait3A_313 = tpu.memref_slice %arg10[%dma_wait3A_311, %dma_wait3A_312] : memref<512x128xf32, #tpu.memory_space<vmem>> -> memref<64x128xf32, #tpu.memory_space<vmem>>
    tpu.wait_dma2 semaphore(%arg19 : memref<!tpu.dma_semaphore, #tpu.memory_space<semaphore_mem>>) src(%dma_wait3A_313 : memref<64x128xf32, #tpu.memory_space<vmem>>) dst(%dma_wait3A_310 : memref<64x128xf32, #tpu.memory_space<hbm>>)
    return
  }
}

</mosaic_0001>

<sc_bundles>
// kernel: kernel.3.cloned.1.call-start
scs
__scs_entry_jumppad:
0x0: {  	(pc) =	sbr.rel $0x88, $3  }
0x1: {  	(tag) =	ssettag $0x0;
	lr =	simm.s32 $0x1  }
0x2: {  	[smem:$0x3F9D] =	sst lr;
	_ =	strace $0xD0000000  }
0x3: {  	_ = 	snop  }
0x4: {  	_ = 	snop  }
0x5: {  	_ = 	snop  }
0x6: {  	_ = 	snop  }
0x7: {  	_ = 	snop  }
__scs_overlays_trampoline_lowered:
0x8: {  	[smem:$0x3FAC] =	sst s0  }
0x9: {  	[smem:$0x3FAD] =	sst s1  }
0xa: {  	[smem:$0x3FAE] =	sst s2  }
0xb: {  	[smem:$0x3FAF] =	sst s3  }
0xc: {  	[smem:$0x3FB0] =	sst s4  }
0xd: {  	[smem:$0x3FB1] =	sst s5  }
0xe: {  	[smem:$0x3FB2] =	sst s6  }
0xf: {  	[smem:$0x3FB3] =	sst s7  }
0x10: {  	[smem:$0x3FB4] =	sst s8  }
0x11: {  	[smem:$0x3FB5] =	sst s9;
	s0 =	simm.s32 @!p0 $0x0  }
0x12: {  	s1 =	sld [smem:$0x3F9B];
	s0 =	simm.s32 @p0 $0x1  }
0x13: {  	[smem:$0x3FB6] =	sst s0;
	s0 =	simm.s32 @!p1 $0x0  }
0x14: {  	s2 =	sld [smem:$0x3F9A];
	s0 =	simm.s32 @p1 $0x1  }
0x15: {  	[smem:$0x3FB7] =	sst s0;
	s0 =	simm.s32 @!p2 $0x0  }
0x16: {  	s3 =	sld [smem:$0x3FDB];
	s0 =	simm.s32 @p2 $0x1  }
0x17: {  	s4 =	simm.s32 $0x1BF5;
	[smem:$0x3FB9] =	sst s0  }
0x18: {  	s0 =	sld [smem:$0x3F9C];
	_ =	swait.ge [sflag:s4], $0x0  }
0x19: {  	s7 =	sld [smem:$0x3F9D]  }
0x1a: {  	s8 =	sadd.s32 $0xFFFFE003, lr  }
0x1b: {  	s9 =	sadd.s32 $0xFFFFFEF7, lr;
	s5 =	simm.s32 $0xFFFFFFFF;
	p2 =	slt.u32 s8, $0xFFFFF086  }
0x1c: {  	p1 =	slt.u32 s9, $0xF7A;
	s5 =	simm.s32 @!p2 $0x0  }
0x1d: {  	s5 =	simm.s32 @p1 $0x1;
	p0 =	seq.s32 s7, s2  }
0x1e: {  	s7 =	smul.u32 @!p0 $0xF7A, s2;
	p2 =	seq.s32 @!p0 s5, $0x0  }
0x1f: {  	s9 =	smul.u32 $0xF7A, s1;
	s8 =	simm.s32 @!p0 $0x1BF5;
	p2 =	por !p2, p0  }
0x20: {  	[sflag:s8] =	ssyncset.s32 @!p0 $0xFFFFF086;
	s6 =	sadd.s32 @!p0 s3, s7;
	s7 =	simm.s32 @!p0 $0x108  }
0x21: {  	s3 =	sadd.s32 s3, s9;
	s6 =	sadd.s32 @!p0 $0x88, s6;
	s7 =	simm.s32 @p2 $0x1082  }
0x22: {  	[simem:s7], [sflag:s8] =	dma.local @!p0 [hbm:s6], $0xF7A  }
0x23: {  	s9 =	sor.u32 $0xD0000000, s2;
	s6 =	simm.s32 $0x108;
	_ =	swait.ge @!p0 [sflag:s8], $0x0  }
0x24: {  	s3 =	sadd.s32 $0x88, s3;
	s6 =	simm.s32 @!p1 $0x1082;
	[sflag:s4] =	ssyncset.s32 $0xFFFFF086  }
0x25: {  	[simem:s6], [sflag:s4] =	dma.local [hbm:s3], $0xF7A  }
0x26: {  	[smem:$0x3F9D] =	sst s1;
	(tag) =	ssettag s2;
	_ =	strace s9  }
0x27: {  	s1 =	sld [smem:$0x3FAD]  }
0x28: {  	s2 =	sld [smem:$0x3FAE]  }
0x29: {  	s4 =	sld [smem:$0x3FB0]  }
0x2a: {  	p0 =	seq.s32 s5, $0x0;
	s5 =	sld [smem:$0x3FB1]  }
0x2b: {  	s6 =	sld [smem:$0x3FB2]  }
0x2c: {  	s7 =	sld [smem:$0x3FB3]  }
0x2d: {  	s3 =	simm.s32 $0x108;
	s8 =	sld [smem:$0x3FB4]  }
0x2e: {  	s3 =	simm.s32 @!p0 $0x1082;
	s9 =	sld [smem:$0x3FB5]  }
0x2f: {  	lr =	sadd.s32 s0, s3;
	s0 =	sld [smem:$0x3FAC]  }
0x30: {  	s3 =	sld [smem:$0x3FAF]  }
0x31: {  	[smem:$0x3FB8] =	sst s10  }
0x32: {  	s10 =	sld [smem:$0x3FB6];
	_ =	sdelay $0x3  }
0x33: {  	p0 =	seq.s32 s10, $0x1;
	s10 =	sld [smem:$0x3FB8];
	_ =	sdelay $0x3  }
0x34: {  	[smem:$0x3FB8] =	sst s10  }
0x35: {  	s10 =	sld [smem:$0x3FB7];
	_ =	sdelay $0x3  }
0x36: {  	p1 =	seq.s32 s10, $0x1;
	s10 =	sld [smem:$0x3FB8];
	_ =	sdelay $0x3  }
0x37: {  	[smem:$0x3FB8] =	sst s10  }
0x38: {  	s10 =	sld [smem:$0x3FB9]  }
0x39: {  	_ = 	snop;
	(pc) =	sbr.ind lr, $3  }
0x3a: {  	_ = 	snop  }
0x3b: {  	_ = 	snop  }
0x3c: {  	p2 =	seq.s32 s10, $0x1;
	s10 =	sld [smem:$0x3FB8]  }
0x3d: {  	_ =	shalt  }
0x3e: {  	_ =	shalt  }
0x3f: {  	_ =	shalt  }
0x40: {  	_ =	shalt  }
0x41: {  	_ =	shalt  }
0x42: {  	_ =	shalt  }
0x43: {  	_ =	shalt  }
0x44: {  	_ =	shalt  }
0x45: {  	_ =	shalt  }
0x46: {  	_ =	shalt  }
0x47: {  	_ =	shalt  }
0x48: {  	_ =	shalt  }
0x49: {  	_ =	shalt  }
0x4a: {  	_ =	shalt  }
0x4b: {  	_ =	shalt  }
0x4c: {  	_ =	shalt  }
0x4d: {  	_ =	shalt  }
0x4e: {  	_ =	shalt  }
0x4f: {  	_ =	shalt  }
0x50: {  	_ =	shalt  }
0x51: {  	_ =	shalt  }
0x52: {  	_ =	shalt  }
0x53: {  	_ =	shalt  }
0x54: {  	_ =	shalt  }
0x55: {  	_ =	shalt  }
0x56: {  	_ =	shalt  }
0x57: {  	_ =	shalt  }
0x58: {  	_ =	shalt  }
0x59: {  	_ =	shalt  }
0x5a: {  	_ =	shalt  }
0x5b: {  	_ =	shalt  }
0x5c: {  	_ =	shalt  }
0x5d: {  	_ =	shalt  }
0x5e: {  	_ =	shalt  }
0x5f: {  	_ =	shalt  }
0x60: {  	_ =	shalt  }
0x61: {  	_ =	shalt  }
0x62: {  	_ =	shalt  }
0x63: {  	_ =	shalt  }
0x64: {  	_ =	shalt  }
0x65: {  	_ =	shalt  }
0x66: {  	_ =	shalt  }
0x67: {  	_ =	shalt  }
0x68: {  	_ =	shalt  }
0x69: {  	_ =	shalt  }
0x6a: {  	_ =	shalt  }
0x6b: {  	_ =	shalt  }
0x6c: {  	_ =	shalt  }
0x6d: {  	_ =	shalt  }
0x6e: {  	_ =	shalt  }
0x6f: {  	_ =	shalt  }
0x70: {  	_ =	shalt  }
0x71: {  	_ =	shalt  }
0x72: {  	_ =	shalt  }
0x73: {  	_ =	shalt  }
0x74: {  	_ =	shalt  }
0x75: {  	_ =	shalt  }
0x76: {  	_ =	shalt  }
0x77: {  	_ =	shalt  }
0x78: {  	_ =	shalt  }
0x79: {  	_ =	shalt  }
0x7a: {  	_ =	shalt  }
0x7b: {  	_ =	shalt  }
0x7c: {  	_ =	shalt  }
0x7d: {  	_ =	shalt  }
0x7e: {  	_ =	shalt  }
0x7f: {  	_ =	shalt  }
0x80: {  	_ =	shalt  }
0x81: {  	_ =	shalt  }
0x82: {  	_ =	shalt  }
0x83: {  	_ =	shalt  }
0x84: {  	_ =	shalt  }
0x85: {  	_ =	shalt  }
0x86: {  	_ =	shalt  }
0x87: {  	_ =	shalt  }
.Lfunc_end0:
.L_simem_size_0:
called_computation_lowered:
.L_overlay_start_0:
0x88: {  	s2 =	sld [smem:$0x3FD9]  }
0x89: {  	s3 =	sld [smem:$0x3FFE];
	_ =	sdelay $0x1  }
0x8a: {  	s1 =	srdreg.scid  }
0x8b: {  	s0 =	sand.u32 $0x1, s1  }
0x8c: {  	s18 =	sshll.u32 s0, $0xA;
	s2 =	sadd.s32 s3, s2  }
0x8d: {  	s2 =	sadd.s32 s2, s18  }
0x8e: {  	[smem:$0x3FC4] =	sst s2  }
0x8f: {  	_ = 	snop  }
0x90: {  	s2 =	sld [smem:$0x3FC9]  }
0x91: {  	s19 =	sld [smem:$0x3FC8]  }
0x92: {  	s4 =	sld [smem:$0x3FC7]  }
0x93: {  	s5 =	sld [smem:$0x3FC6]  }
0x94: {  	s6 =	sld [smem:$0x3FD0];
	(tm) =	ssettm $0x1  }
0x95: {  	s7 =	sld [smem:$0x3FFB];
	_ =	sdelay $0x3  }
0x96: {  	_ =	strace s7  }
0x97: {  	s7 =	sld [smem:$0x3FFC];
	_ =	sdelay $0x3  }
0x98: {  	_ =	strace s7  }
0x99: {  	s7 =	sld [smem:$0x3FFD];
	_ =	sdelay $0x3  }
0x9a: {  	_ =	strace s7  }
0x9b: {  	_ =	strace $0x8FFFFFFF  }
0x9c: {  	s20 =	sld [smem:$0x3FDB];
	_ =	sdelay $0x1  }
0x9d: {  	s8 =	simm.s32 $_scs_section_size  }
0x9e: {  	s9 =	simm.s32 $_size__tile_overlayer_lowered;
	s10 =	simm.s32 $_tile_overlayer_lowered  }
0x9f: {  	s23 =	simm.s32 $0x1BFF;
	s22 =	sshll.u32 s10, $0x1;
	s7 =	sadd.s32 s8, s20  }
0xa0: {  	s11 =	simm.s32 $0x0;
	s21 =	sshll.u32 s9, $0x1;
	s9 =	sadd.s32 s22, s7  }
0xa1: {  	[timem:s11], [sflag:s23] =	dma.local [hbm:s9], s21  }
0xa2: {  	_ =	swait.ge [sflag:s23], s21  }
0xa3: {  	s8 =	ssub.s32 $0x0, s21;
	[sflag:s23] =	ssyncset.done $0x0  }
0xa4: {  	[sflag:s23] =	ssyncadd.s32 s8;
	_ =	sdelay $0x1  }
0xa5: {  	s24 =	simm.s32 $0x1B8B  }
0xa6: {  	_ =	swait.ge [sflag:s24], $0x1  }
0xa7: {  	[sflag:s24] =	ssyncset.done $0x0  }
0xa8: {  	s25 =	simm.s32 $0x1B8E;
	[sflag:s24] =	ssyncadd.s32 $0xFFFFFFFF  }
0xa9: {  	s26 =	simm.s32 $execute0_lowered;
	[smem:$0x3FD2] =	sst s25  }
0xaa: {  	s8 =	sshll.u32 s26, $0x1;
	_ =	strace $0x80000046;
	[dreg:$0x1] =	wrdreg $0xFFFFFFFF  }
0xab: {  	s28 =	simm.s32 $_size_execute0_lowered;
	s7 =	sadd.s32 s7, s8;
	[dreg:$0x0] =	wrdreg $0x0  }
0xac: {  	s8 =	sshll.u32 s28, $0x1;
	[dreg:$0x2] =	wrdreg s7  }
0xad: {  	[dreg:$0x3] =	wrdreg s8  }
0xae: {  	[dreg:$0x4] =	wrdreg $0xC0  }
0xaf: {  	_ =	task [dreg:s11], $0x5FFFF  }
0xb0: {  	[dreg:$0x1] =	wrdreg $0xFFFFFFFF  }
0xb1: {  	[dreg:$0x0] =	wrdreg $0x60  }
0xb2: {  	[dreg:$0x2] =	wrdreg s2  }
0xb3: {  	[dreg:$0x3] =	wrdreg s19  }
0xb4: {  	[dreg:$0x4] =	wrdreg s4  }
0xb5: {  	[dreg:$0x5] =	wrdreg s5  }
0xb6: {  	[dreg:$0x6] =	wrdreg s6  }
0xb7: {  	[dreg:$0x7] =	wrdreg $0x9  }
0xb8: {  	_ =	task.clear_ibuf [dreg:s11], $0x8FFFF;
	_ =	strace $0x90000046  }
0xb9: {  	s29 =	simm.s32 $0x9;
	_ =	strace $0x80000048  }
0xba: {  	_ =	swait.ge [sflag:s29], $0x1  }
0xbb: {  	[sflag:s29] =	ssyncadd.s32 $0xFFFFFFFF  }
0xbc: {  	_ =	strace $0x90000048  }
0xbd: {  	_ =	sfence  }
0xbe: {  	s30 =	sld [smem:$0x0];
	_ =	sdelay $0x2  }
0xbf: {  	s31 =	sshll.u32 s1, $0xD;
	s1 =	sshrl.u32 s1, $0x2  }
0xc0: {  	s3 =	sand.u32 $0x4000, s31;
	s1 =	sadd.s32 s1, s30  }
0xc1: {  	s0 =	sor.u32 s3, s0;
	s1 =	sshll.u32 s1, $0x11  }
0xc2: {  	s0 =	sor.u32 s1, s0  }
0xc3: {  	s0 =	sadd.s32 $0x8F2B, s0  }
0xc4: {  	[sflag:s0] =	ssyncadd.remote.s32 $0x1  }
0xc5: {  	_ =	sfence.sel $0xFFFF  }
0xc6: {  	[dreg:$0x0] =	wrdreg $0xFFFFFFFF;
	(pc) =	sbr.abs _section_cstart, $3  }
0xc7: {  	[dreg:$0x1] =	wrdreg $0xFFFFFFFF  }
0xc8: {  	_ =	task.clear_ibuf [dreg:s11], $0x2FFFF;
	_ =	strace $0x9FFFFFFF  }
0xc9: {  	(tm) =	ssettm $0x7FFFFFFF  }
tec
execute0_lowered:
.L_overlay_start_1:
0x0: {  	(tag) =	ssettag $0x1  }
0x1: {  	s0 =	rddreg [dreg:$0x0]  }
0x2: {  	s2 =	rddreg [dreg:$0x1]  }
0x3: {  	s1 =	rddreg [dreg:$0x2]  }
0x4: {  	s3 =	rddreg [dreg:$0x3]  }
0x5: {  	s5 =	rddreg [dreg:$0x4]  }
0x6: {  	s4 =	srdreg.scid;
	s7 =	stileid.u32;
	s14 =	simm.s32 $0xA  }
0x7: {  	s15 =	simm.s32 $0x80;
	s16 =	simm.s32 $0x200;
	s17 =	simm.s32 $0x280  }
0x8: {  	s19 =	simm.s32 $0x300;
	s21 =	simm.s32 $0x380;
	s22 =	simm.s32 $0x1  }
0x9: {  	s23 =	simm.s32 $0x400;
	s24 =	simm.s32 $0x2;
	s29 =	simm.s32 $0x8  }
0xa: {  	s30 =	simm.s32 $0x5;
	s31 =	simm.s32 $0x4;
	s18 =	simm.s32 $0x7  }
0xb: {  	s20 =	simm.s32 $0x0;
	s6 =	sand.u32 $0x1, s4;
	s4 =	simm.s32 $0x0  }
0xc: {  	s7 =	sshll.u32 s7, $0xA;
	s8 =	sshll.u32 s6, $0x9;
	s6 =	ssub.s32 $0x2, s6  }
0xd: {  	[smem:$0x7FF] =	sst s4;
	s7 =	sor.u32 s8, s7;
	s26 =	sshrl.u32 s6, $0x1  }
0xe: {  	_ =	strace $0x80000047;
	s9 =	sshll.u32 s7, $0x4;
	s12 =	ssub.s32 s6, s26  }
0xf: {  	s28 =	sshrl.u32 s7, $0x3;
	s26 =	simm.s32 $0x3;
	s5 =	sadd.s32 s5, s9  }
0x10: {  	s6 =	sadd.s32 s2, s28;
	s7 =	sadd.s32 s0, s9;
	s12 =	smax.u32 s12, $0x1  }
0x11: {  	s0 =	simm.s32 $0x6;
	s2 =	simm.s32 $0x9;
	s8 =	sadd.s32 $0x800, s5  }
0x12: {  	s9 =	sadd.s32 $0x1000, s5;
	s10 =	sadd.s32 $0x1800, s5;
	s11 =	sadd.s32 $0x1C00, s5  }
.LBB2_1:
0x13: {  	[tilespmem:s4], [sflag:$0xA] =	stream.linear.gather [hbm4b:s6+s4], $0x200, $0x38;
	[tilespmem:$0x1C400] =	vst v63  }
0x14: {  	s13 =	simm.s32 $0xC400  }
0x15: {  	[tilespmem:s13], [sflag:$0x8] =	stream.linear.gather [hbm4b:s7+s4], $0x10000, $0x38;
	[tilespmem:$0x1C400] =	vst v63  }
0x16: {  	_ =	swait.ge [sflag:s14], $0x200  }
0x17: {  	[sflag:s14] =	ssyncset.done $0x0  }
0x18: {  	[sflag:s14] =	ssyncadd.s32 $0xFFFFFE00  }
0x19: {  	[tilespmem:s16], [sflag:$0x1] =	stream.indirect.gather [hbm4b:s1+s15], $0x1, s4, s15, $0xb8;
	[tilespmem:$0x1C400] =	vst v63  }
0x1a: {  	_ = 	snop  }
0x1b: {  	[tilespmem:s17], [sflag:$0x2] =	stream.indirect.gather [hbm4b:s1+s15], $0x1, s15, s15, $0xb8;
	[tilespmem:$0x1C400] =	vst v63  }
0x1c: {  	s25 =	simm.s32 $0x100  }
0x1d: {  	[tilespmem:s19], [sflag:$0x3] =	stream.indirect.gather [hbm4b:s1+s15], $0x1, s25, s15, $0xb8;
	[tilespmem:$0x1C400] =	vst v63  }
0x1e: {  	s25 =	simm.s32 $0x180  }
0x1f: {  	[tilespmem:s21], [sflag:$0x4] =	stream.indirect.gather [hbm4b:s1+s15], $0x1, s25, s15, $0xb8;
	[tilespmem:$0x1C400] =	vst v63  }
0x20: {  	_ =	swait.ge [sflag:s22], $0x80  }
0x21: {  	[sflag:s22] =	ssyncset.done $0x0  }
0x22: {  	[sflag:s22] =	ssyncadd.s32 $0xFFFFFF80  }
0x23: {  	[tilespmem:s23], [sflag:$0x5] =	stream.indirect.gather [hbm4b:s3+s15], $0x80, s16, s15, $0xb8;
	[tilespmem:$0x1C400] =	vst v63  }
0x24: {  	_ =	swait.ge [sflag:s24], $0x80  }
0x25: {  	[sflag:s24] =	ssyncset.done $0x0  }
0x26: {  	s25 =	simm.s32 $0x4400;
	[sflag:s24] =	ssyncadd.s32 $0xFFFFFF80  }
0x27: {  	[tilespmem:s25], [sflag:$0x6] =	stream.indirect.gather [hbm4b:s3+s15], $0x80, s17, s15, $0xb8;
	[tilespmem:$0x1C400] =	vst v63  }
0x28: {  	_ =	swait.ge [sflag:s26], $0x80  }
0x29: {  	[sflag:s26] =	ssyncset.done $0x0  }
0x2a: {  	s25 =	simm.s32 $0x8400;
	[sflag:s26] =	ssyncadd.s32 $0xFFFFFF80  }
0x2b: {  	[tilespmem:s25], [sflag:$0x7] =	stream.indirect.gather [hbm4b:s3+s15], $0x80, s19, s15, $0xb8;
	[tilespmem:$0x1C400] =	vst v63  }
0x2c: {  	_ =	swait.ge [sflag:s29], $0x10000  }
0x2d: {  	[sflag:s29] =	ssyncset.done $0x0  }
0x2e: {  	[sflag:s29] =	ssyncadd.s32 $0xFFFF0000  }
0x2f: {  	_ =	swait.ge [sflag:s30], $0x4000  }
0x30: {  	[sflag:s30] =	ssyncset.done $0x0  }
0x31: {  	s25 =	simm.s32 $0x0;
	[sflag:s30] =	ssyncadd.s32 $0xFFFFC000  }
0x32: {  	v6 =	vld [tilespmem:s25+$0x400]  }
0x33: {  	v7 =	vld [tilespmem:s25+$0x410]  }
0x34: {  	v8 =	vld [tilespmem:s25+$0x420]  }
0x35: {  	v9 =	vld [tilespmem:s25+$0x430]  }
0x36: {  	v10 =	vld [tilespmem:s25+$0x440]  }
0x37: {  	v11 =	vld [tilespmem:s25+$0x450]  }
0x38: {  	v12 =	vld [tilespmem:s25+$0x460]  }
0x39: {  	v13 =	vld [tilespmem:s25+$0x470]  }
0x3a: {  	v14 =	vld [tilespmem:s25+$0x480]  }
0x3b: {  	v15 =	vld [tilespmem:s25+$0x490]  }
0x3c: {  	v5 =	vld [tilespmem:s25+$0x4A0]  }
0x3d: {  	v4 =	vld [tilespmem:s25+$0x4B0]  }
0x3e: {  	v3 =	vld [tilespmem:s25+$0x4C0]  }
0x3f: {  	v2 =	vld [tilespmem:s25+$0x4D0]  }
0x40: {  	v1 =	vld [tilespmem:s25+$0x4E0]  }
0x41: {  	v0 =	vld [tilespmem:s25+$0x4F0]  }
0x42: {  	v16 =	vld [tilespmem:s25+$0xC400]  }
0x43: {  	v17 =	vld [tilespmem:s25+$0xC410]  }
0x44: {  	v18 =	vld [tilespmem:s25+$0xC420]  }
0x45: {  	v19 =	vld [tilespmem:s25+$0xC430]  }
0x46: {  	v20 =	vld [tilespmem:s25+$0xC440]  }
0x47: {  	v60 =	vld [tilespmem:s25+$0xC450];
	v6 =	vadd.f32 v6, v16  }
0x48: {  	v21 =	vld [tilespmem:s25+$0xC460];
	v7 =	vadd.f32 v7, v17  }
0x49: {  	v61 =	vld [tilespmem:s25+$0xC470];
	[tilespmem:s25+$0xC400] =	vst v6;
	v6 =	vadd.f32 v8, v18  }
0x4a: {  	v62 =	vld [tilespmem:s25+$0xC480];
	[tilespmem:s25+$0xC410] =	vst v7;
	v7 =	vadd.f32 v9, v19  }
0x4b: {  	v63 =	vld [tilespmem:s25+$0xC490];
	[tilespmem:s25+$0xC420] =	vst v6;
	v6 =	vadd.f32 v10, v20  }
0x4c: {  	v8 =	vadd.f32 v11, v60;
	[tilespmem:s25+$0xC430] =	vst v7;
	v7 =	vld [tilespmem:s25+$0xC4A0]  }
0x4d: {  	v9 =	vadd.f32 v12, v21;
	[tilespmem:s25+$0xC440] =	vst v6;
	v6 =	vld [tilespmem:s25+$0xC4B0]  }
0x4e: {  	[tilespmem:s25+$0xC450] =	vst v8;
	v8 =	vld [tilespmem:s25+$0xC4C0];
	v10 =	vadd.f32 v13, v61  }
0x4f: {  	v12 =	vadd.f32 v14, v62;
	[tilespmem:s25+$0xC460] =	vst v9;
	v9 =	vld [tilespmem:s25+$0xC4D0]  }
0x50: {  	s28 =	simm.s32 $0x400;
	v11 =	vadd.f32 v15, v63;
	[tilespmem:s25+$0xC470] =	vst v10;
	v10 =	vld [tilespmem:s25+$0xC4E0]  }
.LBB2_2:
0x51: {  	s13 =	sshra.s32 s28, $0x2;
	p0 =	sne.s32 s28, $0xFC00;
	[tilespmem:s25+$0xC480] =	vst v12;
	v5 =	vadd.f32 v5, v7;
	v7 =	vld [tilespmem:s25+$0xC4F0]  }
0x52: {  	v12 =	vld [tilespmem:s13+$0x400];
	[tilespmem:s25+$0xC490] =	vst v11;
	v4 =	vadd.f32 v4, v6  }
0x53: {  	v6 =	vld [tilespmem:s13+$0x410];
	[tilespmem:s25+$0xC4A0] =	vst v5;
	v3 =	vadd.f32 v3, v8  }
0x54: {  	v8 =	vld [tilespmem:s13+$0x420];
	[tilespmem:s25+$0xC4B0] =	vst v4;
	v2 =	vadd.f32 v2, v9  }
0x55: {  	v9 =	vld [tilespmem:s13+$0x430];
	[tilespmem:s25+$0xC4C0] =	vst v3;
	v1 =	vadd.f32 v1, v10  }
0x56: {  	v10 =	vld [tilespmem:s13+$0x440];
	[tilespmem:s25+$0xC4D0] =	vst v2;
	v0 =	vadd.f32 v0, v7  }
0x57: {  	v7 =	vld [tilespmem:s13+$0x450];
	[tilespmem:s25+$0xC4E0] =	vst v1  }
0x58: {  	v11 =	vld [tilespmem:s13+$0x460];
	[tilespmem:s25+$0xC4F0] =	vst v0;
	s25 =	smov.u32 s13  }
0x59: {  	v13 =	vld [tilespmem:s25+$0x470]  }
0x5a: {  	v14 =	vld [tilespmem:s25+$0x480]  }
0x5b: {  	v15 =	vld [tilespmem:s25+$0x490]  }
0x5c: {  	v5 =	vld [tilespmem:s25+$0x4A0]  }
0x5d: {  	v4 =	vld [tilespmem:s25+$0x4B0]  }
0x5e: {  	v3 =	vld [tilespmem:s25+$0x4C0]  }
0x5f: {  	v2 =	vld [tilespmem:s25+$0x4D0]  }
0x60: {  	v1 =	vld [tilespmem:s25+$0x4E0]  }
0x61: {  	v0 =	vld [tilespmem:s25+$0x4F0]  }
0x62: {  	v16 =	vld [tilespmem:s25+$0xC400]  }
0x63: {  	v17 =	vld [tilespmem:s25+$0xC410]  }
0x64: {  	v18 =	vld [tilespmem:s25+$0xC420]  }
0x65: {  	v19 =	vld [tilespmem:s25+$0xC430]  }
0x66: {  	v20 =	vld [tilespmem:s25+$0xC440]  }
0x67: {  	v12 =	vadd.f32 v12, v16;
	v16 =	vld [tilespmem:s25+$0xC450]  }
0x68: {  	v6 =	vadd.f32 v6, v17;
	v17 =	vld [tilespmem:s25+$0xC460]  }
0x69: {  	[tilespmem:s25+$0xC400] =	vst v12;
	v8 =	vadd.f32 v8, v18;
	v12 =	vld [tilespmem:s25+$0xC470]  }
0x6a: {  	[tilespmem:s25+$0xC410] =	vst v6;
	v6 =	vadd.f32 v9, v19;
	v9 =	vld [tilespmem:s25+$0xC480]  }
0x6b: {  	[tilespmem:s25+$0xC420] =	vst v8;
	v8 =	vadd.f32 v10, v20;
	v10 =	vld [tilespmem:s25+$0xC490]  }
.Ltmp0:
0x6c: {  	[tilespmem:s25+$0xC430] =	vst v6;
	v16 =	vadd.f32 v7, v16;
	v7 =	vld [tilespmem:s25+$0xC4A0];
	(pc) =	sbr.rel @p0 .LBB2_2-.Ltmp0, $4  }
0x6d: {  	[tilespmem:s25+$0xC440] =	vst v8;
	v11 =	vadd.f32 v11, v17;
	v6 =	vld [tilespmem:s25+$0xC4B0]  }
0x6e: {  	[tilespmem:s25+$0xC450] =	vst v16;
	v13 =	vadd.f32 v13, v12;
	v8 =	vld [tilespmem:s25+$0xC4C0]  }
0x6f: {  	[tilespmem:s25+$0xC460] =	vst v11;
	v12 =	vadd.f32 v14, v9;
	v9 =	vld [tilespmem:s25+$0xC4D0]  }
0x70: {  	s28 =	sadd.s32 $0x400, s28;
	[tilespmem:s25+$0xC470] =	vst v13;
	v11 =	vadd.f32 v15, v10;
	v10 =	vld [tilespmem:s25+$0xC4E0]  }
0x71: {  	[tilespmem:s25+$0xC480] =	vst v12;
	v5 =	vadd.f32 v5, v7;
	v7 =	vld [tilespmem:s25+$0xC4F0]  }
0x72: {  	[tilespmem:s25+$0xC490] =	vst v11;
	v4 =	vadd.f32 v4, v6  }
0x73: {  	[tilespmem:s25+$0xC4A0] =	vst v5;
	v3 =	vadd.f32 v3, v8  }
0x74: {  	[tilespmem:s25+$0xC4B0] =	vst v4;
	v2 =	vadd.f32 v2, v9  }
0x75: {  	[tilespmem:s25+$0xC4C0] =	vst v3;
	v1 =	vadd.f32 v1, v10  }
0x76: {  	[tilespmem:s25+$0xC4D0] =	vst v2;
	v0 =	vadd.f32 v0, v7  }
0x77: {  	[tilespmem:s25+$0xC4E0] =	vst v1  }
0x78: {  	[tilespmem:s25+$0xC4F0] =	vst v0  }
0x79: {  	_ =	swait.ge [sflag:s31], $0x80  }
0x7a: {  	[sflag:s31] =	ssyncset.done $0x0  }
0x7b: {  	[sflag:s31] =	ssyncadd.s32 $0xFFFFFF80  }
0x7c: {  	[tilespmem:s23], [sflag:$0x5] =	stream.indirect.gather [hbm4b:s3+s15], $0x80, s21, s15, $0xb8;
	[tilespmem:$0x1C400] =	vst v63  }
0x7d: {  	s13 =	simm.s32 $0x0;
	s25 =	simm.s32 $0xC400  }
0x7e: {  	[hbm4b:s5+s13] =	stream.linear.scatter [tilespmem:s25], [sflag:$0x9], $0x4000, $0x38;
	[tilespmem:$0x1C400] =	vst v63  }
0x7f: {  	_ =	swait.ge [sflag:s0], $0x4000  }
0x80: {  	[sflag:s0] =	ssyncset.done $0x0  }
0x81: {  	s25 =	simm.s32 $0x0;
	[sflag:s0] =	ssyncadd.s32 $0xFFFFC000  }
0x82: {  	v6 =	vld [tilespmem:s25+$0x4400]  }
0x83: {  	v7 =	vld [tilespmem:s25+$0x4410]  }
0x84: {  	v8 =	vld [tilespmem:s25+$0x4420]  }
0x85: {  	v9 =	vld [tilespmem:s25+$0x4430]  }
0x86: {  	v10 =	vld [tilespmem:s25+$0x4440]  }
0x87: {  	v11 =	vld [tilespmem:s25+$0x4450]  }
0x88: {  	v12 =	vld [tilespmem:s25+$0x4460]  }
0x89: {  	v13 =	vld [tilespmem:s25+$0x4470]  }
0x8a: {  	v14 =	vld [tilespmem:s25+$0x4480]  }
0x8b: {  	v15 =	vld [tilespmem:s25+$0x4490]  }
0x8c: {  	v5 =	vld [tilespmem:s25+$0x44A0]  }
0x8d: {  	v4 =	vld [tilespmem:s25+$0x44B0]  }
0x8e: {  	v3 =	vld [tilespmem:s25+$0x44C0]  }
0x8f: {  	v2 =	vld [tilespmem:s25+$0x44D0]  }
0x90: {  	v1 =	vld [tilespmem:s25+$0x44E0]  }
0x91: {  	v0 =	vld [tilespmem:s25+$0x44F0]  }
0x92: {  	v16 =	vld [tilespmem:s25+$0x10400]  }
0x93: {  	v17 =	vld [tilespmem:s25+$0x10410]  }
0x94: {  	v18 =	vld [tilespmem:s25+$0x10420]  }
0x95: {  	v19 =	vld [tilespmem:s25+$0x10430]  }
0x96: {  	v20 =	vld [tilespmem:s25+$0x10440]  }
0x97: {  	v60 =	vld [tilespmem:s25+$0x10450];
	v6 =	vadd.f32 v6, v16  }
0x98: {  	v21 =	vld [tilespmem:s25+$0x10460];
	v7 =	vadd.f32 v7, v17  }
0x99: {  	v61 =	vld [tilespmem:s25+$0x10470];
	[tilespmem:s25+$0x10400] =	vst v6;
	v6 =	vadd.f32 v8, v18  }
0x9a: {  	v62 =	vld [tilespmem:s25+$0x10480];
	[tilespmem:s25+$0x10410] =	vst v7;
	v7 =	vadd.f32 v9, v19  }
0x9b: {  	v63 =	vld [tilespmem:s25+$0x10490];
	[tilespmem:s25+$0x10420] =	vst v6;
	v6 =	vadd.f32 v10, v20  }
0x9c: {  	v8 =	vadd.f32 v11, v60;
	[tilespmem:s25+$0x10430] =	vst v7;
	v7 =	vld [tilespmem:s25+$0x104A0]  }
0x9d: {  	v9 =	vadd.f32 v12, v21;
	[tilespmem:s25+$0x10440] =	vst v6;
	v6 =	vld [tilespmem:s25+$0x104B0]  }
0x9e: {  	[tilespmem:s25+$0x10450] =	vst v8;
	v8 =	vld [tilespmem:s25+$0x104C0];
	v10 =	vadd.f32 v13, v61  }
0x9f: {  	v12 =	vadd.f32 v14, v62;
	[tilespmem:s25+$0x10460] =	vst v9;
	v9 =	vld [tilespmem:s25+$0x104D0]  }
0xa0: {  	s28 =	simm.s32 $0x400;
	v11 =	vadd.f32 v15, v63;
	[tilespmem:s25+$0x10470] =	vst v10;
	v10 =	vld [tilespmem:s25+$0x104E0]  }
.LBB2_4:
0xa1: {  	s13 =	sshra.s32 s28, $0x2;
	p0 =	sne.s32 s28, $0xFC00;
	[tilespmem:s25+$0x10480] =	vst v12;
	v5 =	vadd.f32 v5, v7;
	v7 =	vld [tilespmem:s25+$0x104F0]  }
0xa2: {  	v12 =	vld [tilespmem:s13+$0x4400];
	[tilespmem:s25+$0x10490] =	vst v11;
	v4 =	vadd.f32 v4, v6  }
0xa3: {  	v6 =	vld [tilespmem:s13+$0x4410];
	[tilespmem:s25+$0x104A0] =	vst v5;
	v3 =	vadd.f32 v3, v8  }
0xa4: {  	v8 =	vld [tilespmem:s13+$0x4420];
	[tilespmem:s25+$0x104B0] =	vst v4;
	v2 =	vadd.f32 v2, v9  }
0xa5: {  	v9 =	vld [tilespmem:s13+$0x4430];
	[tilespmem:s25+$0x104C0] =	vst v3;
	v1 =	vadd.f32 v1, v10  }
0xa6: {  	v10 =	vld [tilespmem:s13+$0x4440];
	[tilespmem:s25+$0x104D0] =	vst v2;
	v0 =	vadd.f32 v0, v7  }
0xa7: {  	v7 =	vld [tilespmem:s13+$0x4450];
	[tilespmem:s25+$0x104E0] =	vst v1  }
0xa8: {  	v11 =	vld [tilespmem:s13+$0x4460];
	[tilespmem:s25+$0x104F0] =	vst v0;
	s25 =	smov.u32 s13  }
0xa9: {  	v13 =	vld [tilespmem:s25+$0x4470]  }
0xaa: {  	v14 =	vld [tilespmem:s25+$0x4480]  }
0xab: {  	v15 =	vld [tilespmem:s25+$0x4490]  }
0xac: {  	v5 =	vld [tilespmem:s25+$0x44A0]  }
0xad: {  	v4 =	vld [tilespmem:s25+$0x44B0]  }
0xae: {  	v3 =	vld [tilespmem:s25+$0x44C0]  }
0xaf: {  	v2 =	vld [tilespmem:s25+$0x44D0]  }
0xb0: {  	v1 =	vld [tilespmem:s25+$0x44E0]  }
0xb1: {  	v0 =	vld [tilespmem:s25+$0x44F0]  }
0xb2: {  	v16 =	vld [tilespmem:s25+$0x10400]  }
0xb3: {  	v17 =	vld [tilespmem:s25+$0x10410]  }
0xb4: {  	v18 =	vld [tilespmem:s25+$0x10420]  }
0xb5: {  	v19 =	vld [tilespmem:s25+$0x10430]  }
0xb6: {  	v20 =	vld [tilespmem:s25+$0x10440]  }
0xb7: {  	v12 =	vadd.f32 v12, v16;
	v16 =	vld [tilespmem:s25+$0x10450]  }
0xb8: {  	v6 =	vadd.f32 v6, v17;
	v17 =	vld [tilespmem:s25+$0x10460]  }
0xb9: {  	[tilespmem:s25+$0x10400] =	vst v12;
	v8 =	vadd.f32 v8, v18;
	v12 =	vld [tilespmem:s25+$0x10470]  }
0xba: {  	[tilespmem:s25+$0x10410] =	vst v6;
	v6 =	vadd.f32 v9, v19;
	v9 =	vld [tilespmem:s25+$0x10480]  }
0xbb: {  	[tilespmem:s25+$0x10420] =	vst v8;
	v8 =	vadd.f32 v10, v20;
	v10 =	vld [tilespmem:s25+$0x10490]  }
.Ltmp1:
0xbc: {  	[tilespmem:s25+$0x10430] =	vst v6;
	v16 =	vadd.f32 v7, v16;
	v7 =	vld [tilespmem:s25+$0x104A0];
	(pc) =	sbr.rel @p0 .LBB2_4-.Ltmp1, $4  }
0xbd: {  	[tilespmem:s25+$0x10440] =	vst v8;
	v11 =	vadd.f32 v11, v17;
	v6 =	vld [tilespmem:s25+$0x104B0]  }
0xbe: {  	[tilespmem:s25+$0x10450] =	vst v16;
	v13 =	vadd.f32 v13, v12;
	v8 =	vld [tilespmem:s25+$0x104C0]  }
0xbf: {  	[tilespmem:s25+$0x10460] =	vst v11;
	v12 =	vadd.f32 v14, v9;
	v9 =	vld [tilespmem:s25+$0x104D0]  }
0xc0: {  	s28 =	sadd.s32 $0x400, s28;
	[tilespmem:s25+$0x10470] =	vst v13;
	v11 =	vadd.f32 v15, v10;
	v10 =	vld [tilespmem:s25+$0x104E0]  }
0xc1: {  	[tilespmem:s25+$0x10480] =	vst v12;
	v5 =	vadd.f32 v5, v7;
	v7 =	vld [tilespmem:s25+$0x104F0]  }
0xc2: {  	[tilespmem:s25+$0x10490] =	vst v11;
	v4 =	vadd.f32 v4, v6  }
0xc3: {  	[tilespmem:s25+$0x104A0] =	vst v5;
	v3 =	vadd.f32 v3, v8  }
0xc4: {  	[tilespmem:s25+$0x104B0] =	vst v4;
	v2 =	vadd.f32 v2, v9  }
0xc5: {  	[tilespmem:s25+$0x104C0] =	vst v3;
	v1 =	vadd.f32 v1, v10  }
0xc6: {  	[tilespmem:s25+$0x104D0] =	vst v2;
	v0 =	vadd.f32 v0, v7  }
0xc7: {  	[tilespmem:s25+$0x104E0] =	vst v1  }
0xc8: {  	s13 =	simm.s32 $0x0;
	[tilespmem:s25+$0x104F0] =	vst v0;
	s25 =	simm.s32 $0x10400  }
0xc9: {  	[hbm4b:s8+s13] =	stream.linear.scatter [tilespmem:s25], [sflag:$0x9], $0x4000, $0x38;
	[tilespmem:$0x1C400] =	vst v63  }
0xca: {  	_ =	swait.ge [sflag:s18], $0x4000  }
0xcb: {  	[sflag:s18] =	ssyncset.done $0x0  }
0xcc: {  	s25 =	simm.s32 $0x0;
	[sflag:s18] =	ssyncadd.s32 $0xFFFFC000  }
0xcd: {  	v6 =	vld [tilespmem:s25+$0x8400]  }
0xce: {  	v7 =	vld [tilespmem:s25+$0x8410]  }
0xcf: {  	v8 =	vld [tilespmem:s25+$0x8420]  }
0xd0: {  	v9 =	vld [tilespmem:s25+$0x8430]  }
0xd1: {  	v10 =	vld [tilespmem:s25+$0x8440]  }
0xd2: {  	v11 =	vld [tilespmem:s25+$0x8450]  }
0xd3: {  	v12 =	vld [tilespmem:s25+$0x8460]  }
0xd4: {  	v13 =	vld [tilespmem:s25+$0x8470]  }
0xd5: {  	v14 =	vld [tilespmem:s25+$0x8480]  }
0xd6: {  	v15 =	vld [tilespmem:s25+$0x8490]  }
0xd7: {  	v5 =	vld [tilespmem:s25+$0x84A0]  }
0xd8: {  	v4 =	vld [tilespmem:s25+$0x84B0]  }
0xd9: {  	v3 =	vld [tilespmem:s25+$0x84C0]  }
0xda: {  	v2 =	vld [tilespmem:s25+$0x84D0]  }
0xdb: {  	v1 =	vld [tilespmem:s25+$0x84E0]  }
0xdc: {  	v0 =	vld [tilespmem:s25+$0x84F0]  }
0xdd: {  	v16 =	vld [tilespmem:s25+$0x14400]  }
0xde: {  	v17 =	vld [tilespmem:s25+$0x14410]  }
0xdf: {  	v18 =	vld [tilespmem:s25+$0x14420]  }
0xe0: {  	v19 =	vld [tilespmem:s25+$0x14430]  }
0xe1: {  	v20 =	vld [tilespmem:s25+$0x14440]  }
0xe2: {  	v60 =	vld [tilespmem:s25+$0x14450];
	v6 =	vadd.f32 v6, v16  }
0xe3: {  	v21 =	vld [tilespmem:s25+$0x14460];
	v7 =	vadd.f32 v7, v17  }
0xe4: {  	v61 =	vld [tilespmem:s25+$0x14470];
	[tilespmem:s25+$0x14400] =	vst v6;
	v6 =	vadd.f32 v8, v18  }
0xe5: {  	v62 =	vld [tilespmem:s25+$0x14480];
	[tilespmem:s25+$0x14410] =	vst v7;
	v7 =	vadd.f32 v9, v19  }
0xe6: {  	v63 =	vld [tilespmem:s25+$0x14490];
	[tilespmem:s25+$0x14420] =	vst v6;
	v6 =	vadd.f32 v10, v20  }
0xe7: {  	v8 =	vadd.f32 v11, v60;
	[tilespmem:s25+$0x14430] =	vst v7;
	v7 =	vld [tilespmem:s25+$0x144A0]  }
0xe8: {  	v9 =	vadd.f32 v12, v21;
	[tilespmem:s25+$0x14440] =	vst v6;
	v6 =	vld [tilespmem:s25+$0x144B0]  }
0xe9: {  	[tilespmem:s25+$0x14450] =	vst v8;
	v8 =	vld [tilespmem:s25+$0x144C0];
	v10 =	vadd.f32 v13, v61  }
0xea: {  	v12 =	vadd.f32 v14, v62;
	[tilespmem:s25+$0x14460] =	vst v9;
	v9 =	vld [tilespmem:s25+$0x144D0]  }
0xeb: {  	s28 =	simm.s32 $0x400;
	v11 =	vadd.f32 v15, v63;
	[tilespmem:s25+$0x14470] =	vst v10;
	v10 =	vld [tilespmem:s25+$0x144E0]  }
.LBB2_6:
0xec: {  	s13 =	sshra.s32 s28, $0x2;
	p0 =	sne.s32 s28, $0xFC00;
	[tilespmem:s25+$0x14480] =	vst v12;
	v5 =	vadd.f32 v5, v7;
	v7 =	vld [tilespmem:s25+$0x144F0]  }
0xed: {  	v12 =	vld [tilespmem:s13+$0x8400];
	[tilespmem:s25+$0x14490] =	vst v11;
	v4 =	vadd.f32 v4, v6  }
0xee: {  	v6 =	vld [tilespmem:s13+$0x8410];
	[tilespmem:s25+$0x144A0] =	vst v5;
	v3 =	vadd.f32 v3, v8  }
0xef: {  	v8 =	vld [tilespmem:s13+$0x8420];
	[tilespmem:s25+$0x144B0] =	vst v4;
	v2 =	vadd.f32 v2, v9  }
0xf0: {  	v9 =	vld [tilespmem:s13+$0x8430];
	[tilespmem:s25+$0x144C0] =	vst v3;
	v1 =	vadd.f32 v1, v10  }
0xf1: {  	v10 =	vld [tilespmem:s13+$0x8440];
	[tilespmem:s25+$0x144D0] =	vst v2;
	v0 =	vadd.f32 v0, v7  }
0xf2: {  	v7 =	vld [tilespmem:s13+$0x8450];
	[tilespmem:s25+$0x144E0] =	vst v1  }
0xf3: {  	v11 =	vld [tilespmem:s13+$0x8460];
	[tilespmem:s25+$0x144F0] =	vst v0;
	s25 =	smov.u32 s13  }
0xf4: {  	v13 =	vld [tilespmem:s25+$0x8470]  }
0xf5: {  	v14 =	vld [tilespmem:s25+$0x8480]  }
0xf6: {  	v15 =	vld [tilespmem:s25+$0x8490]  }
0xf7: {  	v5 =	vld [tilespmem:s25+$0x84A0]  }
0xf8: {  	v4 =	vld [tilespmem:s25+$0x84B0]  }
0xf9: {  	v3 =	vld [tilespmem:s25+$0x84C0]  }
0xfa: {  	v2 =	vld [tilespmem:s25+$0x84D0]  }
0xfb: {  	v1 =	vld [tilespmem:s25+$0x84E0]  }
0xfc: {  	v0 =	vld [tilespmem:s25+$0x84F0]  }
0xfd: {  	v16 =	vld [tilespmem:s25+$0x14400]  }
0xfe: {  	v17 =	vld [tilespmem:s25+$0x14410]  }
0xff: {  	v18 =	vld [tilespmem:s25+$0x14420]  }
0x100: {  	v19 =	vld [tilespmem:s25+$0x14430]  }
0x101: {  	v20 =	vld [tilespmem:s25+$0x14440]  }
0x102: {  	v12 =	vadd.f32 v12, v16;
	v16 =	vld [tilespmem:s25+$0x14450]  }
0x103: {  	v6 =	vadd.f32 v6, v17;
	v17 =	vld [tilespmem:s25+$0x14460]  }
0x104: {  	[tilespmem:s25+$0x14400] =	vst v12;
	v8 =	vadd.f32 v8, v18;
	v12 =	vld [tilespmem:s25+$0x14470]  }
0x105: {  	[tilespmem:s25+$0x14410] =	vst v6;
	v6 =	vadd.f32 v9, v19;
	v9 =	vld [tilespmem:s25+$0x14480]  }
0x106: {  	[tilespmem:s25+$0x14420] =	vst v8;
	v8 =	vadd.f32 v10, v20;
	v10 =	vld [tilespmem:s25+$0x14490]  }
.Ltmp2:
0x107: {  	[tilespmem:s25+$0x14430] =	vst v6;
	v16 =	vadd.f32 v7, v16;
	v7 =	vld [tilespmem:s25+$0x144A0];
	(pc) =	sbr.rel @p0 .LBB2_6-.Ltmp2, $4  }
0x108: {  	[tilespmem:s25+$0x14440] =	vst v8;
	v11 =	vadd.f32 v11, v17;
	v6 =	vld [tilespmem:s25+$0x144B0]  }
0x109: {  	[tilespmem:s25+$0x14450] =	vst v16;
	v13 =	vadd.f32 v13, v12;
	v8 =	vld [tilespmem:s25+$0x144C0]  }
0x10a: {  	[tilespmem:s25+$0x14460] =	vst v11;
	v12 =	vadd.f32 v14, v9;
	v9 =	vld [tilespmem:s25+$0x144D0]  }
0x10b: {  	s28 =	sadd.s32 $0x400, s28;
	[tilespmem:s25+$0x14470] =	vst v13;
	v11 =	vadd.f32 v15, v10;
	v10 =	vld [tilespmem:s25+$0x144E0]  }
0x10c: {  	[tilespmem:s25+$0x14480] =	vst v12;
	v5 =	vadd.f32 v5, v7;
	v7 =	vld [tilespmem:s25+$0x144F0]  }
0x10d: {  	[tilespmem:s25+$0x14490] =	vst v11;
	v4 =	vadd.f32 v4, v6  }
0x10e: {  	[tilespmem:s25+$0x144A0] =	vst v5;
	v3 =	vadd.f32 v3, v8  }
0x10f: {  	[tilespmem:s25+$0x144B0] =	vst v4;
	v2 =	vadd.f32 v2, v9  }
0x110: {  	[tilespmem:s25+$0x144C0] =	vst v3;
	v1 =	vadd.f32 v1, v10  }
0x111: {  	[tilespmem:s25+$0x144D0] =	vst v2;
	v0 =	vadd.f32 v0, v7  }
0x112: {  	[tilespmem:s25+$0x144E0] =	vst v1  }
0x113: {  	s13 =	simm.s32 $0x0;
	[tilespmem:s25+$0x144F0] =	vst v0;
	s25 =	simm.s32 $0x14400  }
0x114: {  	[hbm4b:s9+s13] =	stream.linear.scatter [tilespmem:s25], [sflag:$0x9], $0x4000, $0x38;
	[tilespmem:$0x1C400] =	vst v63  }
0x115: {  	_ =	swait.ge [sflag:s30], $0x4000  }
0x116: {  	[sflag:s30] =	ssyncset.done $0x0  }
0x117: {  	s25 =	simm.s32 $0x0;
	[sflag:s30] =	ssyncadd.s32 $0xFFFFC000  }
0x118: {  	v6 =	vld [tilespmem:s25+$0x400]  }
0x119: {  	v7 =	vld [tilespmem:s25+$0x410]  }
0x11a: {  	v8 =	vld [tilespmem:s25+$0x420]  }
0x11b: {  	v9 =	vld [tilespmem:s25+$0x430]  }
0x11c: {  	v10 =	vld [tilespmem:s25+$0x440]  }
0x11d: {  	v11 =	vld [tilespmem:s25+$0x450]  }
0x11e: {  	v12 =	vld [tilespmem:s25+$0x460]  }
0x11f: {  	v13 =	vld [tilespmem:s25+$0x470]  }
0x120: {  	v14 =	vld [tilespmem:s25+$0x480]  }
0x121: {  	v15 =	vld [tilespmem:s25+$0x490]  }
0x122: {  	v5 =	vld [tilespmem:s25+$0x4A0]  }
0x123: {  	v4 =	vld [tilespmem:s25+$0x4B0]  }
0x124: {  	v3 =	vld [tilespmem:s25+$0x4C0]  }
0x125: {  	v2 =	vld [tilespmem:s25+$0x4D0]  }
0x126: {  	v1 =	vld [tilespmem:s25+$0x4E0]  }
0x127: {  	v0 =	vld [tilespmem:s25+$0x4F0]  }
0x128: {  	v16 =	vld [tilespmem:s25+$0x18400]  }
0x129: {  	v17 =	vld [tilespmem:s25+$0x18410]  }
0x12a: {  	v18 =	vld [tilespmem:s25+$0x18420]  }
0x12b: {  	v19 =	vld [tilespmem:s25+$0x18430]  }
0x12c: {  	v20 =	vld [tilespmem:s25+$0x18440]  }
0x12d: {  	v60 =	vld [tilespmem:s25+$0x18450];
	v6 =	vadd.f32 v6, v16  }
0x12e: {  	v21 =	vld [tilespmem:s25+$0x18460];
	v7 =	vadd.f32 v7, v17  }
0x12f: {  	v61 =	vld [tilespmem:s25+$0x18470];
	[tilespmem:s25+$0x18400] =	vst v6;
	v6 =	vadd.f32 v8, v18  }
0x130: {  	v62 =	vld [tilespmem:s25+$0x18480];
	[tilespmem:s25+$0x18410] =	vst v7;
	v7 =	vadd.f32 v9, v19  }
0x131: {  	v63 =	vld [tilespmem:s25+$0x18490];
	[tilespmem:s25+$0x18420] =	vst v6;
	v6 =	vadd.f32 v10, v20  }
0x132: {  	v8 =	vadd.f32 v11, v60;
	[tilespmem:s25+$0x18430] =	vst v7;
	v7 =	vld [tilespmem:s25+$0x184A0]  }
0x133: {  	v9 =	vadd.f32 v12, v21;
	[tilespmem:s25+$0x18440] =	vst v6;
	v6 =	vld [tilespmem:s25+$0x184B0]  }
0x134: {  	[tilespmem:s25+$0x18450] =	vst v8;
	v8 =	vld [tilespmem:s25+$0x184C0];
	v10 =	vadd.f32 v13, v61  }
0x135: {  	v12 =	vadd.f32 v14, v62;
	[tilespmem:s25+$0x18460] =	vst v9;
	v9 =	vld [tilespmem:s25+$0x184D0]  }
0x136: {  	s28 =	simm.s32 $0x400;
	v11 =	vadd.f32 v15, v63;
	[tilespmem:s25+$0x18470] =	vst v10;
	v10 =	vld [tilespmem:s25+$0x184E0]  }
.LBB2_8:
0x137: {  	s13 =	sshra.s32 s28, $0x2;
	p0 =	sne.s32 s28, $0x7C00;
	[tilespmem:s25+$0x18480] =	vst v12;
	v5 =	vadd.f32 v5, v7;
	v7 =	vld [tilespmem:s25+$0x184F0]  }
0x138: {  	v12 =	vld [tilespmem:s13+$0x400];
	[tilespmem:s25+$0x18490] =	vst v11;
	v4 =	vadd.f32 v4, v6  }
0x139: {  	v6 =	vld [tilespmem:s13+$0x410];
	[tilespmem:s25+$0x184A0] =	vst v5;
	v3 =	vadd.f32 v3, v8  }
0x13a: {  	v8 =	vld [tilespmem:s13+$0x420];
	[tilespmem:s25+$0x184B0] =	vst v4;
	v2 =	vadd.f32 v2, v9  }
0x13b: {  	v9 =	vld [tilespmem:s13+$0x430];
	[tilespmem:s25+$0x184C0] =	vst v3;
	v1 =	vadd.f32 v1, v10  }
0x13c: {  	v10 =	vld [tilespmem:s13+$0x440];
	[tilespmem:s25+$0x184D0] =	vst v2;
	v0 =	vadd.f32 v0, v7  }
0x13d: {  	v7 =	vld [tilespmem:s13+$0x450];
	[tilespmem:s25+$0x184E0] =	vst v1  }
0x13e: {  	v11 =	vld [tilespmem:s13+$0x460];
	[tilespmem:s25+$0x184F0] =	vst v0;
	s25 =	smov.u32 s13  }
0x13f: {  	v13 =	vld [tilespmem:s25+$0x470]  }
0x140: {  	v14 =	vld [tilespmem:s25+$0x480]  }
0x141: {  	v15 =	vld [tilespmem:s25+$0x490]  }
0x142: {  	v5 =	vld [tilespmem:s25+$0x4A0]  }
0x143: {  	v4 =	vld [tilespmem:s25+$0x4B0]  }
0x144: {  	v3 =	vld [tilespmem:s25+$0x4C0]  }
0x145: {  	v2 =	vld [tilespmem:s25+$0x4D0]  }
0x146: {  	v1 =	vld [tilespmem:s25+$0x4E0]  }
0x147: {  	v0 =	vld [tilespmem:s25+$0x4F0]  }
0x148: {  	v16 =	vld [tilespmem:s25+$0x18400]  }
0x149: {  	v17 =	vld [tilespmem:s25+$0x18410]  }
0x14a: {  	v18 =	vld [tilespmem:s25+$0x18420]  }
0x14b: {  	v19 =	vld [tilespmem:s25+$0x18430]  }
0x14c: {  	v20 =	vld [tilespmem:s25+$0x18440]  }
0x14d: {  	v12 =	vadd.f32 v12, v16;
	v16 =	vld [tilespmem:s25+$0x18450]  }
0x14e: {  	v6 =	vadd.f32 v6, v17;
	v17 =	vld [tilespmem:s25+$0x18460]  }
0x14f: {  	[tilespmem:s25+$0x18400] =	vst v12;
	v8 =	vadd.f32 v8, v18;
	v12 =	vld [tilespmem:s25+$0x18470]  }
0x150: {  	[tilespmem:s25+$0x18410] =	vst v6;
	v6 =	vadd.f32 v9, v19;
	v9 =	vld [tilespmem:s25+$0x18480]  }
0x151: {  	[tilespmem:s25+$0x18420] =	vst v8;
	v8 =	vadd.f32 v10, v20;
	v10 =	vld [tilespmem:s25+$0x18490]  }
.Ltmp3:
0x152: {  	[tilespmem:s25+$0x18430] =	vst v6;
	v16 =	vadd.f32 v7, v16;
	v7 =	vld [tilespmem:s25+$0x184A0];
	(pc) =	sbr.rel @p0 .LBB2_8-.Ltmp3, $4  }
0x153: {  	[tilespmem:s25+$0x18440] =	vst v8;
	v11 =	vadd.f32 v11, v17;
	v6 =	vld [tilespmem:s25+$0x184B0]  }
0x154: {  	[tilespmem:s25+$0x18450] =	vst v16;
	v13 =	vadd.f32 v13, v12;
	v8 =	vld [tilespmem:s25+$0x184C0]  }
0x155: {  	[tilespmem:s25+$0x18460] =	vst v11;
	v12 =	vadd.f32 v14, v9;
	v9 =	vld [tilespmem:s25+$0x184D0]  }
0x156: {  	s28 =	sadd.s32 $0x400, s28;
	[tilespmem:s25+$0x18470] =	vst v13;
	v11 =	vadd.f32 v15, v10;
	v10 =	vld [tilespmem:s25+$0x184E0]  }
0x157: {  	[tilespmem:s25+$0x18480] =	vst v12;
	v5 =	vadd.f32 v5, v7;
	v7 =	vld [tilespmem:s25+$0x184F0]  }
0x158: {  	[tilespmem:s25+$0x18490] =	vst v11;
	v4 =	vadd.f32 v4, v6  }
0x159: {  	[tilespmem:s25+$0x184A0] =	vst v5;
	v3 =	vadd.f32 v3, v8  }
0x15a: {  	[tilespmem:s25+$0x184B0] =	vst v4;
	v2 =	vadd.f32 v2, v9  }
0x15b: {  	[tilespmem:s25+$0x184C0] =	vst v3;
	v1 =	vadd.f32 v1, v10  }
0x15c: {  	[tilespmem:s25+$0x184D0] =	vst v2;
	v0 =	vadd.f32 v0, v7  }
0x15d: {  	[tilespmem:s25+$0x184E0] =	vst v1  }
0x15e: {  	s13 =	simm.s32 $0x0;
	[tilespmem:s25+$0x184F0] =	vst v0;
	s25 =	simm.s32 $0x18400  }
0x15f: {  	[hbm4b:s10+s13] =	stream.linear.scatter [tilespmem:s25], [sflag:$0x9], $0x2000, $0x38;
	[tilespmem:$0x1C400] =	vst v63  }
0x160: {  	s25 =	simm.s32 $0x0  }
0x161: {  	v6 =	vld [tilespmem:s25+$0x2400]  }
0x162: {  	v7 =	vld [tilespmem:s25+$0x2410]  }
0x163: {  	v8 =	vld [tilespmem:s25+$0x2420]  }
0x164: {  	v9 =	vld [tilespmem:s25+$0x2430]  }
0x165: {  	v10 =	vld [tilespmem:s25+$0x2440]  }
0x166: {  	v11 =	vld [tilespmem:s25+$0x2450]  }
0x167: {  	v12 =	vld [tilespmem:s25+$0x2460]  }
0x168: {  	v13 =	vld [tilespmem:s25+$0x2470]  }
0x169: {  	v14 =	vld [tilespmem:s25+$0x2480]  }
0x16a: {  	v15 =	vld [tilespmem:s25+$0x2490]  }
0x16b: {  	v5 =	vld [tilespmem:s25+$0x24A0]  }
0x16c: {  	v4 =	vld [tilespmem:s25+$0x24B0]  }
0x16d: {  	v3 =	vld [tilespmem:s25+$0x24C0]  }
0x16e: {  	v2 =	vld [tilespmem:s25+$0x24D0]  }
0x16f: {  	v1 =	vld [tilespmem:s25+$0x24E0]  }
0x170: {  	v0 =	vld [tilespmem:s25+$0x24F0]  }
0x171: {  	v16 =	vld [tilespmem:s25+$0x1A400]  }
0x172: {  	v17 =	vld [tilespmem:s25+$0x1A410]  }
0x173: {  	v18 =	vld [tilespmem:s25+$0x1A420]  }
0x174: {  	v19 =	vld [tilespmem:s25+$0x1A430]  }
0x175: {  	v20 =	vld [tilespmem:s25+$0x1A440]  }
0x176: {  	v60 =	vld [tilespmem:s25+$0x1A450];
	v6 =	vadd.f32 v6, v16  }
0x177: {  	v21 =	vld [tilespmem:s25+$0x1A460];
	v7 =	vadd.f32 v7, v17  }
0x178: {  	v61 =	vld [tilespmem:s25+$0x1A470];
	[tilespmem:s25+$0x1A400] =	vst v6;
	v6 =	vadd.f32 v8, v18  }
0x179: {  	v62 =	vld [tilespmem:s25+$0x1A480];
	[tilespmem:s25+$0x1A410] =	vst v7;
	v7 =	vadd.f32 v9, v19  }
0x17a: {  	v63 =	vld [tilespmem:s25+$0x1A490];
	[tilespmem:s25+$0x1A420] =	vst v6;
	v6 =	vadd.f32 v10, v20  }
0x17b: {  	v8 =	vadd.f32 v11, v60;
	[tilespmem:s25+$0x1A430] =	vst v7;
	v7 =	vld [tilespmem:s25+$0x1A4A0]  }
0x17c: {  	v9 =	vadd.f32 v12, v21;
	[tilespmem:s25+$0x1A440] =	vst v6;
	v6 =	vld [tilespmem:s25+$0x1A4B0]  }
0x17d: {  	[tilespmem:s25+$0x1A450] =	vst v8;
	v8 =	vld [tilespmem:s25+$0x1A4C0];
	v10 =	vadd.f32 v13, v61  }
0x17e: {  	v12 =	vadd.f32 v14, v62;
	[tilespmem:s25+$0x1A460] =	vst v9;
	v9 =	vld [tilespmem:s25+$0x1A4D0]  }
0x17f: {  	s28 =	simm.s32 $0x400;
	v11 =	vadd.f32 v15, v63;
	[tilespmem:s25+$0x1A470] =	vst v10;
	v10 =	vld [tilespmem:s25+$0x1A4E0]  }
.LBB2_10:
0x180: {  	s13 =	sshra.s32 s28, $0x2;
	p0 =	sne.s32 s28, $0x7C00;
	[tilespmem:s25+$0x1A480] =	vst v12;
	v5 =	vadd.f32 v5, v7;
	v7 =	vld [tilespmem:s25+$0x1A4F0]  }
0x181: {  	v12 =	vld [tilespmem:s13+$0x2400];
	[tilespmem:s25+$0x1A490] =	vst v11;
	v4 =	vadd.f32 v4, v6  }
0x182: {  	v6 =	vld [tilespmem:s13+$0x2410];
	[tilespmem:s25+$0x1A4A0] =	vst v5;
	v3 =	vadd.f32 v3, v8  }
0x183: {  	v8 =	vld [tilespmem:s13+$0x2420];
	[tilespmem:s25+$0x1A4B0] =	vst v4;
	v2 =	vadd.f32 v2, v9  }
0x184: {  	v9 =	vld [tilespmem:s13+$0x2430];
	[tilespmem:s25+$0x1A4C0] =	vst v3;
	v1 =	vadd.f32 v1, v10  }
0x185: {  	v10 =	vld [tilespmem:s13+$0x2440];
	[tilespmem:s25+$0x1A4D0] =	vst v2;
	v0 =	vadd.f32 v0, v7  }
0x186: {  	v7 =	vld [tilespmem:s13+$0x2450];
	[tilespmem:s25+$0x1A4E0] =	vst v1  }
0x187: {  	v11 =	vld [tilespmem:s13+$0x2460];
	[tilespmem:s25+$0x1A4F0] =	vst v0;
	s25 =	smov.u32 s13  }
0x188: {  	v13 =	vld [tilespmem:s25+$0x2470]  }
0x189: {  	v14 =	vld [tilespmem:s25+$0x2480]  }
0x18a: {  	v15 =	vld [tilespmem:s25+$0x2490]  }
0x18b: {  	v5 =	vld [tilespmem:s25+$0x24A0]  }
0x18c: {  	v4 =	vld [tilespmem:s25+$0x24B0]  }
0x18d: {  	v3 =	vld [tilespmem:s25+$0x24C0]  }
0x18e: {  	v2 =	vld [tilespmem:s25+$0x24D0]  }
0x18f: {  	v1 =	vld [tilespmem:s25+$0x24E0]  }
0x190: {  	v0 =	vld [tilespmem:s25+$0x24F0]  }
0x191: {  	v16 =	vld [tilespmem:s25+$0x1A400]  }
0x192: {  	v17 =	vld [tilespmem:s25+$0x1A410]  }
0x193: {  	v18 =	vld [tilespmem:s25+$0x1A420]  }
0x194: {  	v19 =	vld [tilespmem:s25+$0x1A430]  }
0x195: {  	v20 =	vld [tilespmem:s25+$0x1A440]  }
0x196: {  	v12 =	vadd.f32 v12, v16;
	v16 =	vld [tilespmem:s25+$0x1A450]  }
0x197: {  	v6 =	vadd.f32 v6, v17;
	v17 =	vld [tilespmem:s25+$0x1A460]  }
0x198: {  	[tilespmem:s25+$0x1A400] =	vst v12;
	v8 =	vadd.f32 v8, v18;
	v12 =	vld [tilespmem:s25+$0x1A470]  }
0x199: {  	[tilespmem:s25+$0x1A410] =	vst v6;
	v6 =	vadd.f32 v9, v19;
	v9 =	vld [tilespmem:s25+$0x1A480]  }
0x19a: {  	[tilespmem:s25+$0x1A420] =	vst v8;
	v8 =	vadd.f32 v10, v20;
	v10 =	vld [tilespmem:s25+$0x1A490]  }
.Ltmp4:
0x19b: {  	[tilespmem:s25+$0x1A430] =	vst v6;
	v16 =	vadd.f32 v7, v16;
	v7 =	vld [tilespmem:s25+$0x1A4A0];
	(pc) =	sbr.rel @p0 .LBB2_10-.Ltmp4, $4  }
0x19c: {  	[tilespmem:s25+$0x1A440] =	vst v8;
	v11 =	vadd.f32 v11, v17;
	v6 =	vld [tilespmem:s25+$0x1A4B0]  }
0x19d: {  	[tilespmem:s25+$0x1A450] =	vst v16;
	v13 =	vadd.f32 v13, v12;
	v8 =	vld [tilespmem:s25+$0x1A4C0]  }
0x19e: {  	[tilespmem:s25+$0x1A460] =	vst v11;
	v12 =	vadd.f32 v14, v9;
	v9 =	vld [tilespmem:s25+$0x1A4D0]  }
0x19f: {  	s28 =	sadd.s32 $0x400, s28;
	[tilespmem:s25+$0x1A470] =	vst v13;
	v11 =	vadd.f32 v15, v10;
	v10 =	vld [tilespmem:s25+$0x1A4E0]  }
0x1a0: {  	[tilespmem:s25+$0x1A480] =	vst v12;
	v5 =	vadd.f32 v5, v7;
	v63 =	vld [tilespmem:s25+$0x1A4F0]  }
0x1a1: {  	[tilespmem:s25+$0x1A490] =	vst v11;
	v4 =	vadd.f32 v4, v6  }
0x1a2: {  	[tilespmem:s25+$0x1A4A0] =	vst v5;
	v3 =	vadd.f32 v3, v8  }
0x1a3: {  	[tilespmem:s25+$0x1A4B0] =	vst v4;
	v2 =	vadd.f32 v2, v9  }
0x1a4: {  	[tilespmem:s25+$0x1A4C0] =	vst v3;
	v1 =	vadd.f32 v1, v10  }
0x1a5: {  	[tilespmem:s25+$0x1A4D0] =	vst v2;
	v0 =	vadd.f32 v0, v63  }
0x1a6: {  	[tilespmem:s25+$0x1A4E0] =	vst v1  }
0x1a7: {  	s13 =	simm.s32 $0x1A400;
	[tilespmem:s25+$0x1A4F0] =	vst v0  }
0x1a8: {  	[hbm4b:s11+s4] =	stream.linear.scatter [tilespmem:s13], [sflag:$0x9], $0x2000, $0x38;
	[tilespmem:$0x1C400] =	vst v63  }
0x1a9: {  	_ =	swait.ge [sflag:s2], $0x4000  }
0x1aa: {  	[sflag:s2] =	ssyncset.done $0x0  }
0x1ab: {  	[sflag:s2] =	ssyncadd.s32 $0xFFFFC000  }
0x1ac: {  	_ =	swait.ge [sflag:s2], $0x4000  }
0x1ad: {  	[sflag:s2] =	ssyncset.done $0x0  }
0x1ae: {  	[sflag:s2] =	ssyncadd.s32 $0xFFFFC000  }
0x1af: {  	_ =	swait.ge [sflag:s2], $0x4000  }
0x1b0: {  	[sflag:s2] =	ssyncset.done $0x0  }
0x1b1: {  	s20 =	sadd.s32 $0x1, s20;
	[sflag:s2] =	ssyncadd.s32 $0xFFFFC000  }
0x1b2: {  	p0 =	sne.s32 s20, s12;
	_ =	swait.ge [sflag:s2], $0x2000  }
.Ltmp5:
0x1b3: {  	[sflag:s2] =	ssyncset.done $0x0;
	(pc) =	sbr.rel @p0 .LBB2_1-.Ltmp5, $4  }
0x1b4: {  	[sflag:s2] =	ssyncadd.s32 $0xFFFFE000  }
0x1b5: {  	_ =	swait.ge [sflag:s2], $0x2000  }
0x1b6: {  	[sflag:s2] =	ssyncset.done $0x0  }
0x1b7: {  	[sflag:s2] =	ssyncadd.s32 $0xFFFFE000  }
0x1b8: {  	_ =	sfence.sel $0x180000  }
0x1b9: {  	[bflag:$0x0] =	sbarrier.arrive $0xFFFF  }
0x1ba: {  	_ =	strace $0x90000047  }
0x1bb: {  	s0 =	stileid.u32;
	[bflag:$0x2] =	sbarrier.arrive $0xFFFF  }
0x1bc: {  	p0 =	sne.s32 s0, $0x0;
	s0 =	rddreg [dreg:$0x5]  }
0x1bd: {  	s0 =	sadd.s32 @!p0 $0x100000, s0  }
0x1be: {  	[sflag:s0] =	ssyncadd.tile.s32 @!p0 $0x1;
	_ =	shalt  }
.Lfunc_end2:
_tile_overlayer_lowered:
.L_overlay_start_2:
0x1bf: {  	(tag) =	ssettag $0x2  }
0x1c0: {  	s0 =	rddreg [dreg:$0x0];
	s2 =	stileid.u32  }
0x1c1: {  	s1 =	rddreg [dreg:$0x1];
	p0 =	sne.s32 s2, $0x0  }
0x1c2: {  	s3 =	rddreg [dreg:$0x2];
	[bflag:$0x3] =	sbarrier.arrive $0xFFFF;
	s2 =	simm.s32 @!p0 $0x1C0B  }
0x1c3: {  	[timem:s3], [sflag:s2] =	dma.local @!p0 [hbm:s0], s1  }
0x1c4: {  	s0 =	simm.s32 @!p0 $0xB  }
0x1c5: {  	_ =	swait.ge @!p0 [sflag:s0], s1  }
0x1c6: {  	s1 =	ssub.s32 @!p0 $0x0, s1;
	[sflag:s0] =	ssyncset.done @!p0 $0x0  }
0x1c7: {  	[sflag:s0] =	ssyncadd.s32 @!p0 s1  }
0x1c8: {  	[bflag:$0x3] =	sbarrier.arrive $0xFFFF  }
0x1c9: {  	_ =	shalt  }

</sc_bundles>
